<compile_context>
chip_gen: v7x
topology: tpu7x:2x2x1
jax: 0.10.2.dev20260603
libtpu: 0.0.44.dev20260713+nightly
codegen_flags: <defaults>
</compile_context>

<pallas_src>
import functools

import jax
import jax.numpy as jnp
from jax import lax
from jax.experimental import pallas as pl
from jax.experimental.pallas import tpu as pltpu
from jax.experimental.pallas import tpu_sc as plsc

B, T, C = 4, 2048, 1024
E = 8
TOPK = 2
N = B * T
FF = 4 * C
CAP = int(1.2 * (N // E + 1))
CAPP = 1280
SLOTS = E * CAPP
DUMP = SLOTS
TL_SIZE = SLOTS + 128

NC, NS = 2, 16
NW = NC * NS

RT = 512
NRT = N // RT


def _routing_body(x_ref, wrt_ref, brp_ref, meta_ref, cnt_ref, c0_ref, c1_ref):
    step = pl.program_id(0)

    @pl.when(step == 0)
    def _init():
        c0_ref[...] = jnp.zeros((1, 128), jnp.float32)
        c1_ref[...] = jnp.zeros((1, 128), jnp.float32)

    li = lax.broadcasted_iota(jnp.int32, (RT, 128), 1).astype(jnp.float32)
    logits = jnp.dot(x_ref[...], wrt_ref[...], preferred_element_type=jnp.float32)
    logits = logits + brp_ref[...]
    logits = jnp.where(li < E, logits, -1e30)
    m = jnp.max(logits, axis=1, keepdims=True)
    p = jnp.exp(logits - m)
    p = jnp.where(li < E, p, 0.0)
    p = p / jnp.sum(p, axis=1, keepdims=True)

    m0 = jnp.max(p, axis=1, keepdims=True)
    am0 = jnp.min(jnp.where(p == m0, li, 1e9), axis=1, keepdims=True)
    pm = jnp.where(li == am0, -1.0, p)
    m1 = jnp.max(pm, axis=1, keepdims=True)
    am1 = jnp.min(jnp.where(pm == m1, li, 1e9), axis=1, keepdims=True)

    s = m0 + m1 + 1e-9
    w0 = m0 / s
    w1 = m1 / s
    v0 = jnp.where(w0 > 1e-9, 1.0, 0.0)
    v1 = jnp.where(w1 > 1e-9, 1.0, 0.0)

    oh0 = jnp.where(li == am0, 1.0, 0.0) * v0
    oh1 = jnp.where(li == am1, 1.0, 0.0) * v1

    ri = lax.broadcasted_iota(jnp.int32, (RT, RT), 0)
    ci = lax.broadcasted_iota(jnp.int32, (RT, RT), 1)
    ltri = jnp.where(ci < ri, 1.0, 0.0)
    excl0 = jnp.dot(ltri, oh0, preferred_element_type=jnp.float32)
    excl1 = jnp.dot(ltri, oh1, preferred_element_type=jnp.float32)

    r0 = jnp.sum(oh0 * (excl0 + c0_ref[...]), axis=1, keepdims=True)
    r1 = jnp.sum(oh1 * (excl1 + c1_ref[...]), axis=1, keepdims=True)
    c0_ref[...] = c0_ref[...] + jnp.sum(oh0, axis=0, keepdims=True)
    c1_ref[...] = c1_ref[...] + jnp.sum(oh1, axis=0, keepdims=True)

    meta = (
        jnp.where(li == 0, am0, 0.0)
        + jnp.where(li == 1, am1, 0.0)
        + jnp.where(li == 2, w0, 0.0)
        + jnp.where(li == 3, w1, 0.0)
        + jnp.where(li == 4, r0, 0.0)
        + jnp.where(li == 5, r1, 0.0)
        + jnp.where(li == 6, v0, 0.0)
        + jnp.where(li == 7, v1, 0.0)
    )
    meta_ref[...] = meta
    cnt_ref[...] = jnp.broadcast_to(c0_ref[...], (8, 128))


def _routing(xf, wrt, brp, interpret=False):
    return pl.pallas_call(
        _routing_body,
        grid=(NRT,),
        in_specs=[
            pl.BlockSpec((RT, C), lambda i: (i, 0)),
            pl.BlockSpec((C, 128), lambda i: (0, 0)),
            pl.BlockSpec((1, 128), lambda i: (0, 0)),
        ],
        out_specs=[
            pl.BlockSpec((RT, 128), lambda i: (i, 0)),
            pl.BlockSpec((8, 128), lambda i: (0, 0)),
        ],
        out_shape=[
            jax.ShapeDtypeStruct((N, 128), jnp.float32),
            jax.ShapeDtypeStruct((8, 128), jnp.float32),
        ],
        scratch_shapes=[
            pltpu.VMEM((1, 128), jnp.float32),
            pltpu.VMEM((1, 128), jnp.float32),
        ],
        compiler_params=pltpu.CompilerParams(
            dimension_semantics=("arbitrary",)),
        interpret=interpret,
    )(xf, wrt, brp)


def _finalize_body(meta_ref, cnt_ref, aux_ref):
    li = lax.broadcasted_iota(jnp.int32, (RT, 128), 1).astype(jnp.float32)
    mb = meta_ref[...]
    e0 = mb[:, 0:1]
    e1 = mb[:, 1:2]
    w0 = mb[:, 2:3]
    w1 = mb[:, 3:4]
    r0 = mb[:, 4:5]
    r1 = mb[:, 5:6]
    v0 = mb[:, 6:7]
    v1 = mb[:, 7:8]

    used0_row = jnp.minimum(float(CAP), cnt_ref[0:1, :])
    oh1 = jnp.where(li == e1, 1.0, 0.0)
    used0_e1 = jnp.sum(oh1 * used0_row, axis=1, keepdims=True)

    p0 = r0
    keep0 = (v0 > 0.0) & (p0 < CAP)
    p1 = used0_e1 + r1
    keep1 = (v1 > 0.0) & (p1 < CAP)

    slot0 = e0 * CAPP + p0
    slot1 = e1 * CAPP + p1
    ss0 = jnp.where(keep0, slot0, float(DUMP))
    ss1 = jnp.where(keep1, slot1, float(DUMP))
    sg0 = jnp.where(keep0, slot0, 0.0)
    sg1 = jnp.where(keep1, slot1, 0.0)
    g0 = jnp.where(keep0, w0, 0.0)
    g1 = jnp.where(keep1, w1, 0.0)
    sw = g0 + g1

    aux = (
        jnp.where(li == 0, ss0, 0.0)
        + jnp.where(li == 1, ss1, 0.0)
        + jnp.where(li == 2, sg0, 0.0)
        + jnp.where(li == 3, sg1, 0.0)
        + jnp.where(li == 4, g0, 0.0)
        + jnp.where(li == 5, g1, 0.0)
        + jnp.where(li == 6, sw, 0.0)
    )
    aux_ref[...] = aux


def _finalize(meta, cnt, interpret=False):
    return pl.pallas_call(
        _finalize_body,
        grid=(NRT,),
        in_specs=[
            pl.BlockSpec((RT, 128), lambda i: (i, 0)),
            pl.BlockSpec((8, 128), lambda i: (0, 0)),
        ],
        out_specs=pl.BlockSpec((RT, 128), lambda i: (i, 0)),
        out_shape=jax.ShapeDtypeStruct((N, 128), jnp.float32),
        interpret=interpret,
    )(meta, cnt)



def _sc_wid():
    return lax.axis_index("s") * NC + lax.axis_index("c")


def _scatter_tl(ss0, ss1):
    mesh = plsc.VectorSubcoreMesh(core_axis_name="c", subcore_axis_name="s")

    @functools.partial(
        pl.kernel,
        mesh=mesh,
        out_type=jax.ShapeDtypeStruct((TL_SIZE,), jnp.int32),
        scratch_types=[
            pltpu.VMEM((TL_SIZE,), jnp.int32),
            pltpu.VMEM((N,), jnp.int32),
            pltpu.VMEM((N,), jnp.int32),
        ],
        compiler_params=pltpu.CompilerParams(needs_layout_passes=False),
    )
    def k(ss0_hbm, ss1_hbm, tl_hbm, tl_v, s0_v, s1_v):
        wid = _sc_wid()

        @pl.when(wid == 0)
        def _work():
            pltpu.sync_copy(ss0_hbm, s0_v)
            pltpu.sync_copy(ss1_hbm, s1_v)
            zeros16 = jnp.zeros((16,), jnp.int32)

            def _memset(i, carry):
                tl_v[pl.ds(i * 16, 16)] = zeros16
                return carry

            lax.fori_loop(0, TL_SIZE // 16, _memset, 0)
            lane = lax.iota(jnp.int32, 16)

            def _scat0(i, carry):
                idx = s0_v[pl.ds(i * 16, 16)]
                plsc.store_scatter(tl_v, [idx], lane + i * 16)
                return carry

            def _scat1(i, carry):
                idx = s1_v[pl.ds(i * 16, 16)]
                plsc.store_scatter(tl_v, [idx], lane + i * 16)
                return carry

            lax.fori_loop(0, N // 16, _scat0, 0)
            lax.fori_loop(0, N // 16, _scat1, 0)
            pltpu.sync_copy(tl_v, tl_hbm)

    return k(ss0, ss1)


def _sc_gather(table, idx, rows_per_worker, chunk=64):
    nchunk = rows_per_worker // chunk
    d = table.shape[1]
    total = idx.shape[0]
    mesh = plsc.VectorSubcoreMesh(core_axis_name="c", subcore_axis_name="s")

    @functools.partial(
        pl.kernel,
        mesh=mesh,
        out_type=jax.ShapeDtypeStruct((total, d), jnp.float32),
        scratch_types=[
            pltpu.VMEM((rows_per_worker,), jnp.int32),
            pltpu.VMEM((chunk, d), jnp.float32),
            pltpu.SemaphoreType.DMA,
        ],
        compiler_params=pltpu.CompilerParams(needs_layout_passes=False),
    )
    def k(table_hbm, idx_hbm, out_hbm, idx_v, rows_v, sem):
        wid = _sc_wid()
        base = wid * rows_per_worker
        pltpu.sync_copy(idx_hbm.at[pl.ds(base, rows_per_worker)], idx_v)
        for c in range(nchunk):
            pltpu.async_copy(
                table_hbm.at[idx_v.at[pl.ds(c * chunk, chunk)]], rows_v, sem
            ).wait()
            pltpu.sync_copy(rows_v, out_hbm.at[pl.ds(base + c * chunk, chunk)])

    return k(table, idx)



BF = 512
NKF = FF // BF


def _ffn_body(xg_ref, w1_ref, b1_ref, w2_ref, b2_ref, ls_ref, f_ref):
    kstep = pl.program_id(1)

    @pl.when(kstep == 0)
    def _z():
        f_ref[...] = jnp.zeros_like(f_ref)

    h = jax.lax.dot_general(
        xg_ref[...], w1_ref[0],
        (((1,), (1,)), ((), ())), preferred_element_type=jnp.float32)
    h = h + b1_ref[0]
    h = 0.5 * h * (1.0 + lax.erf(h * 0.7071067811865476))
    y = jax.lax.dot_general(
        h, w2_ref[0],
        (((1,), (1,)), ((), ())), preferred_element_type=jnp.float32)
    f_ref[...] += y

    @pl.when(kstep == NKF - 1)
    def _fin():
        f_ref[...] = (f_ref[...] + b2_ref[0]) * ls_ref[0]


def _ffn(xg, w1, b1r, w2, b2r, lsr, interpret=False):
    return pl.pallas_call(
        _ffn_body,
        grid=(E, NKF),
        in_specs=[
            pl.BlockSpec((CAPP, C), lambda e, k: (e, 0)),
            pl.BlockSpec((1, BF, C), lambda e, k: (e, k, 0)),
            pl.BlockSpec((1, 1, BF), lambda e, k: (e, 0, k)),
            pl.BlockSpec((1, C, BF), lambda e, k: (e, 0, k)),
            pl.BlockSpec((1, 1, C), lambda e, k: (e, 0, 0)),
            pl.BlockSpec((1, 1, C), lambda e, k: (e, 0, 0)),
        ],
        out_specs=pl.BlockSpec((CAPP, C), lambda e, k: (e, 0)),
        out_shape=jax.ShapeDtypeStruct((SLOTS, C), jnp.float32),
        compiler_params=pltpu.CompilerParams(
            dimension_semantics=("arbitrary", "arbitrary")),
        interpret=interpret,
    )(xg, w1, b1r, w2, b2r, lsr)


def _combine_body(x_ref, y0_ref, y1_ref, aux_ref, o_ref):
    a = aux_ref[...]
    g0 = a[:, 4:5]
    g1 = a[:, 5:6]
    sw = a[:, 6:7]
    o_ref[...] = sw * x_ref[...] + g0 * y0_ref[...] + g1 * y1_ref[...]


def _combine(xf, y0, y1, aux, interpret=False):
    return pl.pallas_call(
        _combine_body,
        grid=(NRT,),
        in_specs=[
            pl.BlockSpec((RT, C), lambda i: (i, 0)),
            pl.BlockSpec((RT, C), lambda i: (i, 0)),
            pl.BlockSpec((RT, C), lambda i: (i, 0)),
            pl.BlockSpec((RT, 128), lambda i: (i, 0)),
        ],
        out_specs=pl.BlockSpec((RT, C), lambda i: (i, 0)),
        out_shape=jax.ShapeDtypeStruct((N, C), jnp.float32),
        interpret=interpret,
    )(xf, y0, y1, aux)


def kernel(x, Wr, br, W1, b1, W2, b2, layer_scale):
    xf = x.reshape(N, C)
    wrt = jnp.zeros((C, 128), jnp.float32).at[:, :E].set(Wr.T)
    brp = jnp.zeros((1, 128), jnp.float32).at[0, :E].set(br)

    meta, cnt = _routing(xf, wrt, brp)
    aux = _finalize(meta, cnt)

    ss0 = aux[:, 0].astype(jnp.int32)
    ss1 = aux[:, 1].astype(jnp.int32)
    sg0 = aux[:, 2].astype(jnp.int32)
    sg1 = aux[:, 3].astype(jnp.int32)

    tl = _scatter_tl(ss0, ss1)

    xg = _sc_gather(xf, tl[:SLOTS], SLOTS // NW)

    f = _ffn(xg, W1, b1.reshape(E, 1, FF), W2, b2.reshape(E, 1, C),
             layer_scale.reshape(E, 1, C))

    y0 = _sc_gather(f, sg0, N // NW)
    y1 = _sc_gather(f, sg1, N // NW)

    out = _combine(xf, y0, y1, aux)
    return out.reshape(B, T, C)

# --- scband reference (transcript-rebuilt; emitter-appended) ---
"""Pipeline reference for scband-memory-efficient-mo-e-29884382446041 (READ-ONLY COPY).

The authoritative reference and input builder live on the scoring server;
editing this copy changes nothing except your own understanding.
"""

import jax, jax.numpy as jnp
import numpy as np

B, T, C = 4, 2048, 1024
E = 8
TOP_K = 2
CAP_F = 1.2
FF = 4 * C


def setup_inputs(seed: int = 0) -> dict:
    key = jax.random.key(seed)
    ks = jax.random.split(key, 8)
    x = jax.random.normal(ks[0], (B, T, C), dtype=jnp.float32)
    Wr = jax.random.normal(ks[1], (E, C), dtype=jnp.float32) * 0.02
    br = jnp.zeros((E,), dtype=jnp.float32)
    W1 = jax.random.normal(ks[2], (E, FF, C), dtype=jnp.float32) * 0.02
    b1 = jnp.zeros((E, FF), dtype=jnp.float32)
    W2 = jax.random.normal(ks[3], (E, C, FF), dtype=jnp.float32) * 0.02
    b2 = jnp.zeros((E, C), dtype=jnp.float32)
    layer_scale = jnp.ones((E, C), dtype=jnp.float32) * 0.1
    return {"x": x, "Wr": Wr, "br": br, "W1": W1, "b1": b1, "W2": W2, "b2": b2, "layer_scale": layer_scale}


def reference(x, Wr, br, W1, b1, W2, b2, layer_scale):
    Bq, Tq, Cq = x.shape
    N = Bq * Tq
    xf = x.reshape(N, Cq)
    # router
    router_logits = xf @ Wr.T + br
    router_probs = jax.nn.softmax(router_logits, axis=-1)
    top_vals, top_inds = jax.lax.top_k(router_probs, TOP_K)
    top_vals = top_vals / (top_vals.sum(axis=-1, keepdims=True) + 1e-9)
    capacity = int(CAP_F * (N // E + 1))
    # dispatch with capacity limiting (faithful to sequential slot filling:
    # k-slot 0 first, then k-slot 1; within a slot, tokens in index order)
    weight = jnp.zeros((N, E), dtype=x.dtype)
    used = jnp.zeros((E,), dtype=jnp.int32)
    for ik in range(TOP_K):
        w = top_vals[:, ik]
        e = top_inds[:, ik]
        valid = w > 1e-9
        onehot = jnp.where(valid[:, None], jax.nn.one_hot(e, E, dtype=jnp.int32), 0)
        rank = jnp.cumsum(onehot, axis=0) - onehot  # tokens of this expert before this one
        keep = (onehot > 0) & ((used[None, :] + rank) < capacity)
        weight = weight + keep.astype(x.dtype) * w[:, None]
        count = onehot.sum(axis=0)
        used = jnp.minimum(capacity, used + count)
    # expert computation (eval mode: dropout is identity)
    out = jnp.zeros((N, Cq), dtype=x.dtype)
    for eid in range(E):
        h = xf @ W1[eid].T + b1[eid]
        h = jax.nn.gelu(h, approximate=False)
        y = h @ W2[eid].T + b2[eid]
        y = y * layer_scale[eid][None, :]
        y = xf + y  # residual inside expert block
        out = out + weight[:, eid:eid + 1] * y
    return out.reshape(Bq, Tq, Cq)

if __name__ == "__main__":
    import jax
    _d = setup_inputs()
    print(jax.jit(kernel)(*tuple(_d.values())))

</pallas_src>

<mosaic_0001>
#map = affine_map<(d0, d1) -> (0, 0)>
#map1 = affine_map<(d0, d1) -> (0)>
module attributes {stable_mosaic.version = 14 : i64} {
  func.func @k(%arg0: i32, %arg1: i32, %arg2: memref<8192x1024xf32, #tpu.memory_space<hbm>>, %arg3: memref<10240xi32, #tpu.memory_space<hbm>>, %arg4: memref<10240x1024xf32, #tpu.memory_space<hbm>>, %arg5: memref<320xi32, #tpu.memory_space<vmem>>, %arg6: memref<64x1024xf32, #tpu.memory_space<vmem>>, %arg7: memref<!tpu.dma_semaphore, #tpu.memory_space<semaphore_mem>>) attributes {dimension_semantics = [#tpu.dimension_semantics<core_parallel>, #tpu.dimension_semantics<subcore_parallel>], iteration_bounds = array<i64: 2, 16>, scalar_prefetch = 0 : i64, scratch_operands = 3 : i64, tpu.core_type = #tpu.core_type<sc_vector_subcore>, window_params = [{transform_indices = #map}, {transform_indices = #map1}, {transform_indices = #map}]} {
    %mul3A = arith.constant 2 : i32
    %mul3A_0 = arith.muli %arg1, %mul3A : i32
    %add3A = arith.addi %mul3A_0, %arg0 : i32
    %mul3A_1 = arith.constant 320 : i32
    %mul3A_2 = arith.muli %add3A, %mul3A_1 : i32
    "tpu.region"() ({
      %run_scoped3A = tpu.sem_alloc : memref<!tpu.dma_semaphore, #tpu.memory_space<semaphore_mem>>
      %dma_start3A_61 = tpu.memref_slice %arg3[%mul3A_2] : memref<10240xi32, #tpu.memory_space<hbm>> -> memref<320xi32, #tpu.memory_space<hbm>>
      %dma_start3A_62 = tpu.memref_slice %arg3[%mul3A_2] : memref<10240xi32, #tpu.memory_space<hbm>> -> memref<320xi32, #tpu.memory_space<hbm>>
      tpu.enqueue_dma source(%dma_start3A_62 : memref<320xi32, #tpu.memory_space<hbm>>) target(%arg5 : memref<320xi32, #tpu.memory_space<vmem>>) target_semaphore(%run_scoped3A : memref<!tpu.dma_semaphore, #tpu.memory_space<semaphore_mem>>)
      %dma_wait3A_63 = tpu.memref_slice %arg3[%mul3A_2] : memref<10240xi32, #tpu.memory_space<hbm>> -> memref<320xi32, #tpu.memory_space<hbm>>
      %dma_wait3A_64 = tpu.memref_slice %arg3[%mul3A_2] : memref<10240xi32, #tpu.memory_space<hbm>> -> memref<320xi32, #tpu.memory_space<hbm>>
      tpu.wait_dma2 semaphore(%run_scoped3A : memref<!tpu.dma_semaphore, #tpu.memory_space<semaphore_mem>>) src(%dma_wait3A_64 : memref<320xi32, #tpu.memory_space<hbm>>) dst(%arg5 : memref<320xi32, #tpu.memory_space<vmem>>)
      tpu.yield
    }) : () -> ()
    %dma_start3A = arith.constant 0 : i32
    %dma_start3A_3 = tpu.memref_slice %arg5[%dma_start3A] : memref<320xi32, #tpu.memory_space<vmem>> -> memref<64xi32, #tpu.memory_space<vmem>>
    %dma_start3A_4 = arith.constant 0 : i32
    %dma_start3A_5 = arith.constant 0 : i32
    %dma_start3A_6 = tpu.memref_slice %arg2[%dma_start3A_4, %dma_start3A_5] : memref<8192x1024xf32, #tpu.memory_space<hbm>> -> memref<8192x1024xf32, #tpu.memory_space<hbm>>
    tpu.enqueue_indirect_dma source(%dma_start3A_6 : memref<8192x1024xf32, #tpu.memory_space<hbm>>) target(%arg6 : memref<64x1024xf32, #tpu.memory_space<vmem>>) offsets(%dma_start3A_3 : memref<64xi32, #tpu.memory_space<vmem>>) semaphore(%arg7 : memref<!tpu.dma_semaphore, #tpu.memory_space<semaphore_mem>>)
    %dma_wait3A = arith.constant 0 : i32
    %dma_wait3A_7 = tpu.memref_slice %arg5[%dma_wait3A] : memref<320xi32, #tpu.memory_space<vmem>> -> memref<64xi32, #tpu.memory_space<vmem>>
    %dma_wait3A_8 = arith.constant 0 : i32
    %dma_wait3A_9 = arith.constant 0 : i32
    %dma_wait3A_10 = tpu.memref_slice %arg2[%dma_wait3A_8, %dma_wait3A_9] : memref<8192x1024xf32, #tpu.memory_space<hbm>> -> memref<8192x1024xf32, #tpu.memory_space<hbm>>
    tpu.wait_indirect_dma semaphore(%arg7 : memref<!tpu.dma_semaphore, #tpu.memory_space<semaphore_mem>>) src(%dma_wait3A_10 : memref<8192x1024xf32, #tpu.memory_space<hbm>>) dst(%arg6 : memref<64x1024xf32, #tpu.memory_space<vmem>>)
    %add3A_11 = arith.constant 0 : i32
    %add3A_12 = arith.addi %mul3A_2, %add3A_11 : i32
    "tpu.region"() ({
      %run_scoped3A = tpu.sem_alloc : memref<!tpu.dma_semaphore, #tpu.memory_space<semaphore_mem>>
      %dma_start3A_61 = arith.constant 0 : i32
      %dma_start3A_62 = tpu.memref_slice %arg4[%add3A_12, %dma_start3A_61] : memref<10240x1024xf32, #tpu.memory_space<hbm>> -> memref<64x1024xf32, #tpu.memory_space<hbm>>
      %dma_start3A_63 = arith.constant 0 : i32
      %dma_start3A_64 = tpu.memref_slice %arg4[%add3A_12, %dma_start3A_63] : memref<10240x1024xf32, #tpu.memory_space<hbm>> -> memref<64x1024xf32, #tpu.memory_space<hbm>>
      tpu.enqueue_dma source(%arg6 : memref<64x1024xf32, #tpu.memory_space<vmem>>) target(%dma_start3A_64 : memref<64x1024xf32, #tpu.memory_space<hbm>>) target_semaphore(%run_scoped3A : memref<!tpu.dma_semaphore, #tpu.memory_space<semaphore_mem>>)
      %dma_wait3A_65 = arith.constant 0 : i32
      %dma_wait3A_66 = tpu.memref_slice %arg4[%add3A_12, %dma_wait3A_65] : memref<10240x1024xf32, #tpu.memory_space<hbm>> -> memref<64x1024xf32, #tpu.memory_space<hbm>>
      %dma_wait3A_67 = arith.constant 0 : i32
      %dma_wait3A_68 = tpu.memref_slice %arg4[%add3A_12, %dma_wait3A_67] : memref<10240x1024xf32, #tpu.memory_space<hbm>> -> memref<64x1024xf32, #tpu.memory_space<hbm>>
      tpu.wait_dma2 semaphore(%run_scoped3A : memref<!tpu.dma_semaphore, #tpu.memory_space<semaphore_mem>>) src(%arg6 : memref<64x1024xf32, #tpu.memory_space<vmem>>) dst(%dma_wait3A_68 : memref<64x1024xf32, #tpu.memory_space<hbm>>)
      tpu.yield
    }) : () -> ()
    %dma_start3A_13 = arith.constant 64 : i32
    %dma_start3A_14 = tpu.memref_slice %arg5[%dma_start3A_13] : memref<320xi32, #tpu.memory_space<vmem>> -> memref<64xi32, #tpu.memory_space<vmem>>
    %dma_start3A_15 = arith.constant 0 : i32
    %dma_start3A_16 = arith.constant 0 : i32
    %dma_start3A_17 = tpu.memref_slice %arg2[%dma_start3A_15, %dma_start3A_16] : memref<8192x1024xf32, #tpu.memory_space<hbm>> -> memref<8192x1024xf32, #tpu.memory_space<hbm>>
    tpu.enqueue_indirect_dma source(%dma_start3A_17 : memref<8192x1024xf32, #tpu.memory_space<hbm>>) target(%arg6 : memref<64x1024xf32, #tpu.memory_space<vmem>>) offsets(%dma_start3A_14 : memref<64xi32, #tpu.memory_space<vmem>>) semaphore(%arg7 : memref<!tpu.dma_semaphore, #tpu.memory_space<semaphore_mem>>)
    %dma_wait3A_18 = arith.constant 64 : i32
    %dma_wait3A_19 = tpu.memref_slice %arg5[%dma_wait3A_18] : memref<320xi32, #tpu.memory_space<vmem>> -> memref<64xi32, #tpu.memory_space<vmem>>
    %dma_wait3A_20 = arith.constant 0 : i32
    %dma_wait3A_21 = arith.constant 0 : i32
    %dma_wait3A_22 = tpu.memref_slice %arg2[%dma_wait3A_20, %dma_wait3A_21] : memref<8192x1024xf32, #tpu.memory_space<hbm>> -> memref<8192x1024xf32, #tpu.memory_space<hbm>>
    tpu.wait_indirect_dma semaphore(%arg7 : memref<!tpu.dma_semaphore, #tpu.memory_space<semaphore_mem>>) src(%dma_wait3A_22 : memref<8192x1024xf32, #tpu.memory_space<hbm>>) dst(%arg6 : memref<64x1024xf32, #tpu.memory_space<vmem>>)
    %add3A_23 = arith.constant 64 : i32
    %add3A_24 = arith.addi %mul3A_2, %add3A_23 : i32
    "tpu.region"() ({
      %run_scoped3A = tpu.sem_alloc : memref<!tpu.dma_semaphore, #tpu.memory_space<semaphore_mem>>
      %dma_start3A_61 = arith.constant 0 : i32
      %dma_start3A_62 = tpu.memref_slice %arg4[%add3A_24, %dma_start3A_61] : memref<10240x1024xf32, #tpu.memory_space<hbm>> -> memref<64x1024xf32, #tpu.memory_space<hbm>>
      %dma_start3A_63 = arith.constant 0 : i32
      %dma_start3A_64 = tpu.memref_slice %arg4[%add3A_24, %dma_start3A_63] : memref<10240x1024xf32, #tpu.memory_space<hbm>> -> memref<64x1024xf32, #tpu.memory_space<hbm>>
      tpu.enqueue_dma source(%arg6 : memref<64x1024xf32, #tpu.memory_space<vmem>>) target(%dma_start3A_64 : memref<64x1024xf32, #tpu.memory_space<hbm>>) target_semaphore(%run_scoped3A : memref<!tpu.dma_semaphore, #tpu.memory_space<semaphore_mem>>)
      %dma_wait3A_65 = arith.constant 0 : i32
      %dma_wait3A_66 = tpu.memref_slice %arg4[%add3A_24, %dma_wait3A_65] : memref<10240x1024xf32, #tpu.memory_space<hbm>> -> memref<64x1024xf32, #tpu.memory_space<hbm>>
      %dma_wait3A_67 = arith.constant 0 : i32
      %dma_wait3A_68 = tpu.memref_slice %arg4[%add3A_24, %dma_wait3A_67] : memref<10240x1024xf32, #tpu.memory_space<hbm>> -> memref<64x1024xf32, #tpu.memory_space<hbm>>
      tpu.wait_dma2 semaphore(%run_scoped3A : memref<!tpu.dma_semaphore, #tpu.memory_space<semaphore_mem>>) src(%arg6 : memref<64x1024xf32, #tpu.memory_space<vmem>>) dst(%dma_wait3A_68 : memref<64x1024xf32, #tpu.memory_space<hbm>>)
      tpu.yield
    }) : () -> ()
    %dma_start3A_25 = arith.constant 128 : i32
    %dma_start3A_26 = tpu.memref_slice %arg5[%dma_start3A_25] : memref<320xi32, #tpu.memory_space<vmem>> -> memref<64xi32, #tpu.memory_space<vmem>>
    %dma_start3A_27 = arith.constant 0 : i32
    %dma_start3A_28 = arith.constant 0 : i32
    %dma_start3A_29 = tpu.memref_slice %arg2[%dma_start3A_27, %dma_start3A_28] : memref<8192x1024xf32, #tpu.memory_space<hbm>> -> memref<8192x1024xf32, #tpu.memory_space<hbm>>
    tpu.enqueue_indirect_dma source(%dma_start3A_29 : memref<8192x1024xf32, #tpu.memory_space<hbm>>) target(%arg6 : memref<64x1024xf32, #tpu.memory_space<vmem>>) offsets(%dma_start3A_26 : memref<64xi32, #tpu.memory_space<vmem>>) semaphore(%arg7 : memref<!tpu.dma_semaphore, #tpu.memory_space<semaphore_mem>>)
    %dma_wait3A_30 = arith.constant 128 : i32
    %dma_wait3A_31 = tpu.memref_slice %arg5[%dma_wait3A_30] : memref<320xi32, #tpu.memory_space<vmem>> -> memref<64xi32, #tpu.memory_space<vmem>>
    %dma_wait3A_32 = arith.constant 0 : i32
    %dma_wait3A_33 = arith.constant 0 : i32
    %dma_wait3A_34 = tpu.memref_slice %arg2[%dma_wait3A_32, %dma_wait3A_33] : memref<8192x1024xf32, #tpu.memory_space<hbm>> -> memref<8192x1024xf32, #tpu.memory_space<hbm>>
    tpu.wait_indirect_dma semaphore(%arg7 : memref<!tpu.dma_semaphore, #tpu.memory_space<semaphore_mem>>) src(%dma_wait3A_34 : memref<8192x1024xf32, #tpu.memory_space<hbm>>) dst(%arg6 : memref<64x1024xf32, #tpu.memory_space<vmem>>)
    %add3A_35 = arith.constant 128 : i32
    %add3A_36 = arith.addi %mul3A_2, %add3A_35 : i32
    "tpu.region"() ({
      %run_scoped3A = tpu.sem_alloc : memref<!tpu.dma_semaphore, #tpu.memory_space<semaphore_mem>>
      %dma_start3A_61 = arith.constant 0 : i32
      %dma_start3A_62 = tpu.memref_slice %arg4[%add3A_36, %dma_start3A_61] : memref<10240x1024xf32, #tpu.memory_space<hbm>> -> memref<64x1024xf32, #tpu.memory_space<hbm>>
      %dma_start3A_63 = arith.constant 0 : i32
      %dma_start3A_64 = tpu.memref_slice %arg4[%add3A_36, %dma_start3A_63] : memref<10240x1024xf32, #tpu.memory_space<hbm>> -> memref<64x1024xf32, #tpu.memory_space<hbm>>
      tpu.enqueue_dma source(%arg6 : memref<64x1024xf32, #tpu.memory_space<vmem>>) target(%dma_start3A_64 : memref<64x1024xf32, #tpu.memory_space<hbm>>) target_semaphore(%run_scoped3A : memref<!tpu.dma_semaphore, #tpu.memory_space<semaphore_mem>>)
      %dma_wait3A_65 = arith.constant 0 : i32
      %dma_wait3A_66 = tpu.memref_slice %arg4[%add3A_36, %dma_wait3A_65] : memref<10240x1024xf32, #tpu.memory_space<hbm>> -> memref<64x1024xf32, #tpu.memory_space<hbm>>
      %dma_wait3A_67 = arith.constant 0 : i32
      %dma_wait3A_68 = tpu.memref_slice %arg4[%add3A_36, %dma_wait3A_67] : memref<10240x1024xf32, #tpu.memory_space<hbm>> -> memref<64x1024xf32, #tpu.memory_space<hbm>>
      tpu.wait_dma2 semaphore(%run_scoped3A : memref<!tpu.dma_semaphore, #tpu.memory_space<semaphore_mem>>) src(%arg6 : memref<64x1024xf32, #tpu.memory_space<vmem>>) dst(%dma_wait3A_68 : memref<64x1024xf32, #tpu.memory_space<hbm>>)
      tpu.yield
    }) : () -> ()
    %dma_start3A_37 = arith.constant 192 : i32
    %dma_start3A_38 = tpu.memref_slice %arg5[%dma_start3A_37] : memref<320xi32, #tpu.memory_space<vmem>> -> memref<64xi32, #tpu.memory_space<vmem>>
    %dma_start3A_39 = arith.constant 0 : i32
    %dma_start3A_40 = arith.constant 0 : i32
    %dma_start3A_41 = tpu.memref_slice %arg2[%dma_start3A_39, %dma_start3A_40] : memref<8192x1024xf32, #tpu.memory_space<hbm>> -> memref<8192x1024xf32, #tpu.memory_space<hbm>>
    tpu.enqueue_indirect_dma source(%dma_start3A_41 : memref<8192x1024xf32, #tpu.memory_space<hbm>>) target(%arg6 : memref<64x1024xf32, #tpu.memory_space<vmem>>) offsets(%dma_start3A_38 : memref<64xi32, #tpu.memory_space<vmem>>) semaphore(%arg7 : memref<!tpu.dma_semaphore, #tpu.memory_space<semaphore_mem>>)
    %dma_wait3A_42 = arith.constant 192 : i32
    %dma_wait3A_43 = tpu.memref_slice %arg5[%dma_wait3A_42] : memref<320xi32, #tpu.memory_space<vmem>> -> memref<64xi32, #tpu.memory_space<vmem>>
    %dma_wait3A_44 = arith.constant 0 : i32
    %dma_wait3A_45 = arith.constant 0 : i32
    %dma_wait3A_46 = tpu.memref_slice %arg2[%dma_wait3A_44, %dma_wait3A_45] : memref<8192x1024xf32, #tpu.memory_space<hbm>> -> memref<8192x1024xf32, #tpu.memory_space<hbm>>
    tpu.wait_indirect_dma semaphore(%arg7 : memref<!tpu.dma_semaphore, #tpu.memory_space<semaphore_mem>>) src(%dma_wait3A_46 : memref<8192x1024xf32, #tpu.memory_space<hbm>>) dst(%arg6 : memref<64x1024xf32, #tpu.memory_space<vmem>>)
    %add3A_47 = arith.constant 192 : i32
    %add3A_48 = arith.addi %mul3A_2, %add3A_47 : i32
    "tpu.region"() ({
      %run_scoped3A = tpu.sem_alloc : memref<!tpu.dma_semaphore, #tpu.memory_space<semaphore_mem>>
      %dma_start3A_61 = arith.constant 0 : i32
      %dma_start3A_62 = tpu.memref_slice %arg4[%add3A_48, %dma_start3A_61] : memref<10240x1024xf32, #tpu.memory_space<hbm>> -> memref<64x1024xf32, #tpu.memory_space<hbm>>
      %dma_start3A_63 = arith.constant 0 : i32
      %dma_start3A_64 = tpu.memref_slice %arg4[%add3A_48, %dma_start3A_63] : memref<10240x1024xf32, #tpu.memory_space<hbm>> -> memref<64x1024xf32, #tpu.memory_space<hbm>>
      tpu.enqueue_dma source(%arg6 : memref<64x1024xf32, #tpu.memory_space<vmem>>) target(%dma_start3A_64 : memref<64x1024xf32, #tpu.memory_space<hbm>>) target_semaphore(%run_scoped3A : memref<!tpu.dma_semaphore, #tpu.memory_space<semaphore_mem>>)
      %dma_wait3A_65 = arith.constant 0 : i32
      %dma_wait3A_66 = tpu.memref_slice %arg4[%add3A_48, %dma_wait3A_65] : memref<10240x1024xf32, #tpu.memory_space<hbm>> -> memref<64x1024xf32, #tpu.memory_space<hbm>>
      %dma_wait3A_67 = arith.constant 0 : i32
      %dma_wait3A_68 = tpu.memref_slice %arg4[%add3A_48, %dma_wait3A_67] : memref<10240x1024xf32, #tpu.memory_space<hbm>> -> memref<64x1024xf32, #tpu.memory_space<hbm>>
      tpu.wait_dma2 semaphore(%run_scoped3A : memref<!tpu.dma_semaphore, #tpu.memory_space<semaphore_mem>>) src(%arg6 : memref<64x1024xf32, #tpu.memory_space<vmem>>) dst(%dma_wait3A_68 : memref<64x1024xf32, #tpu.memory_space<hbm>>)
      tpu.yield
    }) : () -> ()
    %dma_start3A_49 = arith.constant 256 : i32
    %dma_start3A_50 = tpu.memref_slice %arg5[%dma_start3A_49] : memref<320xi32, #tpu.memory_space<vmem>> -> memref<64xi32, #tpu.memory_space<vmem>>
    %dma_start3A_51 = arith.constant 0 : i32
    %dma_start3A_52 = arith.constant 0 : i32
    %dma_start3A_53 = tpu.memref_slice %arg2[%dma_start3A_51, %dma_start3A_52] : memref<8192x1024xf32, #tpu.memory_space<hbm>> -> memref<8192x1024xf32, #tpu.memory_space<hbm>>
    tpu.enqueue_indirect_dma source(%dma_start3A_53 : memref<8192x1024xf32, #tpu.memory_space<hbm>>) target(%arg6 : memref<64x1024xf32, #tpu.memory_space<vmem>>) offsets(%dma_start3A_50 : memref<64xi32, #tpu.memory_space<vmem>>) semaphore(%arg7 : memref<!tpu.dma_semaphore, #tpu.memory_space<semaphore_mem>>)
    %dma_wait3A_54 = arith.constant 256 : i32
    %dma_wait3A_55 = tpu.memref_slice %arg5[%dma_wait3A_54] : memref<320xi32, #tpu.memory_space<vmem>> -> memref<64xi32, #tpu.memory_space<vmem>>
    %dma_wait3A_56 = arith.constant 0 : i32
    %dma_wait3A_57 = arith.constant 0 : i32
    %dma_wait3A_58 = tpu.memref_slice %arg2[%dma_wait3A_56, %dma_wait3A_57] : memref<8192x1024xf32, #tpu.memory_space<hbm>> -> memref<8192x1024xf32, #tpu.memory_space<hbm>>
    tpu.wait_indirect_dma semaphore(%arg7 : memref<!tpu.dma_semaphore, #tpu.memory_space<semaphore_mem>>) src(%dma_wait3A_58 : memref<8192x1024xf32, #tpu.memory_space<hbm>>) dst(%arg6 : memref<64x1024xf32, #tpu.memory_space<vmem>>)
    %add3A_59 = arith.constant 256 : i32
    %add3A_60 = arith.addi %mul3A_2, %add3A_59 : i32
    "tpu.region"() ({
      %run_scoped3A = tpu.sem_alloc : memref<!tpu.dma_semaphore, #tpu.memory_space<semaphore_mem>>
      %dma_start3A_61 = arith.constant 0 : i32
      %dma_start3A_62 = tpu.memref_slice %arg4[%add3A_60, %dma_start3A_61] : memref<10240x1024xf32, #tpu.memory_space<hbm>> -> memref<64x1024xf32, #tpu.memory_space<hbm>>
      %dma_start3A_63 = arith.constant 0 : i32
      %dma_start3A_64 = tpu.memref_slice %arg4[%add3A_60, %dma_start3A_63] : memref<10240x1024xf32, #tpu.memory_space<hbm>> -> memref<64x1024xf32, #tpu.memory_space<hbm>>
      tpu.enqueue_dma source(%arg6 : memref<64x1024xf32, #tpu.memory_space<vmem>>) target(%dma_start3A_64 : memref<64x1024xf32, #tpu.memory_space<hbm>>) target_semaphore(%run_scoped3A : memref<!tpu.dma_semaphore, #tpu.memory_space<semaphore_mem>>)
      %dma_wait3A_65 = arith.constant 0 : i32
      %dma_wait3A_66 = tpu.memref_slice %arg4[%add3A_60, %dma_wait3A_65] : memref<10240x1024xf32, #tpu.memory_space<hbm>> -> memref<64x1024xf32, #tpu.memory_space<hbm>>
      %dma_wait3A_67 = arith.constant 0 : i32
      %dma_wait3A_68 = tpu.memref_slice %arg4[%add3A_60, %dma_wait3A_67] : memref<10240x1024xf32, #tpu.memory_space<hbm>> -> memref<64x1024xf32, #tpu.memory_space<hbm>>
      tpu.wait_dma2 semaphore(%run_scoped3A : memref<!tpu.dma_semaphore, #tpu.memory_space<semaphore_mem>>) src(%arg6 : memref<64x1024xf32, #tpu.memory_space<vmem>>) dst(%dma_wait3A_68 : memref<64x1024xf32, #tpu.memory_space<hbm>>)
      tpu.yield
    }) : () -> ()
    return
  }
}

#map = affine_map<(d0, d1) -> (0)>
module attributes {stable_mosaic.version = 14 : i64} {
  func.func @k(%arg0: i32, %arg1: i32, %arg2: memref<8192xi32, #tpu.memory_space<hbm>>, %arg3: memref<8192xi32, #tpu.memory_space<hbm>>, %arg4: memref<10368xi32, #tpu.memory_space<hbm>>, %arg5: memref<10368xi32, #tpu.memory_space<vmem>>, %arg6: memref<8192xi32, #tpu.memory_space<vmem>>, %arg7: memref<8192xi32, #tpu.memory_space<vmem>>) attributes {dimension_semantics = [#tpu.dimension_semantics<core_parallel>, #tpu.dimension_semantics<subcore_parallel>], iteration_bounds = array<i64: 2, 16>, scalar_prefetch = 0 : i64, scratch_operands = 3 : i64, tpu.core_type = #tpu.core_type<sc_vector_subcore>, window_params = [{transform_indices = #map}, {transform_indices = #map}, {transform_indices = #map}]} {
    %mul3A = arith.constant 2 : i32
    %mul3A_0 = arith.muli %arg1, %mul3A : i32
    %add3A = arith.addi %mul3A_0, %arg0 : i32
    %eq3A = arith.constant 0 : i32
    %eq3A_1 = arith.cmpi eq, %add3A, %eq3A : i32
    %convert_element_type3A = arith.extui %eq3A_1 : i1 to i32
    %cond3A = arith.constant 0 : i32
    %cond3A_2 = arith.cmpi ne, %convert_element_type3A, %cond3A : i32
    scf.if %cond3A_2 {
      "tpu.region"() ({
        %run_scoped3A = tpu.sem_alloc : memref<!tpu.dma_semaphore, #tpu.memory_space<semaphore_mem>>
        tpu.enqueue_dma source(%arg2 : memref<8192xi32, #tpu.memory_space<hbm>>) target(%arg6 : memref<8192xi32, #tpu.memory_space<vmem>>) target_semaphore(%run_scoped3A : memref<!tpu.dma_semaphore, #tpu.memory_space<semaphore_mem>>)
        tpu.wait_dma2 semaphore(%run_scoped3A : memref<!tpu.dma_semaphore, #tpu.memory_space<semaphore_mem>>) src(%arg2 : memref<8192xi32, #tpu.memory_space<hbm>>) dst(%arg6 : memref<8192xi32, #tpu.memory_space<vmem>>)
        tpu.yield
      }) : () -> ()
      "tpu.region"() ({
        %run_scoped3A = tpu.sem_alloc : memref<!tpu.dma_semaphore, #tpu.memory_space<semaphore_mem>>
        tpu.enqueue_dma source(%arg3 : memref<8192xi32, #tpu.memory_space<hbm>>) target(%arg7 : memref<8192xi32, #tpu.memory_space<vmem>>) target_semaphore(%run_scoped3A : memref<!tpu.dma_semaphore, #tpu.memory_space<semaphore_mem>>)
        tpu.wait_dma2 semaphore(%run_scoped3A : memref<!tpu.dma_semaphore, #tpu.memory_space<semaphore_mem>>) src(%arg3 : memref<8192xi32, #tpu.memory_space<hbm>>) dst(%arg7 : memref<8192xi32, #tpu.memory_space<vmem>>)
        tpu.yield
      }) : () -> ()
      %broadcast_in_dim3A = arith.constant 0 : i32
      %broadcast_in_dim3A_3 = vector.broadcast %broadcast_in_dim3A : i32 to vector<16xi32>
      %scan3A = arith.constant 0 : i32
      %scan3A_4 = arith.constant 0 : i32
      %scan3A_5 = arith.constant 648 : i32
      %scan3A_6 = arith.addi %scan3A_4, %scan3A_5 : i32
      %scan3A_7 = arith.constant 1 : i32
      scf.for %scan3A_21 = %scan3A_4 to %scan3A_6 step %scan3A_7  : i32 {
        %mul3A_22 = arith.constant 16 : i32
        %mul3A_23 = arith.muli %scan3A_21, %mul3A_22 : i32
        %swap3A = arith.index_cast %mul3A_23 : i32 to index
        %swap3A_24 = tpu.vector_load %arg5[%swap3A] {strides = array<i32>} : memref<10368xi32, #tpu.memory_space<vmem>>, vector<16xi32>,
        tpu.vector_store %arg5[%swap3A], %broadcast_in_dim3A_3 {strides = array<i32>} : memref<10368xi32, #tpu.memory_space<vmem>>, vector<16xi32>,
      }
      %scan3A_8 = arith.constant 648 : i32
      %iota3A = tpu.iota {dimensions = array<i32: 0>} : vector<16xi32>
      %scan3A_9 = arith.constant 0 : i32
      %scan3A_10 = arith.constant 0 : i32
      %scan3A_11 = arith.constant 512 : i32
      %scan3A_12 = arith.addi %scan3A_10, %scan3A_11 : i32
      %scan3A_13 = arith.constant 1 : i32
      scf.for %scan3A_21 = %scan3A_10 to %scan3A_12 step %scan3A_13  : i32 {
        %mul3A_22 = arith.constant 16 : i32
        %mul3A_23 = arith.muli %scan3A_21, %mul3A_22 : i32
        %get3A = arith.index_cast %mul3A_23 : i32 to index
        %get3A_24 = tpu.vector_load %arg6[%get3A] {strides = array<i32>} : memref<8192xi32, #tpu.memory_space<vmem>>, vector<16xi32>,
        %mul3A_25 = arith.constant 16 : i32
        %mul3A_26 = arith.muli %scan3A_21, %mul3A_25 : i32
        %add3A_27 = vector.broadcast %mul3A_26 : i32 to vector<16xi32>
        %add3A_28 = arith.addi %iota3A, %add3A_27 : vector<16xi32>
        tpu.vector_store_idx %arg5[%get3A_24], %add3A_28 : memref<10368xi32, #tpu.memory_space<vmem>>[vector<16xi32>], vector<16xi32>,
      }
      %scan3A_14 = arith.constant 512 : i32
      %scan3A_15 = arith.constant 0 : i32
      %scan3A_16 = arith.constant 0 : i32
      %scan3A_17 = arith.constant 512 : i32
      %scan3A_18 = arith.addi %scan3A_16, %scan3A_17 : i32
      %scan3A_19 = arith.constant 1 : i32
      scf.for %scan3A_21 = %scan3A_16 to %scan3A_18 step %scan3A_19  : i32 {
        %mul3A_22 = arith.constant 16 : i32
        %mul3A_23 = arith.muli %scan3A_21, %mul3A_22 : i32
        %get3A = arith.index_cast %mul3A_23 : i32 to index
        %get3A_24 = tpu.vector_load %arg7[%get3A] {strides = array<i32>} : memref<8192xi32, #tpu.memory_space<vmem>>, vector<16xi32>,
        %mul3A_25 = arith.constant 16 : i32
        %mul3A_26 = arith.muli %scan3A_21, %mul3A_25 : i32
        %add3A_27 = vector.broadcast %mul3A_26 : i32 to vector<16xi32>
        %add3A_28 = arith.addi %iota3A, %add3A_27 : vector<16xi32>
        tpu.vector_store_idx %arg5[%get3A_24], %add3A_28 : memref<10368xi32, #tpu.memory_space<vmem>>[vector<16xi32>], vector<16xi32>,
      }
      %scan3A_20 = arith.constant 512 : i32
      "tpu.region"() ({
        %run_scoped3A = tpu.sem_alloc : memref<!tpu.dma_semaphore, #tpu.memory_space<semaphore_mem>>
        tpu.enqueue_dma source(%arg5 : memref<10368xi32, #tpu.memory_space<vmem>>) target(%arg4 : memref<10368xi32, #tpu.memory_space<hbm>>) target_semaphore(%run_scoped3A : memref<!tpu.dma_semaphore, #tpu.memory_space<semaphore_mem>>)
        tpu.wait_dma2 semaphore(%run_scoped3A : memref<!tpu.dma_semaphore, #tpu.memory_space<semaphore_mem>>) src(%arg5 : memref<10368xi32, #tpu.memory_space<vmem>>) dst(%arg4 : memref<10368xi32, #tpu.memory_space<hbm>>)
        tpu.yield
      }) : () -> ()
    } else {
    }
    return
  }
}

#map = affine_map<(d0, d1) -> (0, 0)>
#map1 = affine_map<(d0, d1) -> (0)>
module attributes {stable_mosaic.version = 14 : i64} {
  func.func @k(%arg0: i32, %arg1: i32, %arg2: memref<10240x1024xf32, #tpu.memory_space<hbm>>, %arg3: memref<8192xi32, #tpu.memory_space<hbm>>, %arg4: memref<8192x1024xf32, #tpu.memory_space<hbm>>, %arg5: memref<256xi32, #tpu.memory_space<vmem>>, %arg6: memref<64x1024xf32, #tpu.memory_space<vmem>>, %arg7: memref<!tpu.dma_semaphore, #tpu.memory_space<semaphore_mem>>) attributes {dimension_semantics = [#tpu.dimension_semantics<core_parallel>, #tpu.dimension_semantics<subcore_parallel>], iteration_bounds = array<i64: 2, 16>, scalar_prefetch = 0 : i64, scratch_operands = 3 : i64, tpu.core_type = #tpu.core_type<sc_vector_subcore>, window_params = [{transform_indices = #map}, {transform_indices = #map1}, {transform_indices = #map}]} {
    %mul3A = arith.constant 2 : i32
    %mul3A_0 = arith.muli %arg1, %mul3A : i32
    %add3A = arith.addi %mul3A_0, %arg0 : i32
    %mul3A_1 = arith.constant 256 : i32
    %mul3A_2 = arith.muli %add3A, %mul3A_1 : i32
    "tpu.region"() ({
      %run_scoped3A = tpu.sem_alloc : memref<!tpu.dma_semaphore, #tpu.memory_space<semaphore_mem>>
      %dma_start3A_49 = tpu.memref_slice %arg3[%mul3A_2] : memref<8192xi32, #tpu.memory_space<hbm>> -> memref<256xi32, #tpu.memory_space<hbm>>
      %dma_start3A_50 = tpu.memref_slice %arg3[%mul3A_2] : memref<8192xi32, #tpu.memory_space<hbm>> -> memref<256xi32, #tpu.memory_space<hbm>>
      tpu.enqueue_dma source(%dma_start3A_50 : memref<256xi32, #tpu.memory_space<hbm>>) target(%arg5 : memref<256xi32, #tpu.memory_space<vmem>>) target_semaphore(%run_scoped3A : memref<!tpu.dma_semaphore, #tpu.memory_space<semaphore_mem>>)
      %dma_wait3A_51 = tpu.memref_slice %arg3[%mul3A_2] : memref<8192xi32, #tpu.memory_space<hbm>> -> memref<256xi32, #tpu.memory_space<hbm>>
      %dma_wait3A_52 = tpu.memref_slice %arg3[%mul3A_2] : memref<8192xi32, #tpu.memory_space<hbm>> -> memref<256xi32, #tpu.memory_space<hbm>>
      tpu.wait_dma2 semaphore(%run_scoped3A : memref<!tpu.dma_semaphore, #tpu.memory_space<semaphore_mem>>) src(%dma_wait3A_52 : memref<256xi32, #tpu.memory_space<hbm>>) dst(%arg5 : memref<256xi32, #tpu.memory_space<vmem>>)
      tpu.yield
    }) : () -> ()
    %dma_start3A = arith.constant 0 : i32
    %dma_start3A_3 = tpu.memref_slice %arg5[%dma_start3A] : memref<256xi32, #tpu.memory_space<vmem>> -> memref<64xi32, #tpu.memory_space<vmem>>
    %dma_start3A_4 = arith.constant 0 : i32
    %dma_start3A_5 = arith.constant 0 : i32
    %dma_start3A_6 = tpu.memref_slice %arg2[%dma_start3A_4, %dma_start3A_5] : memref<10240x1024xf32, #tpu.memory_space<hbm>> -> memref<10240x1024xf32, #tpu.memory_space<hbm>>
    tpu.enqueue_indirect_dma source(%dma_start3A_6 : memref<10240x1024xf32, #tpu.memory_space<hbm>>) target(%arg6 : memref<64x1024xf32, #tpu.memory_space<vmem>>) offsets(%dma_start3A_3 : memref<64xi32, #tpu.memory_space<vmem>>) semaphore(%arg7 : memref<!tpu.dma_semaphore, #tpu.memory_space<semaphore_mem>>)
    %dma_wait3A = arith.constant 0 : i32
    %dma_wait3A_7 = tpu.memref_slice %arg5[%dma_wait3A] : memref<256xi32, #tpu.memory_space<vmem>> -> memref<64xi32, #tpu.memory_space<vmem>>
    %dma_wait3A_8 = arith.constant 0 : i32
    %dma_wait3A_9 = arith.constant 0 : i32
    %dma_wait3A_10 = tpu.memref_slice %arg2[%dma_wait3A_8, %dma_wait3A_9] : memref<10240x1024xf32, #tpu.memory_space<hbm>> -> memref<10240x1024xf32, #tpu.memory_space<hbm>>
    tpu.wait_indirect_dma semaphore(%arg7 : memref<!tpu.dma_semaphore, #tpu.memory_space<semaphore_mem>>) src(%dma_wait3A_10 : memref<10240x1024xf32, #tpu.memory_space<hbm>>) dst(%arg6 : memref<64x1024xf32, #tpu.memory_space<vmem>>)
    %add3A_11 = arith.constant 0 : i32
    %add3A_12 = arith.addi %mul3A_2, %add3A_11 : i32
    "tpu.region"() ({
      %run_scoped3A = tpu.sem_alloc : memref<!tpu.dma_semaphore, #tpu.memory_space<semaphore_mem>>
      %dma_start3A_49 = arith.constant 0 : i32
      %dma_start3A_50 = tpu.memref_slice %arg4[%add3A_12, %dma_start3A_49] : memref<8192x1024xf32, #tpu.memory_space<hbm>> -> memref<64x1024xf32, #tpu.memory_space<hbm>>
      %dma_start3A_51 = arith.constant 0 : i32
      %dma_start3A_52 = tpu.memref_slice %arg4[%add3A_12, %dma_start3A_51] : memref<8192x1024xf32, #tpu.memory_space<hbm>> -> memref<64x1024xf32, #tpu.memory_space<hbm>>
      tpu.enqueue_dma source(%arg6 : memref<64x1024xf32, #tpu.memory_space<vmem>>) target(%dma_start3A_52 : memref<64x1024xf32, #tpu.memory_space<hbm>>) target_semaphore(%run_scoped3A : memref<!tpu.dma_semaphore, #tpu.memory_space<semaphore_mem>>)
      %dma_wait3A_53 = arith.constant 0 : i32
      %dma_wait3A_54 = tpu.memref_slice %arg4[%add3A_12, %dma_wait3A_53] : memref<8192x1024xf32, #tpu.memory_space<hbm>> -> memref<64x1024xf32, #tpu.memory_space<hbm>>
      %dma_wait3A_55 = arith.constant 0 : i32
      %dma_wait3A_56 = tpu.memref_slice %arg4[%add3A_12, %dma_wait3A_55] : memref<8192x1024xf32, #tpu.memory_space<hbm>> -> memref<64x1024xf32, #tpu.memory_space<hbm>>
      tpu.wait_dma2 semaphore(%run_scoped3A : memref<!tpu.dma_semaphore, #tpu.memory_space<semaphore_mem>>) src(%arg6 : memref<64x1024xf32, #tpu.memory_space<vmem>>) dst(%dma_wait3A_56 : memref<64x1024xf32, #tpu.memory_space<hbm>>)
      tpu.yield
    }) : () -> ()
    %dma_start3A_13 = arith.constant 64 : i32
    %dma_start3A_14 = tpu.memref_slice %arg5[%dma_start3A_13] : memref<256xi32, #tpu.memory_space<vmem>> -> memref<64xi32, #tpu.memory_space<vmem>>
    %dma_start3A_15 = arith.constant 0 : i32
    %dma_start3A_16 = arith.constant 0 : i32
    %dma_start3A_17 = tpu.memref_slice %arg2[%dma_start3A_15, %dma_start3A_16] : memref<10240x1024xf32, #tpu.memory_space<hbm>> -> memref<10240x1024xf32, #tpu.memory_space<hbm>>
    tpu.enqueue_indirect_dma source(%dma_start3A_17 : memref<10240x1024xf32, #tpu.memory_space<hbm>>) target(%arg6 : memref<64x1024xf32, #tpu.memory_space<vmem>>) offsets(%dma_start3A_14 : memref<64xi32, #tpu.memory_space<vmem>>) semaphore(%arg7 : memref<!tpu.dma_semaphore, #tpu.memory_space<semaphore_mem>>)
    %dma_wait3A_18 = arith.constant 64 : i32
    %dma_wait3A_19 = tpu.memref_slice %arg5[%dma_wait3A_18] : memref<256xi32, #tpu.memory_space<vmem>> -> memref<64xi32, #tpu.memory_space<vmem>>
    %dma_wait3A_20 = arith.constant 0 : i32
    %dma_wait3A_21 = arith.constant 0 : i32
    %dma_wait3A_22 = tpu.memref_slice %arg2[%dma_wait3A_20, %dma_wait3A_21] : memref<10240x1024xf32, #tpu.memory_space<hbm>> -> memref<10240x1024xf32, #tpu.memory_space<hbm>>
    tpu.wait_indirect_dma semaphore(%arg7 : memref<!tpu.dma_semaphore, #tpu.memory_space<semaphore_mem>>) src(%dma_wait3A_22 : memref<10240x1024xf32, #tpu.memory_space<hbm>>) dst(%arg6 : memref<64x1024xf32, #tpu.memory_space<vmem>>)
    %add3A_23 = arith.constant 64 : i32
    %add3A_24 = arith.addi %mul3A_2, %add3A_23 : i32
    "tpu.region"() ({
      %run_scoped3A = tpu.sem_alloc : memref<!tpu.dma_semaphore, #tpu.memory_space<semaphore_mem>>
      %dma_start3A_49 = arith.constant 0 : i32
      %dma_start3A_50 = tpu.memref_slice %arg4[%add3A_24, %dma_start3A_49] : memref<8192x1024xf32, #tpu.memory_space<hbm>> -> memref<64x1024xf32, #tpu.memory_space<hbm>>
      %dma_start3A_51 = arith.constant 0 : i32
      %dma_start3A_52 = tpu.memref_slice %arg4[%add3A_24, %dma_start3A_51] : memref<8192x1024xf32, #tpu.memory_space<hbm>> -> memref<64x1024xf32, #tpu.memory_space<hbm>>
      tpu.enqueue_dma source(%arg6 : memref<64x1024xf32, #tpu.memory_space<vmem>>) target(%dma_start3A_52 : memref<64x1024xf32, #tpu.memory_space<hbm>>) target_semaphore(%run_scoped3A : memref<!tpu.dma_semaphore, #tpu.memory_space<semaphore_mem>>)
      %dma_wait3A_53 = arith.constant 0 : i32
      %dma_wait3A_54 = tpu.memref_slice %arg4[%add3A_24, %dma_wait3A_53] : memref<8192x1024xf32, #tpu.memory_space<hbm>> -> memref<64x1024xf32, #tpu.memory_space<hbm>>
      %dma_wait3A_55 = arith.constant 0 : i32
      %dma_wait3A_56 = tpu.memref_slice %arg4[%add3A_24, %dma_wait3A_55] : memref<8192x1024xf32, #tpu.memory_space<hbm>> -> memref<64x1024xf32, #tpu.memory_space<hbm>>
      tpu.wait_dma2 semaphore(%run_scoped3A : memref<!tpu.dma_semaphore, #tpu.memory_space<semaphore_mem>>) src(%arg6 : memref<64x1024xf32, #tpu.memory_space<vmem>>) dst(%dma_wait3A_56 : memref<64x1024xf32, #tpu.memory_space<hbm>>)
      tpu.yield
    }) : () -> ()
    %dma_start3A_25 = arith.constant 128 : i32
    %dma_start3A_26 = tpu.memref_slice %arg5[%dma_start3A_25] : memref<256xi32, #tpu.memory_space<vmem>> -> memref<64xi32, #tpu.memory_space<vmem>>
    %dma_start3A_27 = arith.constant 0 : i32
    %dma_start3A_28 = arith.constant 0 : i32
    %dma_start3A_29 = tpu.memref_slice %arg2[%dma_start3A_27, %dma_start3A_28] : memref<10240x1024xf32, #tpu.memory_space<hbm>> -> memref<10240x1024xf32, #tpu.memory_space<hbm>>
    tpu.enqueue_indirect_dma source(%dma_start3A_29 : memref<10240x1024xf32, #tpu.memory_space<hbm>>) target(%arg6 : memref<64x1024xf32, #tpu.memory_space<vmem>>) offsets(%dma_start3A_26 : memref<64xi32, #tpu.memory_space<vmem>>) semaphore(%arg7 : memref<!tpu.dma_semaphore, #tpu.memory_space<semaphore_mem>>)
    %dma_wait3A_30 = arith.constant 128 : i32
    %dma_wait3A_31 = tpu.memref_slice %arg5[%dma_wait3A_30] : memref<256xi32, #tpu.memory_space<vmem>> -> memref<64xi32, #tpu.memory_space<vmem>>
    %dma_wait3A_32 = arith.constant 0 : i32
    %dma_wait3A_33 = arith.constant 0 : i32
    %dma_wait3A_34 = tpu.memref_slice %arg2[%dma_wait3A_32, %dma_wait3A_33] : memref<10240x1024xf32, #tpu.memory_space<hbm>> -> memref<10240x1024xf32, #tpu.memory_space<hbm>>
    tpu.wait_indirect_dma semaphore(%arg7 : memref<!tpu.dma_semaphore, #tpu.memory_space<semaphore_mem>>) src(%dma_wait3A_34 : memref<10240x1024xf32, #tpu.memory_space<hbm>>) dst(%arg6 : memref<64x1024xf32, #tpu.memory_space<vmem>>)
    %add3A_35 = arith.constant 128 : i32
    %add3A_36 = arith.addi %mul3A_2, %add3A_35 : i32
    "tpu.region"() ({
      %run_scoped3A = tpu.sem_alloc : memref<!tpu.dma_semaphore, #tpu.memory_space<semaphore_mem>>
      %dma_start3A_49 = arith.constant 0 : i32
      %dma_start3A_50 = tpu.memref_slice %arg4[%add3A_36, %dma_start3A_49] : memref<8192x1024xf32, #tpu.memory_space<hbm>> -> memref<64x1024xf32, #tpu.memory_space<hbm>>
      %dma_start3A_51 = arith.constant 0 : i32
      %dma_start3A_52 = tpu.memref_slice %arg4[%add3A_36, %dma_start3A_51] : memref<8192x1024xf32, #tpu.memory_space<hbm>> -> memref<64x1024xf32, #tpu.memory_space<hbm>>
      tpu.enqueue_dma source(%arg6 : memref<64x1024xf32, #tpu.memory_space<vmem>>) target(%dma_start3A_52 : memref<64x1024xf32, #tpu.memory_space<hbm>>) target_semaphore(%run_scoped3A : memref<!tpu.dma_semaphore, #tpu.memory_space<semaphore_mem>>)
      %dma_wait3A_53 = arith.constant 0 : i32
      %dma_wait3A_54 = tpu.memref_slice %arg4[%add3A_36, %dma_wait3A_53] : memref<8192x1024xf32, #tpu.memory_space<hbm>> -> memref<64x1024xf32, #tpu.memory_space<hbm>>
      %dma_wait3A_55 = arith.constant 0 : i32
      %dma_wait3A_56 = tpu.memref_slice %arg4[%add3A_36, %dma_wait3A_55] : memref<8192x1024xf32, #tpu.memory_space<hbm>> -> memref<64x1024xf32, #tpu.memory_space<hbm>>
      tpu.wait_dma2 semaphore(%run_scoped3A : memref<!tpu.dma_semaphore, #tpu.memory_space<semaphore_mem>>) src(%arg6 : memref<64x1024xf32, #tpu.memory_space<vmem>>) dst(%dma_wait3A_56 : memref<64x1024xf32, #tpu.memory_space<hbm>>)
      tpu.yield
    }) : () -> ()
    %dma_start3A_37 = arith.constant 192 : i32
    %dma_start3A_38 = tpu.memref_slice %arg5[%dma_start3A_37] : memref<256xi32, #tpu.memory_space<vmem>> -> memref<64xi32, #tpu.memory_space<vmem>>
    %dma_start3A_39 = arith.constant 0 : i32
    %dma_start3A_40 = arith.constant 0 : i32
    %dma_start3A_41 = tpu.memref_slice %arg2[%dma_start3A_39, %dma_start3A_40] : memref<10240x1024xf32, #tpu.memory_space<hbm>> -> memref<10240x1024xf32, #tpu.memory_space<hbm>>
    tpu.enqueue_indirect_dma source(%dma_start3A_41 : memref<10240x1024xf32, #tpu.memory_space<hbm>>) target(%arg6 : memref<64x1024xf32, #tpu.memory_space<vmem>>) offsets(%dma_start3A_38 : memref<64xi32, #tpu.memory_space<vmem>>) semaphore(%arg7 : memref<!tpu.dma_semaphore, #tpu.memory_space<semaphore_mem>>)
    %dma_wait3A_42 = arith.constant 192 : i32
    %dma_wait3A_43 = tpu.memref_slice %arg5[%dma_wait3A_42] : memref<256xi32, #tpu.memory_space<vmem>> -> memref<64xi32, #tpu.memory_space<vmem>>
    %dma_wait3A_44 = arith.constant 0 : i32
    %dma_wait3A_45 = arith.constant 0 : i32
    %dma_wait3A_46 = tpu.memref_slice %arg2[%dma_wait3A_44, %dma_wait3A_45] : memref<10240x1024xf32, #tpu.memory_space<hbm>> -> memref<10240x1024xf32, #tpu.memory_space<hbm>>
    tpu.wait_indirect_dma semaphore(%arg7 : memref<!tpu.dma_semaphore, #tpu.memory_space<semaphore_mem>>) src(%dma_wait3A_46 : memref<10240x1024xf32, #tpu.memory_space<hbm>>) dst(%arg6 : memref<64x1024xf32, #tpu.memory_space<vmem>>)
    %add3A_47 = arith.constant 192 : i32
    %add3A_48 = arith.addi %mul3A_2, %add3A_47 : i32
    "tpu.region"() ({
      %run_scoped3A = tpu.sem_alloc : memref<!tpu.dma_semaphore, #tpu.memory_space<semaphore_mem>>
      %dma_start3A_49 = arith.constant 0 : i32
      %dma_start3A_50 = tpu.memref_slice %arg4[%add3A_48, %dma_start3A_49] : memref<8192x1024xf32, #tpu.memory_space<hbm>> -> memref<64x1024xf32, #tpu.memory_space<hbm>>
      %dma_start3A_51 = arith.constant 0 : i32
      %dma_start3A_52 = tpu.memref_slice %arg4[%add3A_48, %dma_start3A_51] : memref<8192x1024xf32, #tpu.memory_space<hbm>> -> memref<64x1024xf32, #tpu.memory_space<hbm>>
      tpu.enqueue_dma source(%arg6 : memref<64x1024xf32, #tpu.memory_space<vmem>>) target(%dma_start3A_52 : memref<64x1024xf32, #tpu.memory_space<hbm>>) target_semaphore(%run_scoped3A : memref<!tpu.dma_semaphore, #tpu.memory_space<semaphore_mem>>)
      %dma_wait3A_53 = arith.constant 0 : i32
      %dma_wait3A_54 = tpu.memref_slice %arg4[%add3A_48, %dma_wait3A_53] : memref<8192x1024xf32, #tpu.memory_space<hbm>> -> memref<64x1024xf32, #tpu.memory_space<hbm>>
      %dma_wait3A_55 = arith.constant 0 : i32
      %dma_wait3A_56 = tpu.memref_slice %arg4[%add3A_48, %dma_wait3A_55] : memref<8192x1024xf32, #tpu.memory_space<hbm>> -> memref<64x1024xf32, #tpu.memory_space<hbm>>
      tpu.wait_dma2 semaphore(%run_scoped3A : memref<!tpu.dma_semaphore, #tpu.memory_space<semaphore_mem>>) src(%arg6 : memref<64x1024xf32, #tpu.memory_space<vmem>>) dst(%dma_wait3A_56 : memref<64x1024xf32, #tpu.memory_space<hbm>>)
      tpu.yield
    }) : () -> ()
    return
  }
}

#map = affine_map<(d0, d1) -> (0, 0)>
#map1 = affine_map<(d0, d1) -> (0)>
module attributes {stable_mosaic.version = 14 : i64} {
  func.func @k(%arg0: i32, %arg1: i32, %arg2: memref<10240x1024xf32, #tpu.memory_space<hbm>>, %arg3: memref<8192xi32, #tpu.memory_space<hbm>>, %arg4: memref<8192x1024xf32, #tpu.memory_space<hbm>>, %arg5: memref<256xi32, #tpu.memory_space<vmem>>, %arg6: memref<64x1024xf32, #tpu.memory_space<vmem>>, %arg7: memref<!tpu.dma_semaphore, #tpu.memory_space<semaphore_mem>>) attributes {dimension_semantics = [#tpu.dimension_semantics<core_parallel>, #tpu.dimension_semantics<subcore_parallel>], iteration_bounds = array<i64: 2, 16>, scalar_prefetch = 0 : i64, scratch_operands = 3 : i64, tpu.core_type = #tpu.core_type<sc_vector_subcore>, window_params = [{transform_indices = #map}, {transform_indices = #map1}, {transform_indices = #map}]} {
    %mul3A = arith.constant 2 : i32
    %mul3A_0 = arith.muli %arg1, %mul3A : i32
    %add3A = arith.addi %mul3A_0, %arg0 : i32
    %mul3A_1 = arith.constant 256 : i32
    %mul3A_2 = arith.muli %add3A, %mul3A_1 : i32
    "tpu.region"() ({
      %run_scoped3A = tpu.sem_alloc : memref<!tpu.dma_semaphore, #tpu.memory_space<semaphore_mem>>
      %dma_start3A_49 = tpu.memref_slice %arg3[%mul3A_2] : memref<8192xi32, #tpu.memory_space<hbm>> -> memref<256xi32, #tpu.memory_space<hbm>>
      %dma_start3A_50 = tpu.memref_slice %arg3[%mul3A_2] : memref<8192xi32, #tpu.memory_space<hbm>> -> memref<256xi32, #tpu.memory_space<hbm>>
      tpu.enqueue_dma source(%dma_start3A_50 : memref<256xi32, #tpu.memory_space<hbm>>) target(%arg5 : memref<256xi32, #tpu.memory_space<vmem>>) target_semaphore(%run_scoped3A : memref<!tpu.dma_semaphore, #tpu.memory_space<semaphore_mem>>)
      %dma_wait3A_51 = tpu.memref_slice %arg3[%mul3A_2] : memref<8192xi32, #tpu.memory_space<hbm>> -> memref<256xi32, #tpu.memory_space<hbm>>
      %dma_wait3A_52 = tpu.memref_slice %arg3[%mul3A_2] : memref<8192xi32, #tpu.memory_space<hbm>> -> memref<256xi32, #tpu.memory_space<hbm>>
      tpu.wait_dma2 semaphore(%run_scoped3A : memref<!tpu.dma_semaphore, #tpu.memory_space<semaphore_mem>>) src(%dma_wait3A_52 : memref<256xi32, #tpu.memory_space<hbm>>) dst(%arg5 : memref<256xi32, #tpu.memory_space<vmem>>)
      tpu.yield
    }) : () -> ()
    %dma_start3A = arith.constant 0 : i32
    %dma_start3A_3 = tpu.memref_slice %arg5[%dma_start3A] : memref<256xi32, #tpu.memory_space<vmem>> -> memref<64xi32, #tpu.memory_space<vmem>>
    %dma_start3A_4 = arith.constant 0 : i32
    %dma_start3A_5 = arith.constant 0 : i32
    %dma_start3A_6 = tpu.memref_slice %arg2[%dma_start3A_4, %dma_start3A_5] : memref<10240x1024xf32, #tpu.memory_space<hbm>> -> memref<10240x1024xf32, #tpu.memory_space<hbm>>
    tpu.enqueue_indirect_dma source(%dma_start3A_6 : memref<10240x1024xf32, #tpu.memory_space<hbm>>) target(%arg6 : memref<64x1024xf32, #tpu.memory_space<vmem>>) offsets(%dma_start3A_3 : memref<64xi32, #tpu.memory_space<vmem>>) semaphore(%arg7 : memref<!tpu.dma_semaphore, #tpu.memory_space<semaphore_mem>>)
    %dma_wait3A = arith.constant 0 : i32
    %dma_wait3A_7 = tpu.memref_slice %arg5[%dma_wait3A] : memref<256xi32, #tpu.memory_space<vmem>> -> memref<64xi32, #tpu.memory_space<vmem>>
    %dma_wait3A_8 = arith.constant 0 : i32
    %dma_wait3A_9 = arith.constant 0 : i32
    %dma_wait3A_10 = tpu.memref_slice %arg2[%dma_wait3A_8, %dma_wait3A_9] : memref<10240x1024xf32, #tpu.memory_space<hbm>> -> memref<10240x1024xf32, #tpu.memory_space<hbm>>
    tpu.wait_indirect_dma semaphore(%arg7 : memref<!tpu.dma_semaphore, #tpu.memory_space<semaphore_mem>>) src(%dma_wait3A_10 : memref<10240x1024xf32, #tpu.memory_space<hbm>>) dst(%arg6 : memref<64x1024xf32, #tpu.memory_space<vmem>>)
    %add3A_11 = arith.constant 0 : i32
    %add3A_12 = arith.addi %mul3A_2, %add3A_11 : i32
    "tpu.region"() ({
      %run_scoped3A = tpu.sem_alloc : memref<!tpu.dma_semaphore, #tpu.memory_space<semaphore_mem>>
      %dma_start3A_49 = arith.constant 0 : i32
      %dma_start3A_50 = tpu.memref_slice %arg4[%add3A_12, %dma_start3A_49] : memref<8192x1024xf32, #tpu.memory_space<hbm>> -> memref<64x1024xf32, #tpu.memory_space<hbm>>
      %dma_start3A_51 = arith.constant 0 : i32
      %dma_start3A_52 = tpu.memref_slice %arg4[%add3A_12, %dma_start3A_51] : memref<8192x1024xf32, #tpu.memory_space<hbm>> -> memref<64x1024xf32, #tpu.memory_space<hbm>>
      tpu.enqueue_dma source(%arg6 : memref<64x1024xf32, #tpu.memory_space<vmem>>) target(%dma_start3A_52 : memref<64x1024xf32, #tpu.memory_space<hbm>>) target_semaphore(%run_scoped3A : memref<!tpu.dma_semaphore, #tpu.memory_space<semaphore_mem>>)
      %dma_wait3A_53 = arith.constant 0 : i32
      %dma_wait3A_54 = tpu.memref_slice %arg4[%add3A_12, %dma_wait3A_53] : memref<8192x1024xf32, #tpu.memory_space<hbm>> -> memref<64x1024xf32, #tpu.memory_space<hbm>>
      %dma_wait3A_55 = arith.constant 0 : i32
      %dma_wait3A_56 = tpu.memref_slice %arg4[%add3A_12, %dma_wait3A_55] : memref<8192x1024xf32, #tpu.memory_space<hbm>> -> memref<64x1024xf32, #tpu.memory_space<hbm>>
      tpu.wait_dma2 semaphore(%run_scoped3A : memref<!tpu.dma_semaphore, #tpu.memory_space<semaphore_mem>>) src(%arg6 : memref<64x1024xf32, #tpu.memory_space<vmem>>) dst(%dma_wait3A_56 : memref<64x1024xf32, #tpu.memory_space<hbm>>)
      tpu.yield
    }) : () -> ()
    %dma_start3A_13 = arith.constant 64 : i32
    %dma_start3A_14 = tpu.memref_slice %arg5[%dma_start3A_13] : memref<256xi32, #tpu.memory_space<vmem>> -> memref<64xi32, #tpu.memory_space<vmem>>
    %dma_start3A_15 = arith.constant 0 : i32
    %dma_start3A_16 = arith.constant 0 : i32
    %dma_start3A_17 = tpu.memref_slice %arg2[%dma_start3A_15, %dma_start3A_16] : memref<10240x1024xf32, #tpu.memory_space<hbm>> -> memref<10240x1024xf32, #tpu.memory_space<hbm>>
    tpu.enqueue_indirect_dma source(%dma_start3A_17 : memref<10240x1024xf32, #tpu.memory_space<hbm>>) target(%arg6 : memref<64x1024xf32, #tpu.memory_space<vmem>>) offsets(%dma_start3A_14 : memref<64xi32, #tpu.memory_space<vmem>>) semaphore(%arg7 : memref<!tpu.dma_semaphore, #tpu.memory_space<semaphore_mem>>)
    %dma_wait3A_18 = arith.constant 64 : i32
    %dma_wait3A_19 = tpu.memref_slice %arg5[%dma_wait3A_18] : memref<256xi32, #tpu.memory_space<vmem>> -> memref<64xi32, #tpu.memory_space<vmem>>
    %dma_wait3A_20 = arith.constant 0 : i32
    %dma_wait3A_21 = arith.constant 0 : i32
    %dma_wait3A_22 = tpu.memref_slice %arg2[%dma_wait3A_20, %dma_wait3A_21] : memref<10240x1024xf32, #tpu.memory_space<hbm>> -> memref<10240x1024xf32, #tpu.memory_space<hbm>>
    tpu.wait_indirect_dma semaphore(%arg7 : memref<!tpu.dma_semaphore, #tpu.memory_space<semaphore_mem>>) src(%dma_wait3A_22 : memref<10240x1024xf32, #tpu.memory_space<hbm>>) dst(%arg6 : memref<64x1024xf32, #tpu.memory_space<vmem>>)
    %add3A_23 = arith.constant 64 : i32
    %add3A_24 = arith.addi %mul3A_2, %add3A_23 : i32
    "tpu.region"() ({
      %run_scoped3A = tpu.sem_alloc : memref<!tpu.dma_semaphore, #tpu.memory_space<semaphore_mem>>
      %dma_start3A_49 = arith.constant 0 : i32
      %dma_start3A_50 = tpu.memref_slice %arg4[%add3A_24, %dma_start3A_49] : memref<8192x1024xf32, #tpu.memory_space<hbm>> -> memref<64x1024xf32, #tpu.memory_space<hbm>>
      %dma_start3A_51 = arith.constant 0 : i32
      %dma_start3A_52 = tpu.memref_slice %arg4[%add3A_24, %dma_start3A_51] : memref<8192x1024xf32, #tpu.memory_space<hbm>> -> memref<64x1024xf32, #tpu.memory_space<hbm>>
      tpu.enqueue_dma source(%arg6 : memref<64x1024xf32, #tpu.memory_space<vmem>>) target(%dma_start3A_52 : memref<64x1024xf32, #tpu.memory_space<hbm>>) target_semaphore(%run_scoped3A : memref<!tpu.dma_semaphore, #tpu.memory_space<semaphore_mem>>)
      %dma_wait3A_53 = arith.constant 0 : i32
      %dma_wait3A_54 = tpu.memref_slice %arg4[%add3A_24, %dma_wait3A_53] : memref<8192x1024xf32, #tpu.memory_space<hbm>> -> memref<64x1024xf32, #tpu.memory_space<hbm>>
      %dma_wait3A_55 = arith.constant 0 : i32
      %dma_wait3A_56 = tpu.memref_slice %arg4[%add3A_24, %dma_wait3A_55] : memref<8192x1024xf32, #tpu.memory_space<hbm>> -> memref<64x1024xf32, #tpu.memory_space<hbm>>
      tpu.wait_dma2 semaphore(%run_scoped3A : memref<!tpu.dma_semaphore, #tpu.memory_space<semaphore_mem>>) src(%arg6 : memref<64x1024xf32, #tpu.memory_space<vmem>>) dst(%dma_wait3A_56 : memref<64x1024xf32, #tpu.memory_space<hbm>>)
      tpu.yield
    }) : () -> ()
    %dma_start3A_25 = arith.constant 128 : i32
    %dma_start3A_26 = tpu.memref_slice %arg5[%dma_start3A_25] : memref<256xi32, #tpu.memory_space<vmem>> -> memref<64xi32, #tpu.memory_space<vmem>>
    %dma_start3A_27 = arith.constant 0 : i32
    %dma_start3A_28 = arith.constant 0 : i32
    %dma_start3A_29 = tpu.memref_slice %arg2[%dma_start3A_27, %dma_start3A_28] : memref<10240x1024xf32, #tpu.memory_space<hbm>> -> memref<10240x1024xf32, #tpu.memory_space<hbm>>
    tpu.enqueue_indirect_dma source(%dma_start3A_29 : memref<10240x1024xf32, #tpu.memory_space<hbm>>) target(%arg6 : memref<64x1024xf32, #tpu.memory_space<vmem>>) offsets(%dma_start3A_26 : memref<64xi32, #tpu.memory_space<vmem>>) semaphore(%arg7 : memref<!tpu.dma_semaphore, #tpu.memory_space<semaphore_mem>>)
    %dma_wait3A_30 = arith.constant 128 : i32
    %dma_wait3A_31 = tpu.memref_slice %arg5[%dma_wait3A_30] : memref<256xi32, #tpu.memory_space<vmem>> -> memref<64xi32, #tpu.memory_space<vmem>>
    %dma_wait3A_32 = arith.constant 0 : i32
    %dma_wait3A_33 = arith.constant 0 : i32
    %dma_wait3A_34 = tpu.memref_slice %arg2[%dma_wait3A_32, %dma_wait3A_33] : memref<10240x1024xf32, #tpu.memory_space<hbm>> -> memref<10240x1024xf32, #tpu.memory_space<hbm>>
    tpu.wait_indirect_dma semaphore(%arg7 : memref<!tpu.dma_semaphore, #tpu.memory_space<semaphore_mem>>) src(%dma_wait3A_34 : memref<10240x1024xf32, #tpu.memory_space<hbm>>) dst(%arg6 : memref<64x1024xf32, #tpu.memory_space<vmem>>)
    %add3A_35 = arith.constant 128 : i32
    %add3A_36 = arith.addi %mul3A_2, %add3A_35 : i32
    "tpu.region"() ({
      %run_scoped3A = tpu.sem_alloc : memref<!tpu.dma_semaphore, #tpu.memory_space<semaphore_mem>>
      %dma_start3A_49 = arith.constant 0 : i32
      %dma_start3A_50 = tpu.memref_slice %arg4[%add3A_36, %dma_start3A_49] : memref<8192x1024xf32, #tpu.memory_space<hbm>> -> memref<64x1024xf32, #tpu.memory_space<hbm>>
      %dma_start3A_51 = arith.constant 0 : i32
      %dma_start3A_52 = tpu.memref_slice %arg4[%add3A_36, %dma_start3A_51] : memref<8192x1024xf32, #tpu.memory_space<hbm>> -> memref<64x1024xf32, #tpu.memory_space<hbm>>
      tpu.enqueue_dma source(%arg6 : memref<64x1024xf32, #tpu.memory_space<vmem>>) target(%dma_start3A_52 : memref<64x1024xf32, #tpu.memory_space<hbm>>) target_semaphore(%run_scoped3A : memref<!tpu.dma_semaphore, #tpu.memory_space<semaphore_mem>>)
      %dma_wait3A_53 = arith.constant 0 : i32
      %dma_wait3A_54 = tpu.memref_slice %arg4[%add3A_36, %dma_wait3A_53] : memref<8192x1024xf32, #tpu.memory_space<hbm>> -> memref<64x1024xf32, #tpu.memory_space<hbm>>
      %dma_wait3A_55 = arith.constant 0 : i32
      %dma_wait3A_56 = tpu.memref_slice %arg4[%add3A_36, %dma_wait3A_55] : memref<8192x1024xf32, #tpu.memory_space<hbm>> -> memref<64x1024xf32, #tpu.memory_space<hbm>>
      tpu.wait_dma2 semaphore(%run_scoped3A : memref<!tpu.dma_semaphore, #tpu.memory_space<semaphore_mem>>) src(%arg6 : memref<64x1024xf32, #tpu.memory_space<vmem>>) dst(%dma_wait3A_56 : memref<64x1024xf32, #tpu.memory_space<hbm>>)
      tpu.yield
    }) : () -> ()
    %dma_start3A_37 = arith.constant 192 : i32
    %dma_start3A_38 = tpu.memref_slice %arg5[%dma_start3A_37] : memref<256xi32, #tpu.memory_space<vmem>> -> memref<64xi32, #tpu.memory_space<vmem>>
    %dma_start3A_39 = arith.constant 0 : i32
    %dma_start3A_40 = arith.constant 0 : i32
    %dma_start3A_41 = tpu.memref_slice %arg2[%dma_start3A_39, %dma_start3A_40] : memref<10240x1024xf32, #tpu.memory_space<hbm>> -> memref<10240x1024xf32, #tpu.memory_space<hbm>>
    tpu.enqueue_indirect_dma source(%dma_start3A_41 : memref<10240x1024xf32, #tpu.memory_space<hbm>>) target(%arg6 : memref<64x1024xf32, #tpu.memory_space<vmem>>) offsets(%dma_start3A_38 : memref<64xi32, #tpu.memory_space<vmem>>) semaphore(%arg7 : memref<!tpu.dma_semaphore, #tpu.memory_space<semaphore_mem>>)
    %dma_wait3A_42 = arith.constant 192 : i32
    %dma_wait3A_43 = tpu.memref_slice %arg5[%dma_wait3A_42] : memref<256xi32, #tpu.memory_space<vmem>> -> memref<64xi32, #tpu.memory_space<vmem>>
    %dma_wait3A_44 = arith.constant 0 : i32
    %dma_wait3A_45 = arith.constant 0 : i32
    %dma_wait3A_46 = tpu.memref_slice %arg2[%dma_wait3A_44, %dma_wait3A_45] : memref<10240x1024xf32, #tpu.memory_space<hbm>> -> memref<10240x1024xf32, #tpu.memory_space<hbm>>
    tpu.wait_indirect_dma semaphore(%arg7 : memref<!tpu.dma_semaphore, #tpu.memory_space<semaphore_mem>>) src(%dma_wait3A_46 : memref<10240x1024xf32, #tpu.memory_space<hbm>>) dst(%arg6 : memref<64x1024xf32, #tpu.memory_space<vmem>>)
    %add3A_47 = arith.constant 192 : i32
    %add3A_48 = arith.addi %mul3A_2, %add3A_47 : i32
    "tpu.region"() ({
      %run_scoped3A = tpu.sem_alloc : memref<!tpu.dma_semaphore, #tpu.memory_space<semaphore_mem>>
      %dma_start3A_49 = arith.constant 0 : i32
      %dma_start3A_50 = tpu.memref_slice %arg4[%add3A_48, %dma_start3A_49] : memref<8192x1024xf32, #tpu.memory_space<hbm>> -> memref<64x1024xf32, #tpu.memory_space<hbm>>
      %dma_start3A_51 = arith.constant 0 : i32
      %dma_start3A_52 = tpu.memref_slice %arg4[%add3A_48, %dma_start3A_51] : memref<8192x1024xf32, #tpu.memory_space<hbm>> -> memref<64x1024xf32, #tpu.memory_space<hbm>>
      tpu.enqueue_dma source(%arg6 : memref<64x1024xf32, #tpu.memory_space<vmem>>) target(%dma_start3A_52 : memref<64x1024xf32, #tpu.memory_space<hbm>>) target_semaphore(%run_scoped3A : memref<!tpu.dma_semaphore, #tpu.memory_space<semaphore_mem>>)
      %dma_wait3A_53 = arith.constant 0 : i32
      %dma_wait3A_54 = tpu.memref_slice %arg4[%add3A_48, %dma_wait3A_53] : memref<8192x1024xf32, #tpu.memory_space<hbm>> -> memref<64x1024xf32, #tpu.memory_space<hbm>>
      %dma_wait3A_55 = arith.constant 0 : i32
      %dma_wait3A_56 = tpu.memref_slice %arg4[%add3A_48, %dma_wait3A_55] : memref<8192x1024xf32, #tpu.memory_space<hbm>> -> memref<64x1024xf32, #tpu.memory_space<hbm>>
      tpu.wait_dma2 semaphore(%run_scoped3A : memref<!tpu.dma_semaphore, #tpu.memory_space<semaphore_mem>>) src(%arg6 : memref<64x1024xf32, #tpu.memory_space<vmem>>) dst(%dma_wait3A_56 : memref<64x1024xf32, #tpu.memory_space<hbm>>)
      tpu.yield
    }) : () -> ()
    return
  }
}

module attributes {stable_mosaic.version = 14 : i64} {
  func.func @_routing_body(%arg0: i32, %arg1: memref<512x1024xf32, #tpu.memory_space<vmem>>, %arg2: memref<1024x128xf32, #tpu.memory_space<vmem>>, %arg3: memref<1x128xf32, #tpu.memory_space<vmem>>, %arg4: memref<512x128xf32, #tpu.memory_space<vmem>>, %arg5: memref<8x128xf32, #tpu.memory_space<vmem>>, %arg6: memref<1x128xf32, #tpu.memory_space<vmem>>, %arg7: memref<1x128xf32, #tpu.memory_space<vmem>>) attributes {dimension_semantics = [#tpu.dimension_semantics<arbitrary>], iteration_bounds = array<i64: 16>, scalar_prefetch = 0 : i64, scratch_operands = 2 : i64, tpu.core_type = #tpu.core_type<tc>, window_params = [{transform_indices = @transform_0, window_bounds = array<i64: 512, 1024>}, {pipeline_mode = #tpu.pipeline_mode<synchronous>, transform_indices = @transform_1, window_bounds = array<i64: 1024, 128>}, {pipeline_mode = #tpu.pipeline_mode<synchronous>, transform_indices = @transform_2, window_bounds = array<i64: 1, 128>}, {transform_indices = @transform_3, window_bounds = array<i64: 512, 128>}, {pipeline_mode = #tpu.pipeline_mode<synchronous>, transform_indices = @transform_4, window_bounds = array<i64: 8, 128>}]} {
    %eq3A = arith.constant 0 : i32
    %eq3A_0 = arith.cmpi eq, %arg0, %eq3A : i32
    %convert_element_type3A = arith.extui %eq3A_0 : i1 to i32
    %cond3A = arith.constant 0 : i32
    %cond3A_1 = arith.cmpi ne, %convert_element_type3A, %cond3A : i32
    scf.if %cond3A_1 {
      %broadcast_in_dim3A_222 = arith.constant 0.000000e+00 : f32
      %broadcast_in_dim3A_223 = vector.broadcast %broadcast_in_dim3A_222 : f32 to vector<1x128xf32>
      %swap3A_224 = arith.constant 0 : index
      %swap3A_225 = arith.constant 0 : index
      %swap3A_226 = vector.load %arg6[%swap3A_224, %swap3A_225] : memref<1x128xf32, #tpu.memory_space<vmem>>, vector<1x128xf32>
      tpu.vector_store %arg6[%swap3A_224, %swap3A_225], %broadcast_in_dim3A_223 {strides = array<i32>} : memref<1x128xf32, #tpu.memory_space<vmem>>, vector<1x128xf32>,
      %broadcast_in_dim3A_227 = arith.constant 0.000000e+00 : f32
      %broadcast_in_dim3A_228 = vector.broadcast %broadcast_in_dim3A_227 : f32 to vector<1x128xf32>
      %swap3A_229 = arith.constant 0 : index
      %swap3A_230 = arith.constant 0 : index
      %swap3A_231 = vector.load %arg7[%swap3A_229, %swap3A_230] : memref<1x128xf32, #tpu.memory_space<vmem>>, vector<1x128xf32>
      tpu.vector_store %arg7[%swap3A_229, %swap3A_230], %broadcast_in_dim3A_228 {strides = array<i32>} : memref<1x128xf32, #tpu.memory_space<vmem>>, vector<1x128xf32>,
    } else {
    }
    %iota3A = tpu.iota {dimensions = array<i32: 1>} : vector<512x128xi32>
    %convert_element_type3A_2 = arith.sitofp %iota3A : vector<512x128xi32> to vector<512x128xf32>
    %get3A = arith.constant 0 : index
    %get3A_3 = arith.constant 0 : index
    %get3A_4 = vector.load %arg1[%get3A, %get3A_3] : memref<512x1024xf32, #tpu.memory_space<vmem>>, vector<512x1024xf32>
    %get3A_5 = arith.constant 0 : index
    %get3A_6 = arith.constant 0 : index
    %get3A_7 = vector.load %arg2[%get3A_5, %get3A_6] : memref<1024x128xf32, #tpu.memory_space<vmem>>, vector<1024x128xf32>
    %dot_general3A = arith.constant dense<0.000000e+00> : vector<512x128xf32>
    %dot_general3A_8 = tpu.matmul %get3A_4, %get3A_7, %dot_general3A {dimension_numbers = #tpu.dot_dimension_numbers<[1], [0], [0], [1], [0, 0, 1, 1], [], []>, transpose_lhs_hint = false} : vector<512x1024xf32>, vector<1024x128xf32>, vector<512x128xf32> -> vector<512x128xf32>
    %get3A_9 = arith.constant 0 : index
    %get3A_10 = arith.constant 0 : index
    %get3A_11 = vector.load %arg3[%get3A_9, %get3A_10] : memref<1x128xf32, #tpu.memory_space<vmem>>, vector<1x128xf32>
    %add3A = vector.broadcast %get3A_11 : vector<1x128xf32> to vector<512x128xf32>
    %add3A_12 = arith.addf %dot_general3A_8, %add3A : vector<512x128xf32>
    %lt3A = arith.constant 8.000000e+00 : f32
    %lt3A_13 = vector.broadcast %lt3A : f32 to vector<512x128xf32>
    %lt3A_14 = arith.cmpf olt, %convert_element_type3A_2, %lt3A_13 : vector<512x128xf32>
    %jit3A = arith.constant -1.000000e+30 : f32
    %broadcast_in_dim3A = vector.broadcast %jit3A : f32 to vector<512x128xf32>
    %select_n3A = arith.select %lt3A_14, %add3A_12, %broadcast_in_dim3A : vector<512x128xi1>, vector<512x128xf32>
    %reduce_max3A = arith.constant dense<0xFF800000> : vector<512xf32>
    %reduce_max3A_15 = vector.multi_reduction <maximumf>, %select_n3A, %reduce_max3A [1] : vector<512x128xf32> to vector<512xf32>
    %broadcast_in_dim3A_16 = vector.shape_cast %reduce_max3A_15 : vector<512xf32> to vector<512x1xf32>
    %sub3A = vector.broadcast %broadcast_in_dim3A_16 : vector<512x1xf32> to vector<512x128xf32>
    %sub3A_17 = arith.subf %select_n3A, %sub3A : vector<512x128xf32>
    %exp3A = math.exp %sub3A_17 : vector<512x128xf32>
    %lt3A_18 = arith.constant 8.000000e+00 : f32
    %lt3A_19 = vector.broadcast %lt3A_18 : f32 to vector<512x128xf32>
    %lt3A_20 = arith.cmpf olt, %convert_element_type3A_2, %lt3A_19 : vector<512x128xf32>
    %jit3A_21 = arith.constant 0.000000e+00 : f32
    %broadcast_in_dim3A_22 = vector.broadcast %jit3A_21 : f32 to vector<512x128xf32>
    %select_n3A_23 = arith.select %lt3A_20, %exp3A, %broadcast_in_dim3A_22 : vector<512x128xi1>, vector<512x128xf32>
    %reduce_sum3A = arith.constant dense<0.000000e+00> : vector<512xf32>
    %reduce_sum3A_24 = vector.multi_reduction <add>, %select_n3A_23, %reduce_sum3A [1] : vector<512x128xf32> to vector<512xf32>
    %broadcast_in_dim3A_25 = vector.shape_cast %reduce_sum3A_24 : vector<512xf32> to vector<512x1xf32>
    %div3A = vector.broadcast %broadcast_in_dim3A_25 : vector<512x1xf32> to vector<512x128xf32>
    %div3A_26 = arith.divf %select_n3A_23, %div3A : vector<512x128xf32>
    %reduce_max3A_27 = arith.constant dense<0xFF800000> : vector<512xf32>
    %reduce_max3A_28 = vector.multi_reduction <maximumf>, %div3A_26, %reduce_max3A_27 [1] : vector<512x128xf32> to vector<512xf32>
    %broadcast_in_dim3A_29 = vector.shape_cast %reduce_max3A_28 : vector<512xf32> to vector<512x1xf32>
    %eq3A_30 = vector.broadcast %broadcast_in_dim3A_29 : vector<512x1xf32> to vector<512x128xf32>
    %eq3A_31 = arith.cmpf oeq, %div3A_26, %eq3A_30 : vector<512x128xf32>
    %jit3A_32 = arith.constant 1.000000e+09 : f32
    %broadcast_in_dim3A_33 = vector.broadcast %jit3A_32 : f32 to vector<512x128xf32>
    %select_n3A_34 = arith.select %eq3A_31, %convert_element_type3A_2, %broadcast_in_dim3A_33 : vector<512x128xi1>, vector<512x128xf32>
    %reduce_min3A = arith.constant dense<0x7F800000> : vector<512xf32>
    %reduce_min3A_35 = vector.multi_reduction <minimumf>, %select_n3A_34, %reduce_min3A [1] : vector<512x128xf32> to vector<512xf32>
    %broadcast_in_dim3A_36 = vector.shape_cast %reduce_min3A_35 : vector<512xf32> to vector<512x1xf32>
    %eq3A_37 = vector.broadcast %broadcast_in_dim3A_36 : vector<512x1xf32> to vector<512x128xf32>
    %eq3A_38 = arith.cmpf oeq, %convert_element_type3A_2, %eq3A_37 : vector<512x128xf32>
    %jit3A_39 = arith.constant -1.000000e+00 : f32
    %broadcast_in_dim3A_40 = vector.broadcast %jit3A_39 : f32 to vector<512x128xf32>
    %select_n3A_41 = arith.select %eq3A_38, %broadcast_in_dim3A_40, %div3A_26 : vector<512x128xi1>, vector<512x128xf32>
    %reduce_max3A_42 = arith.constant dense<0xFF800000> : vector<512xf32>
    %reduce_max3A_43 = vector.multi_reduction <maximumf>, %select_n3A_41, %reduce_max3A_42 [1] : vector<512x128xf32> to vector<512xf32>
    %broadcast_in_dim3A_44 = vector.shape_cast %reduce_max3A_43 : vector<512xf32> to vector<512x1xf32>
    %eq3A_45 = vector.broadcast %broadcast_in_dim3A_44 : vector<512x1xf32> to vector<512x128xf32>
    %eq3A_46 = arith.cmpf oeq, %select_n3A_41, %eq3A_45 : vector<512x128xf32>
    %jit3A_47 = arith.constant 1.000000e+09 : f32
    %broadcast_in_dim3A_48 = vector.broadcast %jit3A_47 : f32 to vector<512x128xf32>
    %select_n3A_49 = arith.select %eq3A_46, %convert_element_type3A_2, %broadcast_in_dim3A_48 : vector<512x128xi1>, vector<512x128xf32>
    %reduce_min3A_50 = arith.constant dense<0x7F800000> : vector<512xf32>
    %reduce_min3A_51 = vector.multi_reduction <minimumf>, %select_n3A_49, %reduce_min3A_50 [1] : vector<512x128xf32> to vector<512xf32>
    %broadcast_in_dim3A_52 = vector.shape_cast %reduce_min3A_51 : vector<512xf32> to vector<512x1xf32>
    %add3A_53 = arith.addf %broadcast_in_dim3A_29, %broadcast_in_dim3A_44 : vector<512x1xf32>
    %add3A_54 = arith.constant 9.99999971E-10 : f32
    %add3A_55 = vector.broadcast %add3A_54 : f32 to vector<512x1xf32>
    %add3A_56 = arith.addf %add3A_53, %add3A_55 : vector<512x1xf32>
    %div3A_57 = arith.divf %broadcast_in_dim3A_29, %add3A_56 : vector<512x1xf32>
    %div3A_58 = arith.divf %broadcast_in_dim3A_44, %add3A_56 : vector<512x1xf32>
    %gt3A = arith.constant 9.99999971E-10 : f32
    %gt3A_59 = vector.broadcast %gt3A : f32 to vector<512x1xf32>
    %gt3A_60 = arith.cmpf ogt, %div3A_57, %gt3A_59 : vector<512x1xf32>
    %jit3A_61 = arith.constant 1.000000e+00 : f32
    %jit3A_62 = arith.constant 0.000000e+00 : f32
    %broadcast_in_dim3A_63 = vector.broadcast %jit3A_61 : f32 to vector<512x1xf32>
    %broadcast_in_dim3A_64 = vector.broadcast %jit3A_62 : f32 to vector<512x1xf32>
    %select_n3A_65 = arith.select %gt3A_60, %broadcast_in_dim3A_63, %broadcast_in_dim3A_64 : vector<512x1xi1>, vector<512x1xf32>
    %gt3A_66 = arith.constant 9.99999971E-10 : f32
    %gt3A_67 = vector.broadcast %gt3A_66 : f32 to vector<512x1xf32>
    %gt3A_68 = arith.cmpf ogt, %div3A_58, %gt3A_67 : vector<512x1xf32>
    %jit3A_69 = arith.constant 1.000000e+00 : f32
    %jit3A_70 = arith.constant 0.000000e+00 : f32
    %broadcast_in_dim3A_71 = vector.broadcast %jit3A_69 : f32 to vector<512x1xf32>
    %broadcast_in_dim3A_72 = vector.broadcast %jit3A_70 : f32 to vector<512x1xf32>
    %select_n3A_73 = arith.select %gt3A_68, %broadcast_in_dim3A_71, %broadcast_in_dim3A_72 : vector<512x1xi1>, vector<512x1xf32>
    %eq3A_74 = vector.broadcast %broadcast_in_dim3A_36 : vector<512x1xf32> to vector<512x128xf32>
    %eq3A_75 = arith.cmpf oeq, %convert_element_type3A_2, %eq3A_74 : vector<512x128xf32>
    %jit3A_76 = arith.constant 1.000000e+00 : f32
    %jit3A_77 = arith.constant 0.000000e+00 : f32
    %broadcast_in_dim3A_78 = vector.broadcast %jit3A_76 : f32 to vector<512x128xf32>
    %broadcast_in_dim3A_79 = vector.broadcast %jit3A_77 : f32 to vector<512x128xf32>
    %select_n3A_80 = arith.select %eq3A_75, %broadcast_in_dim3A_78, %broadcast_in_dim3A_79 : vector<512x128xi1>, vector<512x128xf32>
    %mul3A = vector.broadcast %select_n3A_65 : vector<512x1xf32> to vector<512x128xf32>
    %mul3A_81 = arith.mulf %select_n3A_80, %mul3A : vector<512x128xf32>
    %eq3A_82 = vector.broadcast %broadcast_in_dim3A_52 : vector<512x1xf32> to vector<512x128xf32>
    %eq3A_83 = arith.cmpf oeq, %convert_element_type3A_2, %eq3A_82 : vector<512x128xf32>
    %jit3A_84 = arith.constant 1.000000e+00 : f32
    %jit3A_85 = arith.constant 0.000000e+00 : f32
    %broadcast_in_dim3A_86 = vector.broadcast %jit3A_84 : f32 to vector<512x128xf32>
    %broadcast_in_dim3A_87 = vector.broadcast %jit3A_85 : f32 to vector<512x128xf32>
    %select_n3A_88 = arith.select %eq3A_83, %broadcast_in_dim3A_86, %broadcast_in_dim3A_87 : vector<512x128xi1>, vector<512x128xf32>
    %mul3A_89 = vector.broadcast %select_n3A_73 : vector<512x1xf32> to vector<512x128xf32>
    %mul3A_90 = arith.mulf %select_n3A_88, %mul3A_89 : vector<512x128xf32>
    %iota3A_91 = tpu.iota {dimensions = array<i32: 0>} : vector<512x512xi32>
    %iota3A_92 = tpu.iota {dimensions = array<i32: 1>} : vector<512x512xi32>
    %lt3A_93 = arith.cmpi slt, %iota3A_92, %iota3A_91 : vector<512x512xi32>
    %jit3A_94 = arith.constant 1.000000e+00 : f32
    %jit3A_95 = arith.constant 0.000000e+00 : f32
    %broadcast_in_dim3A_96 = vector.broadcast %jit3A_94 : f32 to vector<512x512xf32>
    %broadcast_in_dim3A_97 = vector.broadcast %jit3A_95 : f32 to vector<512x512xf32>
    %select_n3A_98 = arith.select %lt3A_93, %broadcast_in_dim3A_96, %broadcast_in_dim3A_97 : vector<512x512xi1>, vector<512x512xf32>
    %dot_general3A_99 = arith.constant dense<0.000000e+00> : vector<512x128xf32>
    %dot_general3A_100 = tpu.matmul %select_n3A_98, %mul3A_81, %dot_general3A_99 {dimension_numbers = #tpu.dot_dimension_numbers<[1], [0], [0], [1], [0, 0, 1, 1], [], []>, transpose_lhs_hint = false} : vector<512x512xf32>, vector<512x128xf32>, vector<512x128xf32> -> vector<512x128xf32>
    %dot_general3A_101 = arith.constant dense<0.000000e+00> : vector<512x128xf32>
    %dot_general3A_102 = tpu.matmul %select_n3A_98, %mul3A_90, %dot_general3A_101 {dimension_numbers = #tpu.dot_dimension_numbers<[1], [0], [0], [1], [0, 0, 1, 1], [], []>, transpose_lhs_hint = false} : vector<512x512xf32>, vector<512x128xf32>, vector<512x128xf32> -> vector<512x128xf32>
    %get3A_103 = arith.constant 0 : index
    %get3A_104 = arith.constant 0 : index
    %get3A_105 = vector.load %arg6[%get3A_103, %get3A_104] : memref<1x128xf32, #tpu.memory_space<vmem>>, vector<1x128xf32>
    %add3A_106 = vector.broadcast %get3A_105 : vector<1x128xf32> to vector<512x128xf32>
    %add3A_107 = arith.addf %dot_general3A_100, %add3A_106 : vector<512x128xf32>
    %mul3A_108 = arith.mulf %mul3A_81, %add3A_107 : vector<512x128xf32>
    %reduce_sum3A_109 = arith.constant dense<0.000000e+00> : vector<512xf32>
    %reduce_sum3A_110 = vector.multi_reduction <add>, %mul3A_108, %reduce_sum3A_109 [1] : vector<512x128xf32> to vector<512xf32>
    %broadcast_in_dim3A_111 = vector.shape_cast %reduce_sum3A_110 : vector<512xf32> to vector<512x1xf32>
    %get3A_112 = arith.constant 0 : index
    %get3A_113 = arith.constant 0 : index
    %get3A_114 = vector.load %arg7[%get3A_112, %get3A_113] : memref<1x128xf32, #tpu.memory_space<vmem>>, vector<1x128xf32>
    %add3A_115 = vector.broadcast %get3A_114 : vector<1x128xf32> to vector<512x128xf32>
    %add3A_116 = arith.addf %dot_general3A_102, %add3A_115 : vector<512x128xf32>
    %mul3A_117 = arith.mulf %mul3A_90, %add3A_116 : vector<512x128xf32>
    %reduce_sum3A_118 = arith.constant dense<0.000000e+00> : vector<512xf32>
    %reduce_sum3A_119 = vector.multi_reduction <add>, %mul3A_117, %reduce_sum3A_118 [1] : vector<512x128xf32> to vector<512xf32>
    %broadcast_in_dim3A_120 = vector.shape_cast %reduce_sum3A_119 : vector<512xf32> to vector<512x1xf32>
    %get3A_121 = arith.constant 0 : index
    %get3A_122 = arith.constant 0 : index
    %get3A_123 = vector.load %arg6[%get3A_121, %get3A_122] : memref<1x128xf32, #tpu.memory_space<vmem>>, vector<1x128xf32>
    %reduce_sum3A_124 = arith.constant dense<0.000000e+00> : vector<128xf32>
    %reduce_sum3A_125 = vector.multi_reduction <add>, %mul3A_81, %reduce_sum3A_124 [0] : vector<512x128xf32> to vector<128xf32>
    %broadcast_in_dim3A_126 = vector.shape_cast %reduce_sum3A_125 : vector<128xf32> to vector<1x128xf32>
    %add3A_127 = arith.addf %get3A_123, %broadcast_in_dim3A_126 : vector<1x128xf32>
    %swap3A = arith.constant 0 : index
    %swap3A_128 = arith.constant 0 : index
    %swap3A_129 = vector.load %arg6[%swap3A, %swap3A_128] : memref<1x128xf32, #tpu.memory_space<vmem>>, vector<1x128xf32>
    tpu.vector_store %arg6[%swap3A, %swap3A_128], %add3A_127 {strides = array<i32>} : memref<1x128xf32, #tpu.memory_space<vmem>>, vector<1x128xf32>,
    %get3A_130 = arith.constant 0 : index
    %get3A_131 = arith.constant 0 : index
    %get3A_132 = vector.load %arg7[%get3A_130, %get3A_131] : memref<1x128xf32, #tpu.memory_space<vmem>>, vector<1x128xf32>
    %reduce_sum3A_133 = arith.constant dense<0.000000e+00> : vector<128xf32>
    %reduce_sum3A_134 = vector.multi_reduction <add>, %mul3A_90, %reduce_sum3A_133 [0] : vector<512x128xf32> to vector<128xf32>
    %broadcast_in_dim3A_135 = vector.shape_cast %reduce_sum3A_134 : vector<128xf32> to vector<1x128xf32>
    %add3A_136 = arith.addf %get3A_132, %broadcast_in_dim3A_135 : vector<1x128xf32>
    %swap3A_137 = arith.constant 0 : index
    %swap3A_138 = arith.constant 0 : index
    %swap3A_139 = vector.load %arg7[%swap3A_137, %swap3A_138] : memref<1x128xf32, #tpu.memory_space<vmem>>, vector<1x128xf32>
    tpu.vector_store %arg7[%swap3A_137, %swap3A_138], %add3A_136 {strides = array<i32>} : memref<1x128xf32, #tpu.memory_space<vmem>>, vector<1x128xf32>,
    %eq3A_140 = arith.constant 0.000000e+00 : f32
    %eq3A_141 = vector.broadcast %eq3A_140 : f32 to vector<512x128xf32>
    %eq3A_142 = arith.cmpf oeq, %convert_element_type3A_2, %eq3A_141 : vector<512x128xf32>
    %jit3A_143 = arith.constant 0.000000e+00 : f32
    %broadcast_in_dim3A_144 = vector.shape_cast %broadcast_in_dim3A_36 : vector<512x1xf32> to vector<512x1xf32>
    %broadcast_in_dim3A_145 = vector.broadcast %broadcast_in_dim3A_144 : vector<512x1xf32> to vector<512x128xf32>
    %broadcast_in_dim3A_146 = vector.broadcast %jit3A_143 : f32 to vector<512x128xf32>
    %select_n3A_147 = arith.select %eq3A_142, %broadcast_in_dim3A_145, %broadcast_in_dim3A_146 : vector<512x128xi1>, vector<512x128xf32>
    %eq3A_148 = arith.constant 1.000000e+00 : f32
    %eq3A_149 = vector.broadcast %eq3A_148 : f32 to vector<512x128xf32>
    %eq3A_150 = arith.cmpf oeq, %convert_element_type3A_2, %eq3A_149 : vector<512x128xf32>
    %jit3A_151 = arith.constant 0.000000e+00 : f32
    %broadcast_in_dim3A_152 = vector.shape_cast %broadcast_in_dim3A_52 : vector<512x1xf32> to vector<512x1xf32>
    %broadcast_in_dim3A_153 = vector.broadcast %broadcast_in_dim3A_152 : vector<512x1xf32> to vector<512x128xf32>
    %broadcast_in_dim3A_154 = vector.broadcast %jit3A_151 : f32 to vector<512x128xf32>
    %select_n3A_155 = arith.select %eq3A_150, %broadcast_in_dim3A_153, %broadcast_in_dim3A_154 : vector<512x128xi1>, vector<512x128xf32>
    %add3A_156 = arith.addf %select_n3A_147, %select_n3A_155 : vector<512x128xf32>
    %eq3A_157 = arith.constant 2.000000e+00 : f32
    %eq3A_158 = vector.broadcast %eq3A_157 : f32 to vector<512x128xf32>
    %eq3A_159 = arith.cmpf oeq, %convert_element_type3A_2, %eq3A_158 : vector<512x128xf32>
    %jit3A_160 = arith.constant 0.000000e+00 : f32
    %broadcast_in_dim3A_161 = vector.shape_cast %div3A_57 : vector<512x1xf32> to vector<512x1xf32>
    %broadcast_in_dim3A_162 = vector.broadcast %broadcast_in_dim3A_161 : vector<512x1xf32> to vector<512x128xf32>
    %broadcast_in_dim3A_163 = vector.broadcast %jit3A_160 : f32 to vector<512x128xf32>
    %select_n3A_164 = arith.select %eq3A_159, %broadcast_in_dim3A_162, %broadcast_in_dim3A_163 : vector<512x128xi1>, vector<512x128xf32>
    %add3A_165 = arith.addf %add3A_156, %select_n3A_164 : vector<512x128xf32>
    %eq3A_166 = arith.constant 3.000000e+00 : f32
    %eq3A_167 = vector.broadcast %eq3A_166 : f32 to vector<512x128xf32>
    %eq3A_168 = arith.cmpf oeq, %convert_element_type3A_2, %eq3A_167 : vector<512x128xf32>
    %jit3A_169 = arith.constant 0.000000e+00 : f32
    %broadcast_in_dim3A_170 = vector.shape_cast %div3A_58 : vector<512x1xf32> to vector<512x1xf32>
    %broadcast_in_dim3A_171 = vector.broadcast %broadcast_in_dim3A_170 : vector<512x1xf32> to vector<512x128xf32>
    %broadcast_in_dim3A_172 = vector.broadcast %jit3A_169 : f32 to vector<512x128xf32>
    %select_n3A_173 = arith.select %eq3A_168, %broadcast_in_dim3A_171, %broadcast_in_dim3A_172 : vector<512x128xi1>, vector<512x128xf32>
    %add3A_174 = arith.addf %add3A_165, %select_n3A_173 : vector<512x128xf32>
    %eq3A_175 = arith.constant 4.000000e+00 : f32
    %eq3A_176 = vector.broadcast %eq3A_175 : f32 to vector<512x128xf32>
    %eq3A_177 = arith.cmpf oeq, %convert_element_type3A_2, %eq3A_176 : vector<512x128xf32>
    %jit3A_178 = arith.constant 0.000000e+00 : f32
    %broadcast_in_dim3A_179 = vector.shape_cast %broadcast_in_dim3A_111 : vector<512x1xf32> to vector<512x1xf32>
    %broadcast_in_dim3A_180 = vector.broadcast %broadcast_in_dim3A_179 : vector<512x1xf32> to vector<512x128xf32>
    %broadcast_in_dim3A_181 = vector.broadcast %jit3A_178 : f32 to vector<512x128xf32>
    %select_n3A_182 = arith.select %eq3A_177, %broadcast_in_dim3A_180, %broadcast_in_dim3A_181 : vector<512x128xi1>, vector<512x128xf32>
    %add3A_183 = arith.addf %add3A_174, %select_n3A_182 : vector<512x128xf32>
    %eq3A_184 = arith.constant 5.000000e+00 : f32
    %eq3A_185 = vector.broadcast %eq3A_184 : f32 to vector<512x128xf32>
    %eq3A_186 = arith.cmpf oeq, %convert_element_type3A_2, %eq3A_185 : vector<512x128xf32>
    %jit3A_187 = arith.constant 0.000000e+00 : f32
    %broadcast_in_dim3A_188 = vector.shape_cast %broadcast_in_dim3A_120 : vector<512x1xf32> to vector<512x1xf32>
    %broadcast_in_dim3A_189 = vector.broadcast %broadcast_in_dim3A_188 : vector<512x1xf32> to vector<512x128xf32>
    %broadcast_in_dim3A_190 = vector.broadcast %jit3A_187 : f32 to vector<512x128xf32>
    %select_n3A_191 = arith.select %eq3A_186, %broadcast_in_dim3A_189, %broadcast_in_dim3A_190 : vector<512x128xi1>, vector<512x128xf32>
    %add3A_192 = arith.addf %add3A_183, %select_n3A_191 : vector<512x128xf32>
    %eq3A_193 = arith.constant 6.000000e+00 : f32
    %eq3A_194 = vector.broadcast %eq3A_193 : f32 to vector<512x128xf32>
    %eq3A_195 = arith.cmpf oeq, %convert_element_type3A_2, %eq3A_194 : vector<512x128xf32>
    %jit3A_196 = arith.constant 0.000000e+00 : f32
    %broadcast_in_dim3A_197 = vector.shape_cast %select_n3A_65 : vector<512x1xf32> to vector<512x1xf32>
    %broadcast_in_dim3A_198 = vector.broadcast %broadcast_in_dim3A_197 : vector<512x1xf32> to vector<512x128xf32>
    %broadcast_in_dim3A_199 = vector.broadcast %jit3A_196 : f32 to vector<512x128xf32>
    %select_n3A_200 = arith.select %eq3A_195, %broadcast_in_dim3A_198, %broadcast_in_dim3A_199 : vector<512x128xi1>, vector<512x128xf32>
    %add3A_201 = arith.addf %add3A_192, %select_n3A_200 : vector<512x128xf32>
    %eq3A_202 = arith.constant 7.000000e+00 : f32
    %eq3A_203 = vector.broadcast %eq3A_202 : f32 to vector<512x128xf32>
    %eq3A_204 = arith.cmpf oeq, %convert_element_type3A_2, %eq3A_203 : vector<512x128xf32>
    %jit3A_205 = arith.constant 0.000000e+00 : f32
    %broadcast_in_dim3A_206 = vector.shape_cast %select_n3A_73 : vector<512x1xf32> to vector<512x1xf32>
    %broadcast_in_dim3A_207 = vector.broadcast %broadcast_in_dim3A_206 : vector<512x1xf32> to vector<512x128xf32>
    %broadcast_in_dim3A_208 = vector.broadcast %jit3A_205 : f32 to vector<512x128xf32>
    %select_n3A_209 = arith.select %eq3A_204, %broadcast_in_dim3A_207, %broadcast_in_dim3A_208 : vector<512x128xi1>, vector<512x128xf32>
    %add3A_210 = arith.addf %add3A_201, %select_n3A_209 : vector<512x128xf32>
    %swap3A_211 = arith.constant 0 : index
    %swap3A_212 = arith.constant 0 : index
    %swap3A_213 = vector.load %arg4[%swap3A_211, %swap3A_212] : memref<512x128xf32, #tpu.memory_space<vmem>>, vector<512x128xf32>
    tpu.vector_store %arg4[%swap3A_211, %swap3A_212], %add3A_210 {strides = array<i32>} : memref<512x128xf32, #tpu.memory_space<vmem>>, vector<512x128xf32>,
    %get3A_214 = arith.constant 0 : index
    %get3A_215 = arith.constant 0 : index
    %get3A_216 = vector.load %arg6[%get3A_214, %get3A_215] : memref<1x128xf32, #tpu.memory_space<vmem>>, vector<1x128xf32>
    %broadcast_in_dim3A_217 = vector.shape_cast %get3A_216 : vector<1x128xf32> to vector<1x128xf32>
    %broadcast_in_dim3A_218 = vector.broadcast %broadcast_in_dim3A_217 : vector<1x128xf32> to vector<8x128xf32>
    %swap3A_219 = arith.constant 0 : index
    %swap3A_220 = arith.constant 0 : index
    %swap3A_221 = vector.load %arg5[%swap3A_219, %swap3A_220] : memref<8x128xf32, #tpu.memory_space<vmem>>, vector<8x128xf32>
    tpu.vector_store %arg5[%swap3A_219, %swap3A_220], %broadcast_in_dim3A_218 {strides = array<i32>} : memref<8x128xf32, #tpu.memory_space<vmem>>, vector<8x128xf32>,
    return
  }
  func.func @transform_0(%arg0: i32) -> (i32, i32) {
    %c0_i32 = arith.constant 0 : i32
    %c0_i32_0 = arith.constant 0 : i32
    return %arg0, %c0_i32 : i32, i32
  }
  func.func @transform_1(%arg0: i32) -> (i32, i32) {
    %c0_i32 = arith.constant 0 : i32
    %c0_i32_0 = arith.constant 0 : i32
    %c0_i32_1 = arith.constant 0 : i32
    return %c0_i32, %c0_i32_0 : i32, i32
  }
  func.func @transform_2(%arg0: i32) -> (i32, i32) {
    %c0_i32 = arith.constant 0 : i32
    %c0_i32_0 = arith.constant 0 : i32
    %c0_i32_1 = arith.constant 0 : i32
    return %c0_i32, %c0_i32_0 : i32, i32
  }
  func.func @transform_3(%arg0: i32) -> (i32, i32) {
    %c0_i32 = arith.constant 0 : i32
    %c0_i32_0 = arith.constant 0 : i32
    return %arg0, %c0_i32 : i32, i32
  }
  func.func @transform_4(%arg0: i32) -> (i32, i32) {
    %c0_i32 = arith.constant 0 : i32
    %c0_i32_0 = arith.constant 0 : i32
    %c0_i32_1 = arith.constant 0 : i32
    return %c0_i32, %c0_i32_0 : i32, i32
  }
}

module attributes {stable_mosaic.version = 14 : i64} {
  func.func @_finalize_body(%arg0: i32, %arg1: memref<512x128xf32, #tpu.memory_space<vmem>>, %arg2: memref<8x128xf32, #tpu.memory_space<vmem>>, %arg3: memref<512x128xf32, #tpu.memory_space<vmem>>) attributes {dimension_semantics = [#tpu.dimension_semantics<arbitrary>], iteration_bounds = array<i64: 16>, scalar_prefetch = 0 : i64, scratch_operands = 0 : i64, tpu.core_type = #tpu.core_type<tc>, window_params = [{transform_indices = @transform_0, window_bounds = array<i64: 512, 128>}, {pipeline_mode = #tpu.pipeline_mode<synchronous>, transform_indices = @transform_1, window_bounds = array<i64: 8, 128>}, {transform_indices = @transform_2, window_bounds = array<i64: 512, 128>}]} {
    %iota3A = tpu.iota {dimensions = array<i32: 1>} : vector<512x128xi32>
    %convert_element_type3A = arith.sitofp %iota3A : vector<512x128xi32> to vector<512x128xf32>
    %get3A = arith.constant 0 : index
    %get3A_0 = arith.constant 0 : index
    %get3A_1 = vector.load %arg1[%get3A, %get3A_0] : memref<512x128xf32, #tpu.memory_space<vmem>>, vector<512x128xf32>
    %slice3A = vector.extract_strided_slice %get3A_1 {offsets = [0, 0], sizes = [512, 1], strides = [1, 1]} : vector<512x128xf32> to vector<512x1xf32>
    %slice3A_2 = vector.extract_strided_slice %get3A_1 {offsets = [0, 1], sizes = [512, 1], strides = [1, 1]} : vector<512x128xf32> to vector<512x1xf32>
    %slice3A_3 = vector.extract_strided_slice %get3A_1 {offsets = [0, 2], sizes = [512, 1], strides = [1, 1]} : vector<512x128xf32> to vector<512x1xf32>
    %slice3A_4 = vector.extract_strided_slice %get3A_1 {offsets = [0, 3], sizes = [512, 1], strides = [1, 1]} : vector<512x128xf32> to vector<512x1xf32>
    %slice3A_5 = vector.extract_strided_slice %get3A_1 {offsets = [0, 4], sizes = [512, 1], strides = [1, 1]} : vector<512x128xf32> to vector<512x1xf32>
    %slice3A_6 = vector.extract_strided_slice %get3A_1 {offsets = [0, 5], sizes = [512, 1], strides = [1, 1]} : vector<512x128xf32> to vector<512x1xf32>
    %slice3A_7 = vector.extract_strided_slice %get3A_1 {offsets = [0, 6], sizes = [512, 1], strides = [1, 1]} : vector<512x128xf32> to vector<512x1xf32>
    %slice3A_8 = vector.extract_strided_slice %get3A_1 {offsets = [0, 7], sizes = [512, 1], strides = [1, 1]} : vector<512x128xf32> to vector<512x1xf32>
    %get3A_9 = arith.constant 0 : index
    %get3A_10 = arith.constant 0 : index
    %get3A_11 = vector.load %arg2[%get3A_9, %get3A_10] : memref<8x128xf32, #tpu.memory_space<vmem>>, vector<1x128xf32>
    %min3A = arith.constant 1.230000e+03 : f32
    %min3A_12 = vector.broadcast %min3A : f32 to vector<1x128xf32>
    %min3A_13 = arith.minimumf %min3A_12, %get3A_11 : vector<1x128xf32>
    %eq3A = vector.broadcast %slice3A_2 : vector<512x1xf32> to vector<512x128xf32>
    %eq3A_14 = arith.cmpf oeq, %convert_element_type3A, %eq3A : vector<512x128xf32>
    %jit3A = arith.constant 1.000000e+00 : f32
    %jit3A_15 = arith.constant 0.000000e+00 : f32
    %broadcast_in_dim3A = vector.broadcast %jit3A : f32 to vector<512x128xf32>
    %broadcast_in_dim3A_16 = vector.broadcast %jit3A_15 : f32 to vector<512x128xf32>
    %select_n3A = arith.select %eq3A_14, %broadcast_in_dim3A, %broadcast_in_dim3A_16 : vector<512x128xi1>, vector<512x128xf32>
    %mul3A = vector.broadcast %min3A_13 : vector<1x128xf32> to vector<512x128xf32>
    %mul3A_17 = arith.mulf %select_n3A, %mul3A : vector<512x128xf32>
    %reduce_sum3A = arith.constant dense<0.000000e+00> : vector<512xf32>
    %reduce_sum3A_18 = vector.multi_reduction <add>, %mul3A_17, %reduce_sum3A [1] : vector<512x128xf32> to vector<512xf32>
    %broadcast_in_dim3A_19 = vector.shape_cast %reduce_sum3A_18 : vector<512xf32> to vector<512x1xf32>
    %gt3A = arith.constant 0.000000e+00 : f32
    %gt3A_20 = vector.broadcast %gt3A : f32 to vector<512x1xf32>
    %gt3A_21 = arith.cmpf ogt, %slice3A_7, %gt3A_20 : vector<512x1xf32>
    %lt3A = arith.constant 1.230000e+03 : f32
    %lt3A_22 = vector.broadcast %lt3A : f32 to vector<512x1xf32>
    %lt3A_23 = arith.cmpf olt, %slice3A_5, %lt3A_22 : vector<512x1xf32>
    %and3A = arith.andi %gt3A_21, %lt3A_23 : vector<512x1xi1>
    %add3A = arith.addf %broadcast_in_dim3A_19, %slice3A_6 : vector<512x1xf32>
    %gt3A_24 = arith.constant 0.000000e+00 : f32
    %gt3A_25 = vector.broadcast %gt3A_24 : f32 to vector<512x1xf32>
    %gt3A_26 = arith.cmpf ogt, %slice3A_8, %gt3A_25 : vector<512x1xf32>
    %lt3A_27 = arith.constant 1.230000e+03 : f32
    %lt3A_28 = vector.broadcast %lt3A_27 : f32 to vector<512x1xf32>
    %lt3A_29 = arith.cmpf olt, %add3A, %lt3A_28 : vector<512x1xf32>
    %and3A_30 = arith.andi %gt3A_26, %lt3A_29 : vector<512x1xi1>
    %mul3A_31 = arith.constant 1.280000e+03 : f32
    %mul3A_32 = vector.broadcast %mul3A_31 : f32 to vector<512x1xf32>
    %mul3A_33 = arith.mulf %slice3A, %mul3A_32 : vector<512x1xf32>
    %add3A_34 = arith.addf %mul3A_33, %slice3A_5 : vector<512x1xf32>
    %mul3A_35 = arith.constant 1.280000e+03 : f32
    %mul3A_36 = vector.broadcast %mul3A_35 : f32 to vector<512x1xf32>
    %mul3A_37 = arith.mulf %slice3A_2, %mul3A_36 : vector<512x1xf32>
    %add3A_38 = arith.addf %mul3A_37, %add3A : vector<512x1xf32>
    %jit3A_39 = arith.constant 1.024000e+04 : f32
    %broadcast_in_dim3A_40 = vector.broadcast %jit3A_39 : f32 to vector<512x1xf32>
    %select_n3A_41 = arith.select %and3A, %add3A_34, %broadcast_in_dim3A_40 : vector<512x1xi1>, vector<512x1xf32>
    %jit3A_42 = arith.constant 1.024000e+04 : f32
    %broadcast_in_dim3A_43 = vector.broadcast %jit3A_42 : f32 to vector<512x1xf32>
    %select_n3A_44 = arith.select %and3A_30, %add3A_38, %broadcast_in_dim3A_43 : vector<512x1xi1>, vector<512x1xf32>
    %jit3A_45 = arith.constant 0.000000e+00 : f32
    %broadcast_in_dim3A_46 = vector.broadcast %jit3A_45 : f32 to vector<512x1xf32>
    %select_n3A_47 = arith.select %and3A, %add3A_34, %broadcast_in_dim3A_46 : vector<512x1xi1>, vector<512x1xf32>
    %jit3A_48 = arith.constant 0.000000e+00 : f32
    %broadcast_in_dim3A_49 = vector.broadcast %jit3A_48 : f32 to vector<512x1xf32>
    %select_n3A_50 = arith.select %and3A_30, %add3A_38, %broadcast_in_dim3A_49 : vector<512x1xi1>, vector<512x1xf32>
    %jit3A_51 = arith.constant 0.000000e+00 : f32
    %broadcast_in_dim3A_52 = vector.broadcast %jit3A_51 : f32 to vector<512x1xf32>
    %select_n3A_53 = arith.select %and3A, %slice3A_3, %broadcast_in_dim3A_52 : vector<512x1xi1>, vector<512x1xf32>
    %jit3A_54 = arith.constant 0.000000e+00 : f32
    %broadcast_in_dim3A_55 = vector.broadcast %jit3A_54 : f32 to vector<512x1xf32>
    %select_n3A_56 = arith.select %and3A_30, %slice3A_4, %broadcast_in_dim3A_55 : vector<512x1xi1>, vector<512x1xf32>
    %add3A_57 = arith.addf %select_n3A_53, %select_n3A_56 : vector<512x1xf32>
    %eq3A_58 = arith.constant 0.000000e+00 : f32
    %eq3A_59 = vector.broadcast %eq3A_58 : f32 to vector<512x128xf32>
    %eq3A_60 = arith.cmpf oeq, %convert_element_type3A, %eq3A_59 : vector<512x128xf32>
    %jit3A_61 = arith.constant 0.000000e+00 : f32
    %broadcast_in_dim3A_62 = vector.shape_cast %select_n3A_41 : vector<512x1xf32> to vector<512x1xf32>
    %broadcast_in_dim3A_63 = vector.broadcast %broadcast_in_dim3A_62 : vector<512x1xf32> to vector<512x128xf32>
    %broadcast_in_dim3A_64 = vector.broadcast %jit3A_61 : f32 to vector<512x128xf32>
    %select_n3A_65 = arith.select %eq3A_60, %broadcast_in_dim3A_63, %broadcast_in_dim3A_64 : vector<512x128xi1>, vector<512x128xf32>
    %eq3A_66 = arith.constant 1.000000e+00 : f32
    %eq3A_67 = vector.broadcast %eq3A_66 : f32 to vector<512x128xf32>
    %eq3A_68 = arith.cmpf oeq, %convert_element_type3A, %eq3A_67 : vector<512x128xf32>
    %jit3A_69 = arith.constant 0.000000e+00 : f32
    %broadcast_in_dim3A_70 = vector.shape_cast %select_n3A_44 : vector<512x1xf32> to vector<512x1xf32>
    %broadcast_in_dim3A_71 = vector.broadcast %broadcast_in_dim3A_70 : vector<512x1xf32> to vector<512x128xf32>
    %broadcast_in_dim3A_72 = vector.broadcast %jit3A_69 : f32 to vector<512x128xf32>
    %select_n3A_73 = arith.select %eq3A_68, %broadcast_in_dim3A_71, %broadcast_in_dim3A_72 : vector<512x128xi1>, vector<512x128xf32>
    %add3A_74 = arith.addf %select_n3A_65, %select_n3A_73 : vector<512x128xf32>
    %eq3A_75 = arith.constant 2.000000e+00 : f32
    %eq3A_76 = vector.broadcast %eq3A_75 : f32 to vector<512x128xf32>
    %eq3A_77 = arith.cmpf oeq, %convert_element_type3A, %eq3A_76 : vector<512x128xf32>
    %jit3A_78 = arith.constant 0.000000e+00 : f32
    %broadcast_in_dim3A_79 = vector.shape_cast %select_n3A_47 : vector<512x1xf32> to vector<512x1xf32>
    %broadcast_in_dim3A_80 = vector.broadcast %broadcast_in_dim3A_79 : vector<512x1xf32> to vector<512x128xf32>
    %broadcast_in_dim3A_81 = vector.broadcast %jit3A_78 : f32 to vector<512x128xf32>
    %select_n3A_82 = arith.select %eq3A_77, %broadcast_in_dim3A_80, %broadcast_in_dim3A_81 : vector<512x128xi1>, vector<512x128xf32>
    %add3A_83 = arith.addf %add3A_74, %select_n3A_82 : vector<512x128xf32>
    %eq3A_84 = arith.constant 3.000000e+00 : f32
    %eq3A_85 = vector.broadcast %eq3A_84 : f32 to vector<512x128xf32>
    %eq3A_86 = arith.cmpf oeq, %convert_element_type3A, %eq3A_85 : vector<512x128xf32>
    %jit3A_87 = arith.constant 0.000000e+00 : f32
    %broadcast_in_dim3A_88 = vector.shape_cast %select_n3A_50 : vector<512x1xf32> to vector<512x1xf32>
    %broadcast_in_dim3A_89 = vector.broadcast %broadcast_in_dim3A_88 : vector<512x1xf32> to vector<512x128xf32>
    %broadcast_in_dim3A_90 = vector.broadcast %jit3A_87 : f32 to vector<512x128xf32>
    %select_n3A_91 = arith.select %eq3A_86, %broadcast_in_dim3A_89, %broadcast_in_dim3A_90 : vector<512x128xi1>, vector<512x128xf32>
    %add3A_92 = arith.addf %add3A_83, %select_n3A_91 : vector<512x128xf32>
    %eq3A_93 = arith.constant 4.000000e+00 : f32
    %eq3A_94 = vector.broadcast %eq3A_93 : f32 to vector<512x128xf32>
    %eq3A_95 = arith.cmpf oeq, %convert_element_type3A, %eq3A_94 : vector<512x128xf32>
    %jit3A_96 = arith.constant 0.000000e+00 : f32
    %broadcast_in_dim3A_97 = vector.shape_cast %select_n3A_53 : vector<512x1xf32> to vector<512x1xf32>
    %broadcast_in_dim3A_98 = vector.broadcast %broadcast_in_dim3A_97 : vector<512x1xf32> to vector<512x128xf32>
    %broadcast_in_dim3A_99 = vector.broadcast %jit3A_96 : f32 to vector<512x128xf32>
    %select_n3A_100 = arith.select %eq3A_95, %broadcast_in_dim3A_98, %broadcast_in_dim3A_99 : vector<512x128xi1>, vector<512x128xf32>
    %add3A_101 = arith.addf %add3A_92, %select_n3A_100 : vector<512x128xf32>
    %eq3A_102 = arith.constant 5.000000e+00 : f32
    %eq3A_103 = vector.broadcast %eq3A_102 : f32 to vector<512x128xf32>
    %eq3A_104 = arith.cmpf oeq, %convert_element_type3A, %eq3A_103 : vector<512x128xf32>
    %jit3A_105 = arith.constant 0.000000e+00 : f32
    %broadcast_in_dim3A_106 = vector.shape_cast %select_n3A_56 : vector<512x1xf32> to vector<512x1xf32>
    %broadcast_in_dim3A_107 = vector.broadcast %broadcast_in_dim3A_106 : vector<512x1xf32> to vector<512x128xf32>
    %broadcast_in_dim3A_108 = vector.broadcast %jit3A_105 : f32 to vector<512x128xf32>
    %select_n3A_109 = arith.select %eq3A_104, %broadcast_in_dim3A_107, %broadcast_in_dim3A_108 : vector<512x128xi1>, vector<512x128xf32>
    %add3A_110 = arith.addf %add3A_101, %select_n3A_109 : vector<512x128xf32>
    %eq3A_111 = arith.constant 6.000000e+00 : f32
    %eq3A_112 = vector.broadcast %eq3A_111 : f32 to vector<512x128xf32>
    %eq3A_113 = arith.cmpf oeq, %convert_element_type3A, %eq3A_112 : vector<512x128xf32>
    %jit3A_114 = arith.constant 0.000000e+00 : f32
    %broadcast_in_dim3A_115 = vector.shape_cast %add3A_57 : vector<512x1xf32> to vector<512x1xf32>
    %broadcast_in_dim3A_116 = vector.broadcast %broadcast_in_dim3A_115 : vector<512x1xf32> to vector<512x128xf32>
    %broadcast_in_dim3A_117 = vector.broadcast %jit3A_114 : f32 to vector<512x128xf32>
    %select_n3A_118 = arith.select %eq3A_113, %broadcast_in_dim3A_116, %broadcast_in_dim3A_117 : vector<512x128xi1>, vector<512x128xf32>
    %add3A_119 = arith.addf %add3A_110, %select_n3A_118 : vector<512x128xf32>
    %swap3A = arith.constant 0 : index
    %swap3A_120 = arith.constant 0 : index
    %swap3A_121 = vector.load %arg3[%swap3A, %swap3A_120] : memref<512x128xf32, #tpu.memory_space<vmem>>, vector<512x128xf32>
    tpu.vector_store %arg3[%swap3A, %swap3A_120], %add3A_119 {strides = array<i32>} : memref<512x128xf32, #tpu.memory_space<vmem>>, vector<512x128xf32>,
    return
  }
  func.func @transform_0(%arg0: i32) -> (i32, i32) {
    %c0_i32 = arith.constant 0 : i32
    %c0_i32_0 = arith.constant 0 : i32
    return %arg0, %c0_i32 : i32, i32
  }
  func.func @transform_1(%arg0: i32) -> (i32, i32) {
    %c0_i32 = arith.constant 0 : i32
    %c0_i32_0 = arith.constant 0 : i32
    %c0_i32_1 = arith.constant 0 : i32
    return %c0_i32, %c0_i32_0 : i32, i32
  }
  func.func @transform_2(%arg0: i32) -> (i32, i32) {
    %c0_i32 = arith.constant 0 : i32
    %c0_i32_0 = arith.constant 0 : i32
    return %arg0, %c0_i32 : i32, i32
  }
}

module attributes {stable_mosaic.version = 14 : i64} {
  func.func @_ffn_body(%arg0: i32, %arg1: i32, %arg2: memref<1280x1024xf32, #tpu.memory_space<vmem>>, %arg3: memref<1x512x1024xf32, #tpu.memory_space<vmem>>, %arg4: memref<1x1x512xf32, #tpu.memory_space<vmem>>, %arg5: memref<1x1024x512xf32, #tpu.memory_space<vmem>>, %arg6: memref<1x1x1024xf32, #tpu.memory_space<vmem>>, %arg7: memref<1x1x1024xf32, #tpu.memory_space<vmem>>, %arg8: memref<1280x1024xf32, #tpu.memory_space<vmem>>) attributes {dimension_semantics = [#tpu.dimension_semantics<arbitrary>, #tpu.dimension_semantics<arbitrary>], iteration_bounds = array<i64: 8, 8>, scalar_prefetch = 0 : i64, scratch_operands = 0 : i64, tpu.core_type = #tpu.core_type<tc>, window_params = [{transform_indices = @transform_0, window_bounds = array<i64: 1280, 1024>}, {transform_indices = @transform_1, window_bounds = array<i64: 1, 512, 1024>}, {transform_indices = @transform_2, window_bounds = array<i64: 1, 1, 512>}, {transform_indices = @transform_3, window_bounds = array<i64: 1, 1024, 512>}, {transform_indices = @transform_4, window_bounds = array<i64: 1, 1, 1024>}, {transform_indices = @transform_5, window_bounds = array<i64: 1, 1, 1024>}, {transform_indices = @transform_6, window_bounds = array<i64: 1280, 1024>}]} {
    %eq3A = arith.constant 0 : i32
    %eq3A_0 = arith.cmpi eq, %arg1, %eq3A : i32
    %convert_element_type3A = arith.extui %eq3A_0 : i1 to i32
    %cond3A = arith.constant 0 : i32
    %cond3A_1 = arith.cmpi ne, %convert_element_type3A, %cond3A : i32
    scf.if %cond3A_1 {
      %broadcast_in_dim3A = arith.constant 0.000000e+00 : f32
      %broadcast_in_dim3A_43 = vector.broadcast %broadcast_in_dim3A : f32 to vector<1280x1024xf32>
      %swap3A_44 = arith.constant 0 : index
      %swap3A_45 = arith.constant 0 : index
      %swap3A_46 = vector.load %arg8[%swap3A_44, %swap3A_45] : memref<1280x1024xf32, #tpu.memory_space<vmem>>, vector<1280x1024xf32>
      tpu.vector_store %arg8[%swap3A_44, %swap3A_45], %broadcast_in_dim3A_43 {strides = array<i32>} : memref<1280x1024xf32, #tpu.memory_space<vmem>>, vector<1280x1024xf32>,
    } else {
    }
    %get3A = arith.constant 0 : index
    %get3A_2 = arith.constant 0 : index
    %get3A_3 = vector.load %arg2[%get3A, %get3A_2] : memref<1280x1024xf32, #tpu.memory_space<vmem>>, vector<1280x1024xf32>
    %get3A_4 = arith.constant 0 : index
    %get3A_5 = arith.constant 0 : index
    %get3A_6 = arith.constant 0 : index
    %get3A_7 = vector.load %arg3[%get3A_4, %get3A_5, %get3A_6] : memref<1x512x1024xf32, #tpu.memory_space<vmem>>, vector<1x512x1024xf32>
    %get3A_8 = vector.shape_cast %get3A_7 : vector<1x512x1024xf32> to vector<512x1024xf32>
    %dot_general3A = arith.constant dense<0.000000e+00> : vector<1280x512xf32>
    %dot_general3A_9 = tpu.matmul %get3A_3, %get3A_8, %dot_general3A {dimension_numbers = #tpu.dot_dimension_numbers<[1], [1], [0], [0], [0, 0, 1, 0], [], []>, transpose_lhs_hint = false} : vector<1280x1024xf32>, vector<512x1024xf32>, vector<1280x512xf32> -> vector<1280x512xf32>
    %get3A_10 = arith.constant 0 : index
    %get3A_11 = arith.constant 0 : index
    %get3A_12 = arith.constant 0 : index
    %get3A_13 = vector.load %arg4[%get3A_10, %get3A_11, %get3A_12] : memref<1x1x512xf32, #tpu.memory_space<vmem>>, vector<1x1x512xf32>
    %get3A_14 = vector.shape_cast %get3A_13 : vector<1x1x512xf32> to vector<1x512xf32>
    %add3A = vector.broadcast %get3A_14 : vector<1x512xf32> to vector<1280x512xf32>
    %add3A_15 = arith.addf %dot_general3A_9, %add3A : vector<1280x512xf32>
    %mul3A = arith.constant 5.000000e-01 : f32
    %mul3A_16 = vector.broadcast %mul3A : f32 to vector<1280x512xf32>
    %mul3A_17 = arith.mulf %mul3A_16, %add3A_15 : vector<1280x512xf32>
    %mul3A_18 = arith.constant 0.707106769 : f32
    %mul3A_19 = vector.broadcast %mul3A_18 : f32 to vector<1280x512xf32>
    %mul3A_20 = arith.mulf %add3A_15, %mul3A_19 : vector<1280x512xf32>
    %erf3A = math.erf %mul3A_20 : vector<1280x512xf32>
    %add3A_21 = arith.constant 1.000000e+00 : f32
    %add3A_22 = vector.broadcast %add3A_21 : f32 to vector<1280x512xf32>
    %add3A_23 = arith.addf %add3A_22, %erf3A : vector<1280x512xf32>
    %mul3A_24 = arith.mulf %mul3A_17, %add3A_23 : vector<1280x512xf32>
    %get3A_25 = arith.constant 0 : index
    %get3A_26 = arith.constant 0 : index
    %get3A_27 = arith.constant 0 : index
    %get3A_28 = vector.load %arg5[%get3A_25, %get3A_26, %get3A_27] : memref<1x1024x512xf32, #tpu.memory_space<vmem>>, vector<1x1024x512xf32>
    %get3A_29 = vector.shape_cast %get3A_28 : vector<1x1024x512xf32> to vector<1024x512xf32>
    %dot_general3A_30 = arith.constant dense<0.000000e+00> : vector<1280x1024xf32>
    %dot_general3A_31 = tpu.matmul %mul3A_24, %get3A_29, %dot_general3A_30 {dimension_numbers = #tpu.dot_dimension_numbers<[1], [1], [0], [0], [0, 0, 1, 0], [], []>, transpose_lhs_hint = false} : vector<1280x512xf32>, vector<1024x512xf32>, vector<1280x1024xf32> -> vector<1280x1024xf32>
    %get3A_32 = arith.constant 0 : index
    %get3A_33 = arith.constant 0 : index
    %get3A_34 = vector.load %arg8[%get3A_32, %get3A_33] : memref<1280x1024xf32, #tpu.memory_space<vmem>>, vector<1280x1024xf32>
    %add3A_35 = arith.addf %get3A_34, %dot_general3A_31 : vector<1280x1024xf32>
    %swap3A = arith.constant 0 : index
    %swap3A_36 = arith.constant 0 : index
    %swap3A_37 = vector.load %arg8[%swap3A, %swap3A_36] : memref<1280x1024xf32, #tpu.memory_space<vmem>>, vector<1280x1024xf32>
    tpu.vector_store %arg8[%swap3A, %swap3A_36], %add3A_35 {strides = array<i32>} : memref<1280x1024xf32, #tpu.memory_space<vmem>>, vector<1280x1024xf32>,
    %eq3A_38 = arith.constant 7 : i32
    %eq3A_39 = arith.cmpi eq, %arg1, %eq3A_38 : i32
    %convert_element_type3A_40 = arith.extui %eq3A_39 : i1 to i32
    %cond3A_41 = arith.constant 0 : i32
    %cond3A_42 = arith.cmpi ne, %convert_element_type3A_40, %cond3A_41 : i32
    scf.if %cond3A_42 {
      %get3A_43 = arith.constant 0 : index
      %get3A_44 = arith.constant 0 : index
      %get3A_45 = vector.load %arg8[%get3A_43, %get3A_44] : memref<1280x1024xf32, #tpu.memory_space<vmem>>, vector<1280x1024xf32>
      %get3A_46 = arith.constant 0 : index
      %get3A_47 = arith.constant 0 : index
      %get3A_48 = arith.constant 0 : index
      %get3A_49 = vector.load %arg6[%get3A_46, %get3A_47, %get3A_48] : memref<1x1x1024xf32, #tpu.memory_space<vmem>>, vector<1x1x1024xf32>
      %get3A_50 = vector.shape_cast %get3A_49 : vector<1x1x1024xf32> to vector<1x1024xf32>
      %add3A_51 = vector.broadcast %get3A_50 : vector<1x1024xf32> to vector<1280x1024xf32>
      %add3A_52 = arith.addf %get3A_45, %add3A_51 : vector<1280x1024xf32>
      %get3A_53 = arith.constant 0 : index
      %get3A_54 = arith.constant 0 : index
      %get3A_55 = arith.constant 0 : index
      %get3A_56 = vector.load %arg7[%get3A_53, %get3A_54, %get3A_55] : memref<1x1x1024xf32, #tpu.memory_space<vmem>>, vector<1x1x1024xf32>
      %get3A_57 = vector.shape_cast %get3A_56 : vector<1x1x1024xf32> to vector<1x1024xf32>
      %mul3A_58 = vector.broadcast %get3A_57 : vector<1x1024xf32> to vector<1280x1024xf32>
      %mul3A_59 = arith.mulf %add3A_52, %mul3A_58 : vector<1280x1024xf32>
      %swap3A_60 = arith.constant 0 : index
      %swap3A_61 = arith.constant 0 : index
      %swap3A_62 = vector.load %arg8[%swap3A_60, %swap3A_61] : memref<1280x1024xf32, #tpu.memory_space<vmem>>, vector<1280x1024xf32>
      tpu.vector_store %arg8[%swap3A_60, %swap3A_61], %mul3A_59 {strides = array<i32>} : memref<1280x1024xf32, #tpu.memory_space<vmem>>, vector<1280x1024xf32>,
    } else {
    }
    return
  }
  func.func @transform_0(%arg0: i32, %arg1: i32) -> (i32, i32) {
    %c0_i32 = arith.constant 0 : i32
    %c0_i32_0 = arith.constant 0 : i32
    return %arg0, %c0_i32 : i32, i32
  }
  func.func @transform_1(%arg0: i32, %arg1: i32) -> (i32, i32, i32) {
    %c0_i32 = arith.constant 0 : i32
    %c0_i32_0 = arith.constant 0 : i32
    return %arg0, %arg1, %c0_i32 : i32, i32, i32
  }
  func.func @transform_2(%arg0: i32, %arg1: i32) -> (i32, i32, i32) {
    %c0_i32 = arith.constant 0 : i32
    %c0_i32_0 = arith.constant 0 : i32
    return %arg0, %c0_i32, %arg1 : i32, i32, i32
  }
  func.func @transform_3(%arg0: i32, %arg1: i32) -> (i32, i32, i32) {
    %c0_i32 = arith.constant 0 : i32
    %c0_i32_0 = arith.constant 0 : i32
    return %arg0, %c0_i32, %arg1 : i32, i32, i32
  }
  func.func @transform_4(%arg0: i32, %arg1: i32) -> (i32, i32, i32) {
    %c0_i32 = arith.constant 0 : i32
    %c0_i32_0 = arith.constant 0 : i32
    %c0_i32_1 = arith.constant 0 : i32
    return %arg0, %c0_i32, %c0_i32_0 : i32, i32, i32
  }
  func.func @transform_5(%arg0: i32, %arg1: i32) -> (i32, i32, i32) {
    %c0_i32 = arith.constant 0 : i32
    %c0_i32_0 = arith.constant 0 : i32
    %c0_i32_1 = arith.constant 0 : i32
    return %arg0, %c0_i32, %c0_i32_0 : i32, i32, i32
  }
  func.func @transform_6(%arg0: i32, %arg1: i32) -> (i32, i32) {
    %c0_i32 = arith.constant 0 : i32
    %c0_i32_0 = arith.constant 0 : i32
    return %arg0, %c0_i32 : i32, i32
  }
}

module attributes {stable_mosaic.version = 14 : i64} {
  func.func @_combine_body(%arg0: i32, %arg1: memref<512x1024xf32, #tpu.memory_space<vmem>>, %arg2: memref<512x1024xf32, #tpu.memory_space<vmem>>, %arg3: memref<512x1024xf32, #tpu.memory_space<vmem>>, %arg4: memref<512x128xf32, #tpu.memory_space<vmem>>, %arg5: memref<512x1024xf32, #tpu.memory_space<vmem>>) attributes {dimension_semantics = [#tpu.dimension_semantics<arbitrary>], iteration_bounds = array<i64: 16>, scalar_prefetch = 0 : i64, scratch_operands = 0 : i64, tpu.core_type = #tpu.core_type<tc>, window_params = [{transform_indices = @transform_0, window_bounds = array<i64: 512, 1024>}, {transform_indices = @transform_1, window_bounds = array<i64: 512, 1024>}, {transform_indices = @transform_2, window_bounds = array<i64: 512, 1024>}, {transform_indices = @transform_3, window_bounds = array<i64: 512, 128>}, {transform_indices = @transform_4, window_bounds = array<i64: 512, 1024>}]} {
    %get3A = arith.constant 0 : index
    %get3A_0 = arith.constant 0 : index
    %get3A_1 = vector.load %arg4[%get3A, %get3A_0] : memref<512x128xf32, #tpu.memory_space<vmem>>, vector<512x128xf32>
    %slice3A = vector.extract_strided_slice %get3A_1 {offsets = [0, 4], sizes = [512, 1], strides = [1, 1]} : vector<512x128xf32> to vector<512x1xf32>
    %slice3A_2 = vector.extract_strided_slice %get3A_1 {offsets = [0, 5], sizes = [512, 1], strides = [1, 1]} : vector<512x128xf32> to vector<512x1xf32>
    %slice3A_3 = vector.extract_strided_slice %get3A_1 {offsets = [0, 6], sizes = [512, 1], strides = [1, 1]} : vector<512x128xf32> to vector<512x1xf32>
    %get3A_4 = arith.constant 0 : index
    %get3A_5 = arith.constant 0 : index
    %get3A_6 = vector.load %arg1[%get3A_4, %get3A_5] : memref<512x1024xf32, #tpu.memory_space<vmem>>, vector<512x1024xf32>
    %mul3A = vector.broadcast %slice3A_3 : vector<512x1xf32> to vector<512x1024xf32>
    %mul3A_7 = arith.mulf %mul3A, %get3A_6 : vector<512x1024xf32>
    %get3A_8 = arith.constant 0 : index
    %get3A_9 = arith.constant 0 : index
    %get3A_10 = vector.load %arg2[%get3A_8, %get3A_9] : memref<512x1024xf32, #tpu.memory_space<vmem>>, vector<512x1024xf32>
    %mul3A_11 = vector.broadcast %slice3A : vector<512x1xf32> to vector<512x1024xf32>
    %mul3A_12 = arith.mulf %mul3A_11, %get3A_10 : vector<512x1024xf32>
    %add3A = arith.addf %mul3A_7, %mul3A_12 : vector<512x1024xf32>
    %get3A_13 = arith.constant 0 : index
    %get3A_14 = arith.constant 0 : index
    %get3A_15 = vector.load %arg3[%get3A_13, %get3A_14] : memref<512x1024xf32, #tpu.memory_space<vmem>>, vector<512x1024xf32>
    %mul3A_16 = vector.broadcast %slice3A_2 : vector<512x1xf32> to vector<512x1024xf32>
    %mul3A_17 = arith.mulf %mul3A_16, %get3A_15 : vector<512x1024xf32>
    %add3A_18 = arith.addf %add3A, %mul3A_17 : vector<512x1024xf32>
    %swap3A = arith.constant 0 : index
    %swap3A_19 = arith.constant 0 : index
    %swap3A_20 = vector.load %arg5[%swap3A, %swap3A_19] : memref<512x1024xf32, #tpu.memory_space<vmem>>, vector<512x1024xf32>
    tpu.vector_store %arg5[%swap3A, %swap3A_19], %add3A_18 {strides = array<i32>} : memref<512x1024xf32, #tpu.memory_space<vmem>>, vector<512x1024xf32>,
    return
  }
  func.func @transform_0(%arg0: i32) -> (i32, i32) {
    %c0_i32 = arith.constant 0 : i32
    %c0_i32_0 = arith.constant 0 : i32
    return %arg0, %c0_i32 : i32, i32
  }
  func.func @transform_1(%arg0: i32) -> (i32, i32) {
    %c0_i32 = arith.constant 0 : i32
    %c0_i32_0 = arith.constant 0 : i32
    return %arg0, %c0_i32 : i32, i32
  }
  func.func @transform_2(%arg0: i32) -> (i32, i32) {
    %c0_i32 = arith.constant 0 : i32
    %c0_i32_0 = arith.constant 0 : i32
    return %arg0, %c0_i32 : i32, i32
  }
  func.func @transform_3(%arg0: i32) -> (i32, i32) {
    %c0_i32 = arith.constant 0 : i32
    %c0_i32_0 = arith.constant 0 : i32
    return %arg0, %c0_i32 : i32, i32
  }
  func.func @transform_4(%arg0: i32) -> (i32, i32) {
    %c0_i32 = arith.constant 0 : i32
    %c0_i32_0 = arith.constant 0 : i32
    return %arg0, %c0_i32 : i32, i32
  }
}

</mosaic_0001>

<sc_bundles>
// kernel: kernel.10.cloned.1.call-start
scs
__scs_entry_jumppad:
0x0: {  	(pc) =	sbr.rel $0x88, $3  }
0x1: {  	(tag) =	ssettag $0x0;
	lr =	simm.s32 $0x1  }
0x2: {  	[smem:$0x3F99] =	sst lr;
	_ =	strace $0xD0000000  }
0x3: {  	_ = 	snop  }
0x4: {  	_ = 	snop  }
0x5: {  	_ = 	snop  }
0x6: {  	_ = 	snop  }
0x7: {  	_ = 	snop  }
__scs_overlays_trampoline_lowered:
0x8: {  	[smem:$0x3FA8] =	sst s0  }
0x9: {  	[smem:$0x3FA9] =	sst s1  }
0xa: {  	[smem:$0x3FAA] =	sst s2  }
0xb: {  	[smem:$0x3FAB] =	sst s3  }
0xc: {  	[smem:$0x3FAC] =	sst s4  }
0xd: {  	[smem:$0x3FAD] =	sst s5  }
0xe: {  	[smem:$0x3FAE] =	sst s6  }
0xf: {  	[smem:$0x3FAF] =	sst s7  }
0x10: {  	[smem:$0x3FB0] =	sst s8  }
0x11: {  	[smem:$0x3FB1] =	sst s9;
	s0 =	simm.s32 @!p0 $0x0  }
0x12: {  	s1 =	sld [smem:$0x3F97];
	s0 =	simm.s32 @p0 $0x1  }
0x13: {  	[smem:$0x3FB2] =	sst s0;
	s0 =	simm.s32 @!p1 $0x0  }
0x14: {  	s2 =	sld [smem:$0x3F96];
	s0 =	simm.s32 @p1 $0x1  }
0x15: {  	[smem:$0x3FB3] =	sst s0;
	s0 =	simm.s32 @!p2 $0x0  }
0x16: {  	s3 =	sld [smem:$0x3FDB];
	s0 =	simm.s32 @p2 $0x1  }
0x17: {  	s4 =	simm.s32 $0x1BF5;
	[smem:$0x3FB5] =	sst s0  }
0x18: {  	s0 =	sld [smem:$0x3F98];
	_ =	swait.ge [sflag:s4], $0x0  }
0x19: {  	s7 =	sld [smem:$0x3F99]  }
0x1a: {  	s8 =	sadd.s32 $0xFFFFE003, lr  }
0x1b: {  	s9 =	sadd.s32 $0xFFFFFEF7, lr;
	s5 =	simm.s32 $0xFFFFFFFF;
	p2 =	slt.u32 s8, $0xFFFFF086  }
0x1c: {  	p1 =	slt.u32 s9, $0xF7A;
	s5 =	simm.s32 @!p2 $0x0  }
0x1d: {  	s5 =	simm.s32 @p1 $0x1;
	p0 =	seq.s32 s7, s2  }
0x1e: {  	s7 =	smul.u32 @!p0 $0xF7A, s2;
	p2 =	seq.s32 @!p0 s5, $0x0  }
0x1f: {  	s9 =	smul.u32 $0xF7A, s1;
	s8 =	simm.s32 @!p0 $0x1BF5;
	p2 =	por !p2, p0  }
0x20: {  	[sflag:s8] =	ssyncset.s32 @!p0 $0xFFFFF086;
	s6 =	sadd.s32 @!p0 s3, s7;
	s7 =	simm.s32 @!p0 $0x108  }
0x21: {  	s3 =	sadd.s32 s3, s9;
	s6 =	sadd.s32 @!p0 $0x88, s6;
	s7 =	simm.s32 @p2 $0x1082  }
0x22: {  	[simem:s7], [sflag:s8] =	dma.local @!p0 [hbm:s6], $0xF7A  }
0x23: {  	s9 =	sor.u32 $0xD0000000, s2;
	s6 =	simm.s32 $0x108;
	_ =	swait.ge @!p0 [sflag:s8], $0x0  }
0x24: {  	s3 =	sadd.s32 $0x88, s3;
	s6 =	simm.s32 @!p1 $0x1082;
	[sflag:s4] =	ssyncset.s32 $0xFFFFF086  }
0x25: {  	[simem:s6], [sflag:s4] =	dma.local [hbm:s3], $0xF7A  }
0x26: {  	[smem:$0x3F99] =	sst s1;
	(tag) =	ssettag s2;
	_ =	strace s9  }
0x27: {  	s1 =	sld [smem:$0x3FA9]  }
0x28: {  	s2 =	sld [smem:$0x3FAA]  }
0x29: {  	s4 =	sld [smem:$0x3FAC]  }
0x2a: {  	p0 =	seq.s32 s5, $0x0;
	s5 =	sld [smem:$0x3FAD]  }
0x2b: {  	s6 =	sld [smem:$0x3FAE]  }
0x2c: {  	s7 =	sld [smem:$0x3FAF]  }
0x2d: {  	s3 =	simm.s32 $0x108;
	s8 =	sld [smem:$0x3FB0]  }
0x2e: {  	s3 =	simm.s32 @!p0 $0x1082;
	s9 =	sld [smem:$0x3FB1]  }
0x2f: {  	lr =	sadd.s32 s0, s3;
	s0 =	sld [smem:$0x3FA8]  }
0x30: {  	s3 =	sld [smem:$0x3FAB]  }
0x31: {  	[smem:$0x3FB4] =	sst s10  }
0x32: {  	s10 =	sld [smem:$0x3FB2];
	_ =	sdelay $0x3  }
0x33: {  	p0 =	seq.s32 s10, $0x1;
	s10 =	sld [smem:$0x3FB4];
	_ =	sdelay $0x3  }
0x34: {  	[smem:$0x3FB4] =	sst s10  }
0x35: {  	s10 =	sld [smem:$0x3FB3];
	_ =	sdelay $0x3  }
0x36: {  	p1 =	seq.s32 s10, $0x1;
	s10 =	sld [smem:$0x3FB4];
	_ =	sdelay $0x3  }
0x37: {  	[smem:$0x3FB4] =	sst s10  }
0x38: {  	s10 =	sld [smem:$0x3FB5]  }
0x39: {  	_ = 	snop;
	(pc) =	sbr.ind lr, $3  }
0x3a: {  	_ = 	snop  }
0x3b: {  	_ = 	snop  }
0x3c: {  	p2 =	seq.s32 s10, $0x1;
	s10 =	sld [smem:$0x3FB4]  }
0x3d: {  	_ =	shalt  }
0x3e: {  	_ =	shalt  }
0x3f: {  	_ =	shalt  }
0x40: {  	_ =	shalt  }
0x41: {  	_ =	shalt  }
0x42: {  	_ =	shalt  }
0x43: {  	_ =	shalt  }
0x44: {  	_ =	shalt  }
0x45: {  	_ =	shalt  }
0x46: {  	_ =	shalt  }
0x47: {  	_ =	shalt  }
0x48: {  	_ =	shalt  }
0x49: {  	_ =	shalt  }
0x4a: {  	_ =	shalt  }
0x4b: {  	_ =	shalt  }
0x4c: {  	_ =	shalt  }
0x4d: {  	_ =	shalt  }
0x4e: {  	_ =	shalt  }
0x4f: {  	_ =	shalt  }
0x50: {  	_ =	shalt  }
0x51: {  	_ =	shalt  }
0x52: {  	_ =	shalt  }
0x53: {  	_ =	shalt  }
0x54: {  	_ =	shalt  }
0x55: {  	_ =	shalt  }
0x56: {  	_ =	shalt  }
0x57: {  	_ =	shalt  }
0x58: {  	_ =	shalt  }
0x59: {  	_ =	shalt  }
0x5a: {  	_ =	shalt  }
0x5b: {  	_ =	shalt  }
0x5c: {  	_ =	shalt  }
0x5d: {  	_ =	shalt  }
0x5e: {  	_ =	shalt  }
0x5f: {  	_ =	shalt  }
0x60: {  	_ =	shalt  }
0x61: {  	_ =	shalt  }
0x62: {  	_ =	shalt  }
0x63: {  	_ =	shalt  }
0x64: {  	_ =	shalt  }
0x65: {  	_ =	shalt  }
0x66: {  	_ =	shalt  }
0x67: {  	_ =	shalt  }
0x68: {  	_ =	shalt  }
0x69: {  	_ =	shalt  }
0x6a: {  	_ =	shalt  }
0x6b: {  	_ =	shalt  }
0x6c: {  	_ =	shalt  }
0x6d: {  	_ =	shalt  }
0x6e: {  	_ =	shalt  }
0x6f: {  	_ =	shalt  }
0x70: {  	_ =	shalt  }
0x71: {  	_ =	shalt  }
0x72: {  	_ =	shalt  }
0x73: {  	_ =	shalt  }
0x74: {  	_ =	shalt  }
0x75: {  	_ =	shalt  }
0x76: {  	_ =	shalt  }
0x77: {  	_ =	shalt  }
0x78: {  	_ =	shalt  }
0x79: {  	_ =	shalt  }
0x7a: {  	_ =	shalt  }
0x7b: {  	_ =	shalt  }
0x7c: {  	_ =	shalt  }
0x7d: {  	_ =	shalt  }
0x7e: {  	_ =	shalt  }
0x7f: {  	_ =	shalt  }
0x80: {  	_ =	shalt  }
0x81: {  	_ =	shalt  }
0x82: {  	_ =	shalt  }
0x83: {  	_ =	shalt  }
0x84: {  	_ =	shalt  }
0x85: {  	_ =	shalt  }
0x86: {  	_ =	shalt  }
0x87: {  	_ =	shalt  }
.Lfunc_end0:
.L_simem_size_0:
called_computation_lowered:
.L_overlay_start_0:
0x88: {  	s2 =	sld [smem:$0x3FD9]  }
0x89: {  	s3 =	sld [smem:$0x3FFE];
	_ =	sdelay $0x1  }
0x8a: {  	s1 =	srdreg.scid  }
0x8b: {  	s0 =	sand.u32 $0x1, s1  }
0x8c: {  	s16 =	sshll.u32 s0, $0xA;
	s2 =	sadd.s32 s3, s2  }
0x8d: {  	s2 =	sadd.s32 s2, s16  }
0x8e: {  	[smem:$0x3FC0] =	sst s2  }
0x8f: {  	_ = 	snop  }
0x90: {  	(tm) =	ssettm $0x1  }
0x91: {  	s17 =	sld [smem:$0x3FFB];
	_ =	sdelay $0x3  }
0x92: {  	_ =	strace s17  }
0x93: {  	s2 =	sld [smem:$0x3FFC];
	_ =	sdelay $0x3  }
0x94: {  	_ =	strace s2  }
0x95: {  	s2 =	sld [smem:$0x3FFD];
	_ =	sdelay $0x3  }
0x96: {  	_ =	strace s2  }
0x97: {  	_ =	strace $0x8FFFFFFF  }
0x98: {  	s18 =	sld [smem:$0x3FDB];
	_ =	sdelay $0x1  }
0x99: {  	s19 =	simm.s32 $_scs_section_size  }
0x9a: {  	s4 =	simm.s32 $_size__tile_overlayer_lowered;
	s5 =	simm.s32 $_tile_overlayer_lowered  }
0x9b: {  	s22 =	simm.s32 $0x1BFF;
	s21 =	sshll.u32 s5, $0x1;
	s2 =	sadd.s32 s19, s18  }
0x9c: {  	s6 =	simm.s32 $0x0;
	s20 =	sshll.u32 s4, $0x1;
	s4 =	sadd.s32 s21, s2  }
0x9d: {  	[timem:s6], [sflag:s22] =	dma.local [hbm:s4], s20  }
0x9e: {  	_ =	swait.ge [sflag:s22], s20  }
0x9f: {  	s3 =	ssub.s32 $0x0, s20;
	[sflag:s22] =	ssyncset.done $0x0  }
0xa0: {  	[sflag:s22] =	ssyncadd.s32 s3;
	_ =	sdelay $0x1  }
0xa1: {  	s23 =	simm.s32 $0x1B8B  }
0xa2: {  	_ =	swait.ge [sflag:s23], $0x1  }
0xa3: {  	[sflag:s23] =	ssyncset.done $0x0  }
0xa4: {  	s25 =	simm.s32 $0x1B8E;
	s24 =	sld [smem:$0x3FFE];
	[sflag:s23] =	ssyncadd.s32 $0xFFFFFFFF  }
0xa5: {  	s26 =	simm.s32 $execute0_lowered;
	[smem:$0x3FD2] =	sst s25  }
0xa6: {  	s4 =	sshll.u32 s26, $0x1;
	_ =	strace $0x80000046;
	[dreg:$0x1] =	wrdreg $0xFFFFFFFF  }
0xa7: {  	s28 =	simm.s32 $_size_execute0_lowered;
	s2 =	sadd.s32 s2, s4;
	[dreg:$0x0] =	wrdreg $0x0  }
0xa8: {  	s4 =	sshll.u32 s28, $0x1;
	[dreg:$0x2] =	wrdreg s2  }
0xa9: {  	[dreg:$0x3] =	wrdreg s4  }
0xaa: {  	[dreg:$0x4] =	wrdreg $0xC0  }
0xab: {  	_ =	task [dreg:s6], $0x5FFFF  }
0xac: {  	[dreg:$0x1] =	wrdreg $0xFFFFFFFF  }
0xad: {  	[dreg:$0x0] =	wrdreg $0x60  }
0xae: {  	[dreg:$0x2] =	wrdreg s24  }
0xaf: {  	[dreg:$0x3] =	wrdreg $0x9  }
0xb0: {  	_ =	task.clear_ibuf [dreg:s6], $0x4FFFF;
	_ =	strace $0x90000046  }
0xb1: {  	s29 =	simm.s32 $0x9;
	_ =	strace $0x80000048  }
0xb2: {  	_ =	swait.ge [sflag:s29], $0x1  }
0xb3: {  	[sflag:s29] =	ssyncadd.s32 $0xFFFFFFFF  }
0xb4: {  	_ =	strace $0x90000048  }
0xb5: {  	_ =	sfence  }
0xb6: {  	s30 =	sld [smem:$0x0];
	_ =	sdelay $0x2  }
0xb7: {  	s31 =	sshll.u32 s1, $0xD;
	s1 =	sshrl.u32 s1, $0x2  }
0xb8: {  	s3 =	sand.u32 $0x4000, s31;
	s1 =	sadd.s32 s1, s30  }
0xb9: {  	s0 =	sor.u32 s3, s0;
	s1 =	sshll.u32 s1, $0x11  }
0xba: {  	s0 =	sor.u32 s1, s0  }
0xbb: {  	s0 =	sadd.s32 $0x8F2B, s0  }
0xbc: {  	[sflag:s0] =	ssyncadd.remote.s32 $0x1  }
0xbd: {  	_ =	sfence.sel $0xFFFF  }
0xbe: {  	[dreg:$0x0] =	wrdreg $0xFFFFFFFF;
	(pc) =	sbr.abs _section_cstart, $3  }
0xbf: {  	[dreg:$0x1] =	wrdreg $0xFFFFFFFF  }
0xc0: {  	_ =	task.clear_ibuf [dreg:s6], $0x2FFFF;
	_ =	strace $0x9FFFFFFF  }
0xc1: {  	(tm) =	ssettm $0x7FFFFFFF  }
tec
execute0_lowered:
.L_overlay_start_1:
0x0: {  	(tag) =	ssettag $0x1  }
0x1: {  	s0 =	srdreg.scid  }
0x2: {  	s2 =	sand.u32 $0x1, s0;
	s0 =	stileid.u32  }
0x3: {  	s3 =	sshll.u32 s0, $0x1;
	s5 =	ssub.s32 $0x0, s2  }
0x4: {  	p0 =	sne.s32 s3, s5  }
.Ltmp0:
0x5: {  	_ = 	snop;
	(pc) =	sbr.rel @p0 .LBB2_9-.Ltmp0, $3  }
0x6: {  	_ =	sdelay $0x1  }
0x7: {  	s4 =	rddreg [dreg:$0x0]  }
0x8: {  	s1 =	rddreg [dreg:$0x1];
	_ =	strace $0x80000047  }
0x9: {  	s5 =	ssub.s32 $0x2, s2;
	s2 =	sadd.s32 $0x600, s4;
	s3 =	sadd.s32 $0x200, s4  }
0xa: {  	s4 =	sadd.s32 $0x1200, s4;
	s7 =	simm.s32 $0x2880;
	s6 =	sshrl.u32 s5, $0x1  }
0xb: {  	s8 =	simm.s32 $0x1;
	s9 =	simm.s32 $0x4880;
	s5 =	ssub.s32 s5, s6  }
0xc: {  	v0 =	vimm.s32 $0x0;
	v1 =	vlaneseq.u32;
	s10 =	simm.s32 $0x0;
	s6 =	simm.s32 $0x0;
	s5 =	smax.u32 s5, $0x1  }
.LBB2_2:
0xd: {  	[tilespmem:s7], [sflag:$0x1] =	stream.linear.gather [hbm4b:s2+s6], $0x2000, $0x38;
	[tilespmem:$0x6880] =	vst v63  }
0xe: {  	_ =	swait.ge [sflag:s8], $0x2000  }
0xf: {  	[sflag:s8] =	ssyncset.done $0x0  }
0x10: {  	[sflag:s8] =	ssyncadd.s32 $0xFFFFE000  }
0x11: {  	[tilespmem:s9], [sflag:$0x1] =	stream.linear.gather [hbm4b:s3+s6], $0x2000, $0x38;
	[tilespmem:$0x6880] =	vst v63  }
0x12: {  	_ =	swait.ge [sflag:s8], $0x2000  }
0x13: {  	[sflag:s8] =	ssyncset.done $0x0  }
0x14: {  	s11 =	simm.s32 $0x0;
	[sflag:s8] =	ssyncadd.s32 $0xFFFFE000  }
.LBB2_3:
0x15: {  	p0 =	sne.s32 s11, $0xA1C0  }
.Ltmp1:
0x16: {  	_ = 	snop;
	(pc) =	sbr.rel @p0 .LBB2_3-.Ltmp1, $3  }
0x17: {  	_ =	sdelay $0x1  }
0x18: {  	s12 =	sshra.s32 s11, $0x2  }
0x19: {  	s11 =	sadd.s32 $0x40, s11;
	[tilespmem:s12+$0x0] =	vst v0  }
0x1a: {  	s11 =	simm.s32 $0x0;
	s12 =	simm.s32 $0x2880;
	s13 =	simm.s32 $0x0  }
.LBB2_5:
0x1b: {  	v2 =	vld [tilespmem:s12+$0x0];
	_ =	sdelay $0x2  }
0x1c: {  	p0 =	sne.s32 s13, $0x1FF0  }
.Ltmp2:
0x1d: {  	_ = 	snop;
	(pc) =	sbr.rel @p0 .LBB2_5-.Ltmp2, $3  }
0x1e: {  	_ =	sdelay $0x1  }
0x1f: {  	v3 =	vor.u32 s13, v1  }
0x20: {  	s12 =	sadd.s32 $0x10, s12;
	s13 =	sadd.s32 $0x10, s13;
	[tilespmem:v2+s11+$0x0] =	vst.idx.msk $0xffff, v3  }
0x21: {  	s12 =	simm.s32 $0x4880  }
0x22: {  	s13 =	simm.s32 $0x10;
	v2 =	vld [tilespmem:s12+$0x0]  }
.LBB2_7:
0x23: {  	p0 =	sne.s32 s13, $0x1FF0;
	_ =	sdelay $0x3  }
.Ltmp3:
0x24: {  	(pc) =	sbr.rel @p0 .LBB2_7-.Ltmp3, $4  }
0x25: {  	_ = 	snop  }
0x26: {  	v3 =	vor.u32 s11, v1;
	s11 =	smov.u32 s13  }
0x27: {  	s12 =	sadd.s32 $0x10, s12;
	[tilespmem:v2+s6+$0x0] =	vst.idx.msk $0xffff, v3  }
0x28: {  	s13 =	sadd.s32 $0x10, s13;
	v2 =	vld [tilespmem:s12+$0x0]  }
0x29: {  	_ =	sdelay $0x5  }
0x2a: {  	s10 =	sadd.s32 $0x1, s10  }
0x2b: {  	v3 =	vor.u32 s11, v1;
	p0 =	sne.s32 s10, s5  }
.Ltmp4:
0x2c: {  	[tilespmem:v2+s6+$0x0] =	vst.idx.msk $0xffff, v3;
	(pc) =	sbr.rel @p0 .LBB2_2-.Ltmp4, $4  }
0x2d: {  	[hbm4b:s4+s6] =	stream.linear.scatter [tilespmem:s6], [sflag:$0x1], $0x2880, $0x38;
	[tilespmem:$0x6880] =	vst v63  }
0x2e: {  	_ =	swait.ge [sflag:s8], $0x2880  }
0x2f: {  	[sflag:s8] =	ssyncset.done $0x0  }
0x30: {  	[sflag:s8] =	ssyncadd.s32 $0xFFFFD780  }
.LBB2_9:
0x31: {  	_ =	sfence.sel $0x180000  }
0x32: {  	[bflag:$0x0] =	sbarrier.arrive $0xFFFF  }
0x33: {  	p0 =	sne.s32 s0, $0x0;
	_ =	strace $0x90000047  }
0x34: {  	s0 =	sadd.s32 @!p0 $0x100000, s1;
	[bflag:$0x2] =	sbarrier.arrive $0xFFFF  }
0x35: {  	[sflag:s0] =	ssyncadd.tile.s32 @!p0 $0x1;
	_ =	shalt  }
.Lfunc_end2:
_tile_overlayer_lowered:
.L_overlay_start_2:
0x36: {  	(tag) =	ssettag $0x2  }
0x37: {  	s0 =	rddreg [dreg:$0x0];
	s2 =	stileid.u32  }
0x38: {  	s1 =	rddreg [dreg:$0x1];
	p0 =	sne.s32 s2, $0x0  }
0x39: {  	s3 =	rddreg [dreg:$0x2];
	[bflag:$0x3] =	sbarrier.arrive $0xFFFF;
	s2 =	simm.s32 @!p0 $0x1C01  }
0x3a: {  	[timem:s3], [sflag:s2] =	dma.local @!p0 [hbm:s0], s1  }
0x3b: {  	s0 =	simm.s32 @!p0 $0x1  }
0x3c: {  	_ =	swait.ge @!p0 [sflag:s0], s1  }
0x3d: {  	s1 =	ssub.s32 @!p0 $0x0, s1;
	[sflag:s0] =	ssyncset.done @!p0 $0x0  }
0x3e: {  	[sflag:s0] =	ssyncadd.s32 @!p0 s1  }
0x3f: {  	[bflag:$0x3] =	sbarrier.arrive $0xFFFF  }
0x40: {  	_ =	shalt  }

// kernel: kernel.13.cloned.1.call-start
scs
__scs_entry_jumppad:
0x0: {  	(pc) =	sbr.rel $0x88, $3  }
0x1: {  	(tag) =	ssettag $0x0;
	lr =	simm.s32 $0x1  }
0x2: {  	[smem:$0x3F99] =	sst lr;
	_ =	strace $0xD0000000  }
0x3: {  	_ = 	snop  }
0x4: {  	_ = 	snop  }
0x5: {  	_ = 	snop  }
0x6: {  	_ = 	snop  }
0x7: {  	_ = 	snop  }
__scs_overlays_trampoline_lowered:
0x8: {  	[smem:$0x3FA8] =	sst s0  }
0x9: {  	[smem:$0x3FA9] =	sst s1  }
0xa: {  	[smem:$0x3FAA] =	sst s2  }
0xb: {  	[smem:$0x3FAB] =	sst s3  }
0xc: {  	[smem:$0x3FAC] =	sst s4  }
0xd: {  	[smem:$0x3FAD] =	sst s5  }
0xe: {  	[smem:$0x3FAE] =	sst s6  }
0xf: {  	[smem:$0x3FAF] =	sst s7  }
0x10: {  	[smem:$0x3FB0] =	sst s8  }
0x11: {  	[smem:$0x3FB1] =	sst s9;
	s0 =	simm.s32 @!p0 $0x0  }
0x12: {  	s1 =	sld [smem:$0x3F97];
	s0 =	simm.s32 @p0 $0x1  }
0x13: {  	[smem:$0x3FB2] =	sst s0;
	s0 =	simm.s32 @!p1 $0x0  }
0x14: {  	s2 =	sld [smem:$0x3F96];
	s0 =	simm.s32 @p1 $0x1  }
0x15: {  	[smem:$0x3FB3] =	sst s0;
	s0 =	simm.s32 @!p2 $0x0  }
0x16: {  	s3 =	sld [smem:$0x3FDB];
	s0 =	simm.s32 @p2 $0x1  }
0x17: {  	s4 =	simm.s32 $0x1BF5;
	[smem:$0x3FB5] =	sst s0  }
0x18: {  	s0 =	sld [smem:$0x3F98];
	_ =	swait.ge [sflag:s4], $0x0  }
0x19: {  	s7 =	sld [smem:$0x3F99]  }
0x1a: {  	s8 =	sadd.s32 $0xFFFFE003, lr  }
0x1b: {  	s9 =	sadd.s32 $0xFFFFFEF7, lr;
	s5 =	simm.s32 $0xFFFFFFFF;
	p2 =	slt.u32 s8, $0xFFFFF086  }
0x1c: {  	p1 =	slt.u32 s9, $0xF7A;
	s5 =	simm.s32 @!p2 $0x0  }
0x1d: {  	s5 =	simm.s32 @p1 $0x1;
	p0 =	seq.s32 s7, s2  }
0x1e: {  	s7 =	smul.u32 @!p0 $0xF7A, s2;
	p2 =	seq.s32 @!p0 s5, $0x0  }
0x1f: {  	s9 =	smul.u32 $0xF7A, s1;
	s8 =	simm.s32 @!p0 $0x1BF5;
	p2 =	por !p2, p0  }
0x20: {  	[sflag:s8] =	ssyncset.s32 @!p0 $0xFFFFF086;
	s6 =	sadd.s32 @!p0 s3, s7;
	s7 =	simm.s32 @!p0 $0x108  }
0x21: {  	s3 =	sadd.s32 s3, s9;
	s6 =	sadd.s32 @!p0 $0x88, s6;
	s7 =	simm.s32 @p2 $0x1082  }
0x22: {  	[simem:s7], [sflag:s8] =	dma.local @!p0 [hbm:s6], $0xF7A  }
0x23: {  	s9 =	sor.u32 $0xD0000000, s2;
	s6 =	simm.s32 $0x108;
	_ =	swait.ge @!p0 [sflag:s8], $0x0  }
0x24: {  	s3 =	sadd.s32 $0x88, s3;
	s6 =	simm.s32 @!p1 $0x1082;
	[sflag:s4] =	ssyncset.s32 $0xFFFFF086  }
0x25: {  	[simem:s6], [sflag:s4] =	dma.local [hbm:s3], $0xF7A  }
0x26: {  	[smem:$0x3F99] =	sst s1;
	(tag) =	ssettag s2;
	_ =	strace s9  }
0x27: {  	s1 =	sld [smem:$0x3FA9]  }
0x28: {  	s2 =	sld [smem:$0x3FAA]  }
0x29: {  	s4 =	sld [smem:$0x3FAC]  }
0x2a: {  	p0 =	seq.s32 s5, $0x0;
	s5 =	sld [smem:$0x3FAD]  }
0x2b: {  	s6 =	sld [smem:$0x3FAE]  }
0x2c: {  	s7 =	sld [smem:$0x3FAF]  }
0x2d: {  	s3 =	simm.s32 $0x108;
	s8 =	sld [smem:$0x3FB0]  }
0x2e: {  	s3 =	simm.s32 @!p0 $0x1082;
	s9 =	sld [smem:$0x3FB1]  }
0x2f: {  	lr =	sadd.s32 s0, s3;
	s0 =	sld [smem:$0x3FA8]  }
0x30: {  	s3 =	sld [smem:$0x3FAB]  }
0x31: {  	[smem:$0x3FB4] =	sst s10  }
0x32: {  	s10 =	sld [smem:$0x3FB2];
	_ =	sdelay $0x3  }
0x33: {  	p0 =	seq.s32 s10, $0x1;
	s10 =	sld [smem:$0x3FB4];
	_ =	sdelay $0x3  }
0x34: {  	[smem:$0x3FB4] =	sst s10  }
0x35: {  	s10 =	sld [smem:$0x3FB3];
	_ =	sdelay $0x3  }
0x36: {  	p1 =	seq.s32 s10, $0x1;
	s10 =	sld [smem:$0x3FB4];
	_ =	sdelay $0x3  }
0x37: {  	[smem:$0x3FB4] =	sst s10  }
0x38: {  	s10 =	sld [smem:$0x3FB5]  }
0x39: {  	_ = 	snop;
	(pc) =	sbr.ind lr, $3  }
0x3a: {  	_ = 	snop  }
0x3b: {  	_ = 	snop  }
0x3c: {  	p2 =	seq.s32 s10, $0x1;
	s10 =	sld [smem:$0x3FB4]  }
0x3d: {  	_ =	shalt  }
0x3e: {  	_ =	shalt  }
0x3f: {  	_ =	shalt  }
0x40: {  	_ =	shalt  }
0x41: {  	_ =	shalt  }
0x42: {  	_ =	shalt  }
0x43: {  	_ =	shalt  }
0x44: {  	_ =	shalt  }
0x45: {  	_ =	shalt  }
0x46: {  	_ =	shalt  }
0x47: {  	_ =	shalt  }
0x48: {  	_ =	shalt  }
0x49: {  	_ =	shalt  }
0x4a: {  	_ =	shalt  }
0x4b: {  	_ =	shalt  }
0x4c: {  	_ =	shalt  }
0x4d: {  	_ =	shalt  }
0x4e: {  	_ =	shalt  }
0x4f: {  	_ =	shalt  }
0x50: {  	_ =	shalt  }
0x51: {  	_ =	shalt  }
0x52: {  	_ =	shalt  }
0x53: {  	_ =	shalt  }
0x54: {  	_ =	shalt  }
0x55: {  	_ =	shalt  }
0x56: {  	_ =	shalt  }
0x57: {  	_ =	shalt  }
0x58: {  	_ =	shalt  }
0x59: {  	_ =	shalt  }
0x5a: {  	_ =	shalt  }
0x5b: {  	_ =	shalt  }
0x5c: {  	_ =	shalt  }
0x5d: {  	_ =	shalt  }
0x5e: {  	_ =	shalt  }
0x5f: {  	_ =	shalt  }
0x60: {  	_ =	shalt  }
0x61: {  	_ =	shalt  }
0x62: {  	_ =	shalt  }
0x63: {  	_ =	shalt  }
0x64: {  	_ =	shalt  }
0x65: {  	_ =	shalt  }
0x66: {  	_ =	shalt  }
0x67: {  	_ =	shalt  }
0x68: {  	_ =	shalt  }
0x69: {  	_ =	shalt  }
0x6a: {  	_ =	shalt  }
0x6b: {  	_ =	shalt  }
0x6c: {  	_ =	shalt  }
0x6d: {  	_ =	shalt  }
0x6e: {  	_ =	shalt  }
0x6f: {  	_ =	shalt  }
0x70: {  	_ =	shalt  }
0x71: {  	_ =	shalt  }
0x72: {  	_ =	shalt  }
0x73: {  	_ =	shalt  }
0x74: {  	_ =	shalt  }
0x75: {  	_ =	shalt  }
0x76: {  	_ =	shalt  }
0x77: {  	_ =	shalt  }
0x78: {  	_ =	shalt  }
0x79: {  	_ =	shalt  }
0x7a: {  	_ =	shalt  }
0x7b: {  	_ =	shalt  }
0x7c: {  	_ =	shalt  }
0x7d: {  	_ =	shalt  }
0x7e: {  	_ =	shalt  }
0x7f: {  	_ =	shalt  }
0x80: {  	_ =	shalt  }
0x81: {  	_ =	shalt  }
0x82: {  	_ =	shalt  }
0x83: {  	_ =	shalt  }
0x84: {  	_ =	shalt  }
0x85: {  	_ =	shalt  }
0x86: {  	_ =	shalt  }
0x87: {  	_ =	shalt  }
.Lfunc_end0:
.L_simem_size_0:
called_computation.1_lowered:
.L_overlay_start_0:
0x88: {  	s2 =	sld [smem:$0x3FD9]  }
0x89: {  	s3 =	sld [smem:$0x3FFE];
	_ =	sdelay $0x1  }
0x8a: {  	s1 =	srdreg.scid  }
0x8b: {  	s0 =	sand.u32 $0x1, s1  }
0x8c: {  	s17 =	sshll.u32 s0, $0xA;
	s2 =	sadd.s32 s3, s2  }
0x8d: {  	s2 =	sadd.s32 s2, s17  }
0x8e: {  	[smem:$0x3FC0] =	sst s2  }
0x8f: {  	_ = 	snop  }
0x90: {  	s2 =	sld [smem:$0x3FC9];
	(tm) =	ssettm $0x1  }
0x91: {  	s18 =	sld [smem:$0x3FFB];
	_ =	sdelay $0x3  }
0x92: {  	_ =	strace s18  }
0x93: {  	s3 =	sld [smem:$0x3FFC];
	_ =	sdelay $0x3  }
0x94: {  	_ =	strace s3  }
0x95: {  	s3 =	sld [smem:$0x3FFD];
	_ =	sdelay $0x3  }
0x96: {  	_ =	strace s3  }
0x97: {  	_ =	strace $0x8FFFFFFF  }
0x98: {  	s19 =	sld [smem:$0x3FDB];
	_ =	sdelay $0x1  }
0x99: {  	s4 =	simm.s32 $_scs_section_size  }
0x9a: {  	s5 =	simm.s32 $_size__tile_overlayer_lowered;
	s6 =	simm.s32 $_tile_overlayer_lowered  }
0x9b: {  	s22 =	simm.s32 $0x1BFF;
	s21 =	sshll.u32 s6, $0x1;
	s3 =	sadd.s32 s4, s19  }
0x9c: {  	s7 =	simm.s32 $0x0;
	s20 =	sshll.u32 s5, $0x1;
	s5 =	sadd.s32 s21, s3  }
0x9d: {  	[timem:s7], [sflag:s22] =	dma.local [hbm:s5], s20  }
0x9e: {  	_ =	swait.ge [sflag:s22], s20  }
0x9f: {  	s4 =	ssub.s32 $0x0, s20;
	[sflag:s22] =	ssyncset.done $0x0  }
0xa0: {  	[sflag:s22] =	ssyncadd.s32 s4;
	_ =	sdelay $0x1  }
0xa1: {  	s23 =	simm.s32 $0x1B8B  }
0xa2: {  	_ =	swait.ge [sflag:s23], $0x1  }
0xa3: {  	[sflag:s23] =	ssyncset.done $0x0  }
0xa4: {  	s25 =	simm.s32 $0x1B8E;
	s24 =	sld [smem:$0x3FFE];
	[sflag:s23] =	ssyncadd.s32 $0xFFFFFFFF  }
0xa5: {  	s26 =	simm.s32 $execute0_lowered;
	[smem:$0x3FD2] =	sst s25  }
0xa6: {  	s5 =	sshll.u32 s26, $0x1;
	_ =	strace $0x80000049;
	[dreg:$0x1] =	wrdreg $0xFFFFFFFF  }
0xa7: {  	s28 =	simm.s32 $_size_execute0_lowered;
	s3 =	sadd.s32 s3, s5;
	[dreg:$0x0] =	wrdreg $0x0  }
0xa8: {  	s5 =	sshll.u32 s28, $0x1;
	[dreg:$0x2] =	wrdreg s3  }
0xa9: {  	[dreg:$0x3] =	wrdreg s5  }
0xaa: {  	[dreg:$0x4] =	wrdreg $0xC0  }
0xab: {  	_ =	task [dreg:s7], $0x5FFFF  }
0xac: {  	[dreg:$0x1] =	wrdreg $0xFFFFFFFF  }
0xad: {  	[dreg:$0x0] =	wrdreg $0x60  }
0xae: {  	[dreg:$0x2] =	wrdreg s2  }
0xaf: {  	[dreg:$0x3] =	wrdreg s24  }
0xb0: {  	[dreg:$0x4] =	wrdreg $0x9  }
0xb1: {  	_ =	task.clear_ibuf [dreg:s7], $0x5FFFF;
	_ =	strace $0x90000049  }
0xb2: {  	s29 =	simm.s32 $0x9;
	_ =	strace $0x8000004B  }
0xb3: {  	_ =	swait.ge [sflag:s29], $0x1  }
0xb4: {  	[sflag:s29] =	ssyncadd.s32 $0xFFFFFFFF  }
0xb5: {  	_ =	strace $0x9000004B  }
0xb6: {  	_ =	sfence  }
0xb7: {  	s30 =	sld [smem:$0x0];
	_ =	sdelay $0x2  }
0xb8: {  	s31 =	sshll.u32 s1, $0xD;
	s1 =	sshrl.u32 s1, $0x2  }
0xb9: {  	s3 =	sand.u32 $0x4000, s31;
	s1 =	sadd.s32 s1, s30  }
0xba: {  	s0 =	sor.u32 s3, s0;
	s1 =	sshll.u32 s1, $0x11  }
0xbb: {  	s0 =	sor.u32 s1, s0  }
0xbc: {  	s0 =	sadd.s32 $0x8F2B, s0  }
0xbd: {  	[sflag:s0] =	ssyncadd.remote.s32 $0x1  }
0xbe: {  	_ =	sfence.sel $0xFFFF  }
0xbf: {  	[dreg:$0x0] =	wrdreg $0xFFFFFFFF;
	(pc) =	sbr.abs _section_cstart, $3  }
0xc0: {  	[dreg:$0x1] =	wrdreg $0xFFFFFFFF  }
0xc1: {  	_ =	task.clear_ibuf [dreg:s7], $0x2FFFF;
	_ =	strace $0x9FFFFFFF  }
0xc2: {  	(tm) =	ssettm $0x7FFFFFFF  }
0xc3: {  	_ =	shalt  }
tec
execute0_lowered:
.L_overlay_start_1:
0x0: {  	(tag) =	ssettag $0x1  }
0x1: {  	s0 =	srdreg.scid  }
0x2: {  	s1 =	stileid.u32;
	s2 =	rddreg [dreg:$0x0]  }
0x3: {  	s4 =	rddreg [dreg:$0x1];
	s0 =	sand.u32 $0x1, s0;
	s1 =	sshll.u32 s1, $0x1  }
0x4: {  	s3 =	simm.s32 $0x0;
	s23 =	simm.s32 $0x180;
	s1 =	sor.u32 s0, s1  }
0x5: {  	s18 =	simm.s32 $0x1;
	[smem:$0x7FF] =	sst s3;
	s5 =	smul.u32 $0x28, s1  }
0x6: {  	_ =	strace $0x8000004A;
	s0 =	ssub.s32 $0x2, s0;
	s6 =	smul.u32 $0x50000, s1  }
0x7: {  	s1 =	smul.u32 $0xA000, s1;
	s7 =	sshrl.u32 s0, $0x1;
	s5 =	sadd.s32 s5, s4  }
0x8: {  	s4 =	sadd.s32 $0x1200, s4;
	s6 =	sshrl.u32 s6, $0x3;
	s5 =	sadd.s32 $0x200, s5  }
0x9: {  	s1 =	sadd.s32 s4, s1;
	s8 =	sadd.s32 s4, s6;
	[dreg:$0x3] =	wrdreg s5  }
0xa: {  	s0 =	ssub.s32 s0, s7;
	[dreg:$0x4] =	wrdreg s1;
	s28 =	sadd.s32 $0x2000, s8  }
0xb: {  	s7 =	smax.u32 s0, $0x1;
	s29 =	sadd.s32 $0x4000, s8;
	[dreg:$0x5] =	wrdreg s28  }
0xc: {  	v2 =	vlaneseq.u32;
	s4 =	sadd.s32 $0x100, s2;
	s30 =	sadd.s32 $0x6000, s8;
	[dreg:$0x6] =	wrdreg s29  }
0xd: {  	vm0 =	vmmov $0xffff;
	v1 =	vshrl.u32 v2, $0x3;
	s6 =	sadd.s32 $0x300, s2;
	s31 =	sadd.s32 $0x8000, s8;
	[dreg:$0x7] =	wrdreg s30  }
0xe: {  	v0 =	vand.u32 $0x7, v2;
	v2 =	vor.u32 $0x8, v2;
	v1 =	vmul.u32 $0x8, v1;
	s5 =	sadd.s32 $0x200, s2;
	s8 =	simm.s32 $0x2;
	[dreg:$0x8] =	wrdreg s31  }
.LBB2_1:
0xf: {  	s19 =	rddreg [dreg:$0x3]  }
0x10: {  	[tilespmem:s3], [sflag:$0x2] =	stream.linear.gather [hbm4b:s19+s3], $0x140, $0x38;
	[tilespmem:$0x10180] =	vst v63  }
0x11: {  	_ =	swait.ge [sflag:s8], $0x140  }
0x12: {  	[sflag:s8] =	ssyncset.done $0x0  }
0x13: {  	[sflag:s8] =	ssyncadd.s32 $0xFFFFFEC0  }
0x14: {  	v3 =	vld [tilespmem:$0x0];
	_ =	sdelay $0x4  }
0x15: {  	v4 =	vshll.u32 v3, $0x3  }
0x16: {  	v3 =	vand.u32 $0x7, v3;
	v4 =	vand.u32 $0xFFFFFFC0, v4  }
0x17: {  	v3 =	vor.u32 v3, v4  }
0x18: {  	v4 =	vperm.xlane v3, v0;
	_ =	sdelay $0x1  }
0x19: {  	v4 =	vadd.s32 v1, v4;
	_ =	sdelay $0x4  }
0x1a: {  	[tilespmem:s23], [sflag:$0x1] =	stream.indirect_vreg.gather [hbm4b:s2+s3], $0x80, v4, vm0, $0xb8;
	[tilespmem:$0x10180] =	vst v63  }
0x1b: {  	s0 =	simm.s32 $0x980;
	v3 =	vperm.xlane v3, v2  }
0x1c: {  	[tilespmem:s0], [sflag:$0x1] =	stream.indirect_vreg.gather [hbm4b:s4+s3], $0x80, v4, vm0, $0xb8;
	[tilespmem:$0x10180] =	vst v63  }
0x1d: {  	s15 =	simm.s32 $0x1180;
	v3 =	vadd.s32 v1, v3  }
0x1e: {  	[tilespmem:s15], [sflag:$0x1] =	stream.indirect_vreg.gather [hbm4b:s5+s3], $0x80, v4, vm0, $0xb8;
	[tilespmem:$0x10180] =	vst v63  }
0x1f: {  	s16 =	simm.s32 $0x1980  }
0x20: {  	[tilespmem:s16], [sflag:$0x1] =	stream.indirect_vreg.gather [hbm4b:s6+s3], $0x80, v4, vm0, $0xb8;
	[tilespmem:$0x10180] =	vst v63  }
0x21: {  	s17 =	simm.s32 $0x2180  }
0x22: {  	[tilespmem:s17], [sflag:$0x1] =	stream.indirect_vreg.gather [hbm4b:s2+s3], $0x80, v3, vm0, $0xb8;
	[tilespmem:$0x10180] =	vst v63  }
0x23: {  	s19 =	simm.s32 $0x2980  }
0x24: {  	[tilespmem:s19], [sflag:$0x1] =	stream.indirect_vreg.gather [hbm4b:s4+s3], $0x80, v3, vm0, $0xb8;
	[tilespmem:$0x10180] =	vst v63  }
0x25: {  	s20 =	simm.s32 $0x3180  }
0x26: {  	[tilespmem:s20], [sflag:$0x1] =	stream.indirect_vreg.gather [hbm4b:s5+s3], $0x80, v3, vm0, $0xb8;
	[tilespmem:$0x10180] =	vst v63  }
0x27: {  	s21 =	simm.s32 $0x3980  }
0x28: {  	[tilespmem:s21], [sflag:$0x1] =	stream.indirect_vreg.gather [hbm4b:s6+s3], $0x80, v3, vm0, $0xb8;
	[tilespmem:$0x10180] =	vst v63  }
0x29: {  	v3 =	vld [tilespmem:$0x10];
	_ =	sdelay $0x4  }
0x2a: {  	v45 =	vshll.u32 v3, $0x3  }
0x2b: {  	v3 =	vand.u32 $0x7, v3;
	v4 =	vand.u32 $0xFFFFFFC0, v45  }
0x2c: {  	v3 =	vor.u32 v3, v4  }
0x2d: {  	v4 =	vperm.xlane v3, v0;
	_ =	sdelay $0x1  }
0x2e: {  	v4 =	vadd.s32 v1, v4;
	_ =	sdelay $0x3  }
0x2f: {  	s22 =	simm.s32 $0x4180  }
0x30: {  	[tilespmem:s22], [sflag:$0x1] =	stream.indirect_vreg.gather [hbm4b:s2+s3], $0x80, v4, vm0, $0xb8;
	[tilespmem:$0x10180] =	vst v63  }
0x31: {  	s24 =	simm.s32 $0x4980;
	v3 =	vperm.xlane v3, v2  }
0x32: {  	[tilespmem:s24], [sflag:$0x1] =	stream.indirect_vreg.gather [hbm4b:s4+s3], $0x80, v4, vm0, $0xb8;
	[tilespmem:$0x10180] =	vst v63  }
0x33: {  	s25 =	simm.s32 $0x5180;
	v3 =	vadd.s32 v1, v3  }
0x34: {  	[tilespmem:s25], [sflag:$0x1] =	stream.indirect_vreg.gather [hbm4b:s5+s3], $0x80, v4, vm0, $0xb8;
	[tilespmem:$0x10180] =	vst v63  }
0x35: {  	s26 =	simm.s32 $0x5980  }
0x36: {  	[tilespmem:s26], [sflag:$0x1] =	stream.indirect_vreg.gather [hbm4b:s6+s3], $0x80, v4, vm0, $0xb8;
	[tilespmem:$0x10180] =	vst v63  }
0x37: {  	s28 =	simm.s32 $0x6180  }
0x38: {  	[tilespmem:s28], [sflag:$0x1] =	stream.indirect_vreg.gather [hbm4b:s2+s3], $0x80, v3, vm0, $0xb8;
	[tilespmem:$0x10180] =	vst v63  }
0x39: {  	s29 =	simm.s32 $0x6980  }
0x3a: {  	[tilespmem:s29], [sflag:$0x1] =	stream.indirect_vreg.gather [hbm4b:s4+s3], $0x80, v3, vm0, $0xb8;
	[tilespmem:$0x10180] =	vst v63  }
0x3b: {  	s30 =	simm.s32 $0x7180  }
0x3c: {  	[tilespmem:s30], [sflag:$0x1] =	stream.indirect_vreg.gather [hbm4b:s5+s3], $0x80, v3, vm0, $0xb8;
	[tilespmem:$0x10180] =	vst v63  }
0x3d: {  	s16 =	simm.s32 $0x7980  }
0x3e: {  	[tilespmem:s16], [sflag:$0x1] =	stream.indirect_vreg.gather [hbm4b:s6+s3], $0x80, v3, vm0, $0xb8;
	[tilespmem:$0x10180] =	vst v63  }
0x3f: {  	v3 =	vld [tilespmem:$0x20];
	_ =	sdelay $0x4  }
0x40: {  	v46 =	vshll.u32 v3, $0x3  }
0x41: {  	v3 =	vand.u32 $0x7, v3;
	v4 =	vand.u32 $0xFFFFFFC0, v46  }
0x42: {  	v3 =	vor.u32 v3, v4  }
0x43: {  	v4 =	vperm.xlane v3, v0;
	_ =	sdelay $0x1  }
0x44: {  	v4 =	vadd.s32 v1, v4;
	_ =	sdelay $0x3  }
0x45: {  	s17 =	simm.s32 $0x8180  }
0x46: {  	[tilespmem:s17], [sflag:$0x1] =	stream.indirect_vreg.gather [hbm4b:s2+s3], $0x80, v4, vm0, $0xb8;
	[tilespmem:$0x10180] =	vst v63  }
0x47: {  	s19 =	simm.s32 $0x8980;
	v3 =	vperm.xlane v3, v2  }
0x48: {  	[tilespmem:s19], [sflag:$0x1] =	stream.indirect_vreg.gather [hbm4b:s4+s3], $0x80, v4, vm0, $0xb8;
	[tilespmem:$0x10180] =	vst v63  }
0x49: {  	s20 =	simm.s32 $0x9180;
	v3 =	vadd.s32 v1, v3  }
0x4a: {  	[tilespmem:s20], [sflag:$0x1] =	stream.indirect_vreg.gather [hbm4b:s5+s3], $0x80, v4, vm0, $0xb8;
	[tilespmem:$0x10180] =	vst v63  }
0x4b: {  	s21 =	simm.s32 $0x9980  }
0x4c: {  	[tilespmem:s21], [sflag:$0x1] =	stream.indirect_vreg.gather [hbm4b:s6+s3], $0x80, v4, vm0, $0xb8;
	[tilespmem:$0x10180] =	vst v63  }
0x4d: {  	s22 =	simm.s32 $0xA180  }
0x4e: {  	[tilespmem:s22], [sflag:$0x1] =	stream.indirect_vreg.gather [hbm4b:s2+s3], $0x80, v3, vm0, $0xb8;
	[tilespmem:$0x10180] =	vst v63  }
0x4f: {  	s24 =	simm.s32 $0xA980  }
0x50: {  	[tilespmem:s24], [sflag:$0x1] =	stream.indirect_vreg.gather [hbm4b:s4+s3], $0x80, v3, vm0, $0xb8;
	[tilespmem:$0x10180] =	vst v63  }
0x51: {  	s25 =	simm.s32 $0xB180  }
0x52: {  	[tilespmem:s25], [sflag:$0x1] =	stream.indirect_vreg.gather [hbm4b:s5+s3], $0x80, v3, vm0, $0xb8;
	[tilespmem:$0x10180] =	vst v63  }
0x53: {  	s26 =	simm.s32 $0xB980  }
0x54: {  	[tilespmem:s26], [sflag:$0x1] =	stream.indirect_vreg.gather [hbm4b:s6+s3], $0x80, v3, vm0, $0xb8;
	[tilespmem:$0x10180] =	vst v63  }
0x55: {  	v3 =	vld [tilespmem:$0x30];
	_ =	sdelay $0x4  }
0x56: {  	v47 =	vshll.u32 v3, $0x3  }
0x57: {  	v3 =	vand.u32 $0x7, v3;
	v4 =	vand.u32 $0xFFFFFFC0, v47  }
0x58: {  	v3 =	vor.u32 v3, v4  }
0x59: {  	v4 =	vperm.xlane v3, v0;
	_ =	sdelay $0x1  }
0x5a: {  	v4 =	vadd.s32 v1, v4;
	_ =	sdelay $0x3  }
0x5b: {  	s29 =	simm.s32 $0xC180  }
0x5c: {  	[tilespmem:s29], [sflag:$0x1] =	stream.indirect_vreg.gather [hbm4b:s2+s3], $0x80, v4, vm0, $0xb8;
	[tilespmem:$0x10180] =	vst v63  }
0x5d: {  	s30 =	simm.s32 $0xC980;
	v3 =	vperm.xlane v3, v2  }
0x5e: {  	[tilespmem:s30], [sflag:$0x1] =	stream.indirect_vreg.gather [hbm4b:s4+s3], $0x80, v4, vm0, $0xb8;
	[tilespmem:$0x10180] =	vst v63  }
0x5f: {  	s0 =	simm.s32 $0xD180;
	v3 =	vadd.s32 v1, v3  }
0x60: {  	[tilespmem:s0], [sflag:$0x1] =	stream.indirect_vreg.gather [hbm4b:s5+s3], $0x80, v4, vm0, $0xb8;
	[tilespmem:$0x10180] =	vst v63  }
0x61: {  	s16 =	simm.s32 $0xD980  }
0x62: {  	[tilespmem:s16], [sflag:$0x1] =	stream.indirect_vreg.gather [hbm4b:s6+s3], $0x80, v4, vm0, $0xb8;
	[tilespmem:$0x10180] =	vst v63  }
0x63: {  	s17 =	simm.s32 $0xE180  }
0x64: {  	[tilespmem:s17], [sflag:$0x1] =	stream.indirect_vreg.gather [hbm4b:s2+s3], $0x80, v3, vm0, $0xb8;
	[tilespmem:$0x10180] =	vst v63  }
0x65: {  	s29 =	simm.s32 $0xE980  }
0x66: {  	[tilespmem:s29], [sflag:$0x1] =	stream.indirect_vreg.gather [hbm4b:s4+s3], $0x80, v3, vm0, $0xb8;
	[tilespmem:$0x10180] =	vst v63  }
0x67: {  	s30 =	simm.s32 $0xF180  }
0x68: {  	[tilespmem:s30], [sflag:$0x1] =	stream.indirect_vreg.gather [hbm4b:s5+s3], $0x80, v3, vm0, $0xb8;
	[tilespmem:$0x10180] =	vst v63  }
0x69: {  	s0 =	simm.s32 $0xF980  }
0x6a: {  	[tilespmem:s0], [sflag:$0x1] =	stream.indirect_vreg.gather [hbm4b:s6+s3], $0x80, v3, vm0, $0xb8;
	[tilespmem:$0x10180] =	vst v63  }
0x6b: {  	_ =	swait.ge [sflag:s18], $0x10000  }
0x6c: {  	[sflag:s18] =	ssyncset.done $0x0  }
0x6d: {  	s16 =	rddreg [dreg:$0x4];
	[sflag:s18] =	ssyncadd.s32 $0xFFFF0000  }
0x6e: {  	[hbm4b:s16+s3] =	stream.linear.scatter [tilespmem:s23], [sflag:$0x2], $0x10000, $0x38;
	[tilespmem:$0x10180] =	vst v63  }
0x6f: {  	_ =	swait.ge [sflag:s8], $0x10000  }
0x70: {  	[sflag:s8] =	ssyncset.done $0x0  }
0x71: {  	[sflag:s8] =	ssyncadd.s32 $0xFFFF0000  }
0x72: {  	v3 =	vld [tilespmem:$0x40];
	_ =	sdelay $0x4  }
0x73: {  	v48 =	vshll.u32 v3, $0x3  }
0x74: {  	v3 =	vand.u32 $0x7, v3;
	v4 =	vand.u32 $0xFFFFFFC0, v48  }
0x75: {  	v3 =	vor.u32 v3, v4  }
0x76: {  	v4 =	vperm.xlane v3, v0;
	_ =	sdelay $0x1  }
0x77: {  	v4 =	vadd.s32 v1, v4;
	_ =	sdelay $0x4  }
0x78: {  	[tilespmem:s23], [sflag:$0x1] =	stream.indirect_vreg.gather [hbm4b:s2+s3], $0x80, v4, vm0, $0xb8;
	[tilespmem:$0x10180] =	vst v63  }
0x79: {  	s14 =	simm.s32 $0x980;
	v3 =	vperm.xlane v3, v2  }
0x7a: {  	[tilespmem:s14], [sflag:$0x1] =	stream.indirect_vreg.gather [hbm4b:s4+s3], $0x80, v4, vm0, $0xb8;
	[tilespmem:$0x10180] =	vst v63  }
0x7b: {  	s1 =	simm.s32 $0x1180;
	v3 =	vadd.s32 v1, v3  }
0x7c: {  	[tilespmem:s1], [sflag:$0x1] =	stream.indirect_vreg.gather [hbm4b:s5+s3], $0x80, v4, vm0, $0xb8;
	[tilespmem:$0x10180] =	vst v63  }
0x7d: {  	s9 =	simm.s32 $0x1980  }
0x7e: {  	[tilespmem:s9], [sflag:$0x1] =	stream.indirect_vreg.gather [hbm4b:s6+s3], $0x80, v4, vm0, $0xb8;
	[tilespmem:$0x10180] =	vst v63  }
0x7f: {  	s10 =	simm.s32 $0x2180  }
0x80: {  	[tilespmem:s10], [sflag:$0x1] =	stream.indirect_vreg.gather [hbm4b:s2+s3], $0x80, v3, vm0, $0xb8;
	[tilespmem:$0x10180] =	vst v63  }
0x81: {  	s11 =	simm.s32 $0x2980  }
0x82: {  	[tilespmem:s11], [sflag:$0x1] =	stream.indirect_vreg.gather [hbm4b:s4+s3], $0x80, v3, vm0, $0xb8;
	[tilespmem:$0x10180] =	vst v63  }
0x83: {  	s12 =	simm.s32 $0x3180  }
0x84: {  	[tilespmem:s12], [sflag:$0x1] =	stream.indirect_vreg.gather [hbm4b:s5+s3], $0x80, v3, vm0, $0xb8;
	[tilespmem:$0x10180] =	vst v63  }
0x85: {  	s15 =	simm.s32 $0x3980  }
0x86: {  	[tilespmem:s15], [sflag:$0x1] =	stream.indirect_vreg.gather [hbm4b:s6+s3], $0x80, v3, vm0, $0xb8;
	[tilespmem:$0x10180] =	vst v63  }
0x87: {  	v3 =	vld [tilespmem:$0x50];
	_ =	sdelay $0x4  }
0x88: {  	v49 =	vshll.u32 v3, $0x3  }
0x89: {  	v3 =	vand.u32 $0x7, v3;
	v4 =	vand.u32 $0xFFFFFFC0, v49  }
0x8a: {  	v3 =	vor.u32 v3, v4  }
0x8b: {  	v4 =	vperm.xlane v3, v0;
	_ =	sdelay $0x1  }
0x8c: {  	v4 =	vadd.s32 v1, v4;
	_ =	sdelay $0x3  }
0x8d: {  	s16 =	simm.s32 $0x4180  }
0x8e: {  	[tilespmem:s16], [sflag:$0x1] =	stream.indirect_vreg.gather [hbm4b:s2+s3], $0x80, v4, vm0, $0xb8;
	[tilespmem:$0x10180] =	vst v63  }
0x8f: {  	s31 =	simm.s32 $0x4980;
	v3 =	vperm.xlane v3, v2  }
0x90: {  	[tilespmem:s31], [sflag:$0x1] =	stream.indirect_vreg.gather [hbm4b:s4+s3], $0x80, v4, vm0, $0xb8;
	[tilespmem:$0x10180] =	vst v63  }
0x91: {  	s13 =	simm.s32 $0x5180;
	v3 =	vadd.s32 v1, v3  }
0x92: {  	[tilespmem:s13], [sflag:$0x1] =	stream.indirect_vreg.gather [hbm4b:s5+s3], $0x80, v4, vm0, $0xb8;
	[tilespmem:$0x10180] =	vst v63  }
0x93: {  	s31 =	simm.s32 $0x5980  }
0x94: {  	[tilespmem:s31], [sflag:$0x1] =	stream.indirect_vreg.gather [hbm4b:s6+s3], $0x80, v4, vm0, $0xb8;
	[tilespmem:$0x10180] =	vst v63  }
0x95: {  	s1 =	simm.s32 $0x6180  }
0x96: {  	[tilespmem:s1], [sflag:$0x1] =	stream.indirect_vreg.gather [hbm4b:s2+s3], $0x80, v3, vm0, $0xb8;
	[tilespmem:$0x10180] =	vst v63  }
0x97: {  	s0 =	simm.s32 $0x6980  }
0x98: {  	[tilespmem:s0], [sflag:$0x1] =	stream.indirect_vreg.gather [hbm4b:s4+s3], $0x80, v3, vm0, $0xb8;
	[tilespmem:$0x10180] =	vst v63  }
0x99: {  	s9 =	simm.s32 $0x7180  }
0x9a: {  	[tilespmem:s9], [sflag:$0x1] =	stream.indirect_vreg.gather [hbm4b:s5+s3], $0x80, v3, vm0, $0xb8;
	[tilespmem:$0x10180] =	vst v63  }
0x9b: {  	s13 =	simm.s32 $0x7980  }
0x9c: {  	[tilespmem:s13], [sflag:$0x1] =	stream.indirect_vreg.gather [hbm4b:s6+s3], $0x80, v3, vm0, $0xb8;
	[tilespmem:$0x10180] =	vst v63  }
0x9d: {  	v3 =	vld [tilespmem:$0x60];
	_ =	sdelay $0x4  }
0x9e: {  	v50 =	vshll.u32 v3, $0x3  }
0x9f: {  	v3 =	vand.u32 $0x7, v3;
	v4 =	vand.u32 $0xFFFFFFC0, v50  }
0xa0: {  	v3 =	vor.u32 v3, v4  }
0xa1: {  	v4 =	vperm.xlane v3, v0;
	_ =	sdelay $0x1  }
0xa2: {  	v4 =	vadd.s32 v1, v4;
	_ =	sdelay $0x3  }
0xa3: {  	s14 =	simm.s32 $0x8180  }
0xa4: {  	[tilespmem:s14], [sflag:$0x1] =	stream.indirect_vreg.gather [hbm4b:s2+s3], $0x80, v4, vm0, $0xb8;
	[tilespmem:$0x10180] =	vst v63  }
0xa5: {  	s15 =	simm.s32 $0x8980;
	v3 =	vperm.xlane v3, v2  }
0xa6: {  	[tilespmem:s15], [sflag:$0x1] =	stream.indirect_vreg.gather [hbm4b:s4+s3], $0x80, v4, vm0, $0xb8;
	[tilespmem:$0x10180] =	vst v63  }
0xa7: {  	s10 =	simm.s32 $0x9180;
	v3 =	vadd.s32 v1, v3  }
0xa8: {  	[tilespmem:s10], [sflag:$0x1] =	stream.indirect_vreg.gather [hbm4b:s5+s3], $0x80, v4, vm0, $0xb8;
	[tilespmem:$0x10180] =	vst v63  }
0xa9: {  	s11 =	simm.s32 $0x9980  }
0xaa: {  	[tilespmem:s11], [sflag:$0x1] =	stream.indirect_vreg.gather [hbm4b:s6+s3], $0x80, v4, vm0, $0xb8;
	[tilespmem:$0x10180] =	vst v63  }
0xab: {  	s12 =	simm.s32 $0xA180  }
0xac: {  	[tilespmem:s12], [sflag:$0x1] =	stream.indirect_vreg.gather [hbm4b:s2+s3], $0x80, v3, vm0, $0xb8;
	[tilespmem:$0x10180] =	vst v63  }
0xad: {  	s24 =	simm.s32 $0xA980  }
0xae: {  	[tilespmem:s24], [sflag:$0x1] =	stream.indirect_vreg.gather [hbm4b:s4+s3], $0x80, v3, vm0, $0xb8;
	[tilespmem:$0x10180] =	vst v63  }
0xaf: {  	s28 =	simm.s32 $0xB180  }
0xb0: {  	[tilespmem:s28], [sflag:$0x1] =	stream.indirect_vreg.gather [hbm4b:s5+s3], $0x80, v3, vm0, $0xb8;
	[tilespmem:$0x10180] =	vst v63  }
0xb1: {  	s20 =	simm.s32 $0xB980  }
0xb2: {  	[tilespmem:s20], [sflag:$0x1] =	stream.indirect_vreg.gather [hbm4b:s6+s3], $0x80, v3, vm0, $0xb8;
	[tilespmem:$0x10180] =	vst v63  }
0xb3: {  	v3 =	vld [tilespmem:$0x70];
	_ =	sdelay $0x4  }
0xb4: {  	v51 =	vshll.u32 v3, $0x3  }
0xb5: {  	v3 =	vand.u32 $0x7, v3;
	v4 =	vand.u32 $0xFFFFFFC0, v51  }
0xb6: {  	v3 =	vor.u32 v3, v4  }
0xb7: {  	v4 =	vperm.xlane v3, v0;
	_ =	sdelay $0x1  }
0xb8: {  	v4 =	vadd.s32 v1, v4;
	_ =	sdelay $0x3  }
0xb9: {  	s21 =	simm.s32 $0xC180  }
0xba: {  	[tilespmem:s21], [sflag:$0x1] =	stream.indirect_vreg.gather [hbm4b:s2+s3], $0x80, v4, vm0, $0xb8;
	[tilespmem:$0x10180] =	vst v63  }
0xbb: {  	s22 =	simm.s32 $0xC980;
	v3 =	vperm.xlane v3, v2  }
0xbc: {  	[tilespmem:s22], [sflag:$0x1] =	stream.indirect_vreg.gather [hbm4b:s4+s3], $0x80, v4, vm0, $0xb8;
	[tilespmem:$0x10180] =	vst v63  }
0xbd: {  	s25 =	simm.s32 $0xD180;
	v3 =	vadd.s32 v1, v3  }
0xbe: {  	[tilespmem:s25], [sflag:$0x1] =	stream.indirect_vreg.gather [hbm4b:s5+s3], $0x80, v4, vm0, $0xb8;
	[tilespmem:$0x10180] =	vst v63  }
0xbf: {  	s26 =	simm.s32 $0xD980  }
0xc0: {  	[tilespmem:s26], [sflag:$0x1] =	stream.indirect_vreg.gather [hbm4b:s6+s3], $0x80, v4, vm0, $0xb8;
	[tilespmem:$0x10180] =	vst v63  }
0xc1: {  	s22 =	simm.s32 $0xE180  }
0xc2: {  	[tilespmem:s22], [sflag:$0x1] =	stream.indirect_vreg.gather [hbm4b:s2+s3], $0x80, v3, vm0, $0xb8;
	[tilespmem:$0x10180] =	vst v63  }
0xc3: {  	s25 =	simm.s32 $0xE980  }
0xc4: {  	[tilespmem:s25], [sflag:$0x1] =	stream.indirect_vreg.gather [hbm4b:s4+s3], $0x80, v3, vm0, $0xb8;
	[tilespmem:$0x10180] =	vst v63  }
0xc5: {  	s22 =	simm.s32 $0xF180  }
0xc6: {  	[tilespmem:s22], [sflag:$0x1] =	stream.indirect_vreg.gather [hbm4b:s5+s3], $0x80, v3, vm0, $0xb8;
	[tilespmem:$0x10180] =	vst v63  }
0xc7: {  	s17 =	simm.s32 $0xF980  }
0xc8: {  	[tilespmem:s17], [sflag:$0x1] =	stream.indirect_vreg.gather [hbm4b:s6+s3], $0x80, v3, vm0, $0xb8;
	[tilespmem:$0x10180] =	vst v63  }
0xc9: {  	_ =	swait.ge [sflag:s18], $0x10000  }
0xca: {  	[sflag:s18] =	ssyncset.done $0x0  }
0xcb: {  	s19 =	rddreg [dreg:$0x5];
	[sflag:s18] =	ssyncadd.s32 $0xFFFF0000  }
0xcc: {  	[hbm4b:s19+s3] =	stream.linear.scatter [tilespmem:s23], [sflag:$0x2], $0x10000, $0x38;
	[tilespmem:$0x10180] =	vst v63  }
0xcd: {  	_ =	swait.ge [sflag:s8], $0x10000  }
0xce: {  	[sflag:s8] =	ssyncset.done $0x0  }
0xcf: {  	[sflag:s8] =	ssyncadd.s32 $0xFFFF0000  }
0xd0: {  	v3 =	vld [tilespmem:$0x80];
	_ =	sdelay $0x4  }
0xd1: {  	v52 =	vshll.u32 v3, $0x3  }
0xd2: {  	v3 =	vand.u32 $0x7, v3;
	v4 =	vand.u32 $0xFFFFFFC0, v52  }
0xd3: {  	v3 =	vor.u32 v3, v4  }
0xd4: {  	v4 =	vperm.xlane v3, v0;
	_ =	sdelay $0x1  }
0xd5: {  	v4 =	vadd.s32 v1, v4;
	_ =	sdelay $0x4  }
0xd6: {  	[tilespmem:s23], [sflag:$0x1] =	stream.indirect_vreg.gather [hbm4b:s2+s3], $0x80, v4, vm0, $0xb8;
	[tilespmem:$0x10180] =	vst v63  }
0xd7: {  	s19 =	simm.s32 $0x980;
	v3 =	vperm.xlane v3, v2  }
0xd8: {  	[tilespmem:s19], [sflag:$0x1] =	stream.indirect_vreg.gather [hbm4b:s4+s3], $0x80, v4, vm0, $0xb8;
	[tilespmem:$0x10180] =	vst v63  }
0xd9: {  	s29 =	simm.s32 $0x1180;
	v3 =	vadd.s32 v1, v3  }
0xda: {  	[tilespmem:s29], [sflag:$0x1] =	stream.indirect_vreg.gather [hbm4b:s5+s3], $0x80, v4, vm0, $0xb8;
	[tilespmem:$0x10180] =	vst v63  }
0xdb: {  	s30 =	simm.s32 $0x1980  }
0xdc: {  	[tilespmem:s30], [sflag:$0x1] =	stream.indirect_vreg.gather [hbm4b:s6+s3], $0x80, v4, vm0, $0xb8;
	[tilespmem:$0x10180] =	vst v63  }
0xdd: {  	s29 =	simm.s32 $0x2180  }
0xde: {  	[tilespmem:s29], [sflag:$0x1] =	stream.indirect_vreg.gather [hbm4b:s2+s3], $0x80, v3, vm0, $0xb8;
	[tilespmem:$0x10180] =	vst v63  }
0xdf: {  	s30 =	simm.s32 $0x2980  }
0xe0: {  	[tilespmem:s30], [sflag:$0x1] =	stream.indirect_vreg.gather [hbm4b:s4+s3], $0x80, v3, vm0, $0xb8;
	[tilespmem:$0x10180] =	vst v63  }
0xe1: {  	s29 =	simm.s32 $0x3180  }
0xe2: {  	[tilespmem:s29], [sflag:$0x1] =	stream.indirect_vreg.gather [hbm4b:s5+s3], $0x80, v3, vm0, $0xb8;
	[tilespmem:$0x10180] =	vst v63  }
0xe3: {  	s30 =	simm.s32 $0x3980  }
0xe4: {  	[tilespmem:s30], [sflag:$0x1] =	stream.indirect_vreg.gather [hbm4b:s6+s3], $0x80, v3, vm0, $0xb8;
	[tilespmem:$0x10180] =	vst v63  }
0xe5: {  	v3 =	vld [tilespmem:$0x90];
	_ =	sdelay $0x4  }
0xe6: {  	v53 =	vshll.u32 v3, $0x3  }
0xe7: {  	v3 =	vand.u32 $0x7, v3;
	v4 =	vand.u32 $0xFFFFFFC0, v53  }
0xe8: {  	v3 =	vor.u32 v3, v4  }
0xe9: {  	v4 =	vperm.xlane v3, v0;
	_ =	sdelay $0x1  }
0xea: {  	v4 =	vadd.s32 v1, v4;
	_ =	sdelay $0x4  }
0xeb: {  	[tilespmem:s16], [sflag:$0x1] =	stream.indirect_vreg.gather [hbm4b:s2+s3], $0x80, v4, vm0, $0xb8;
	[tilespmem:$0x10180] =	vst v63  }
0xec: {  	s29 =	simm.s32 $0x4980;
	v3 =	vperm.xlane v3, v2  }
0xed: {  	[tilespmem:s29], [sflag:$0x1] =	stream.indirect_vreg.gather [hbm4b:s4+s3], $0x80, v4, vm0, $0xb8;
	[tilespmem:$0x10180] =	vst v63  }
0xee: {  	s30 =	simm.s32 $0x5180;
	v3 =	vadd.s32 v1, v3  }
0xef: {  	[tilespmem:s30], [sflag:$0x1] =	stream.indirect_vreg.gather [hbm4b:s5+s3], $0x80, v4, vm0, $0xb8;
	[tilespmem:$0x10180] =	vst v63  }
0xf0: {  	_ = 	snop  }
0xf1: {  	[tilespmem:s31], [sflag:$0x1] =	stream.indirect_vreg.gather [hbm4b:s6+s3], $0x80, v4, vm0, $0xb8;
	[tilespmem:$0x10180] =	vst v63  }
0xf2: {  	_ = 	snop  }
0xf3: {  	[tilespmem:s1], [sflag:$0x1] =	stream.indirect_vreg.gather [hbm4b:s2+s3], $0x80, v3, vm0, $0xb8;
	[tilespmem:$0x10180] =	vst v63  }
0xf4: {  	_ = 	snop  }
0xf5: {  	[tilespmem:s0], [sflag:$0x1] =	stream.indirect_vreg.gather [hbm4b:s4+s3], $0x80, v3, vm0, $0xb8;
	[tilespmem:$0x10180] =	vst v63  }
0xf6: {  	_ = 	snop  }
0xf7: {  	[tilespmem:s9], [sflag:$0x1] =	stream.indirect_vreg.gather [hbm4b:s5+s3], $0x80, v3, vm0, $0xb8;
	[tilespmem:$0x10180] =	vst v63  }
0xf8: {  	_ = 	snop  }
0xf9: {  	[tilespmem:s13], [sflag:$0x1] =	stream.indirect_vreg.gather [hbm4b:s6+s3], $0x80, v3, vm0, $0xb8;
	[tilespmem:$0x10180] =	vst v63  }
0xfa: {  	v3 =	vld [tilespmem:$0xA0];
	_ =	sdelay $0x4  }
0xfb: {  	v54 =	vshll.u32 v3, $0x3  }
0xfc: {  	v3 =	vand.u32 $0x7, v3;
	v4 =	vand.u32 $0xFFFFFFC0, v54  }
0xfd: {  	v3 =	vor.u32 v3, v4  }
0xfe: {  	v4 =	vperm.xlane v3, v0;
	_ =	sdelay $0x1  }
0xff: {  	v4 =	vadd.s32 v1, v4;
	_ =	sdelay $0x4  }
0x100: {  	[tilespmem:s14], [sflag:$0x1] =	stream.indirect_vreg.gather [hbm4b:s2+s3], $0x80, v4, vm0, $0xb8;
	[tilespmem:$0x10180] =	vst v63  }
0x101: {  	v3 =	vperm.xlane v3, v2  }
0x102: {  	[tilespmem:s15], [sflag:$0x1] =	stream.indirect_vreg.gather [hbm4b:s4+s3], $0x80, v4, vm0, $0xb8;
	[tilespmem:$0x10180] =	vst v63  }
0x103: {  	v3 =	vadd.s32 v1, v3  }
0x104: {  	[tilespmem:s10], [sflag:$0x1] =	stream.indirect_vreg.gather [hbm4b:s5+s3], $0x80, v4, vm0, $0xb8;
	[tilespmem:$0x10180] =	vst v63  }
0x105: {  	_ = 	snop  }
0x106: {  	[tilespmem:s11], [sflag:$0x1] =	stream.indirect_vreg.gather [hbm4b:s6+s3], $0x80, v4, vm0, $0xb8;
	[tilespmem:$0x10180] =	vst v63  }
0x107: {  	_ = 	snop  }
0x108: {  	[tilespmem:s12], [sflag:$0x1] =	stream.indirect_vreg.gather [hbm4b:s2+s3], $0x80, v3, vm0, $0xb8;
	[tilespmem:$0x10180] =	vst v63  }
0x109: {  	s24 =	simm.s32 $0xA980  }
0x10a: {  	[tilespmem:s24], [sflag:$0x1] =	stream.indirect_vreg.gather [hbm4b:s4+s3], $0x80, v3, vm0, $0xb8;
	[tilespmem:$0x10180] =	vst v63  }
0x10b: {  	s28 =	simm.s32 $0xB180  }
0x10c: {  	[tilespmem:s28], [sflag:$0x1] =	stream.indirect_vreg.gather [hbm4b:s5+s3], $0x80, v3, vm0, $0xb8;
	[tilespmem:$0x10180] =	vst v63  }
0x10d: {  	s19 =	simm.s32 $0xB980  }
0x10e: {  	[tilespmem:s19], [sflag:$0x1] =	stream.indirect_vreg.gather [hbm4b:s6+s3], $0x80, v3, vm0, $0xb8;
	[tilespmem:$0x10180] =	vst v63  }
0x10f: {  	v3 =	vld [tilespmem:$0xB0];
	_ =	sdelay $0x4  }
0x110: {  	v55 =	vshll.u32 v3, $0x3  }
0x111: {  	v3 =	vand.u32 $0x7, v3;
	v4 =	vand.u32 $0xFFFFFFC0, v55  }
0x112: {  	v3 =	vor.u32 v3, v4  }
0x113: {  	v4 =	vperm.xlane v3, v0;
	_ =	sdelay $0x1  }
0x114: {  	v4 =	vadd.s32 v1, v4;
	_ =	sdelay $0x3  }
0x115: {  	s28 =	simm.s32 $0xC180  }
0x116: {  	[tilespmem:s28], [sflag:$0x1] =	stream.indirect_vreg.gather [hbm4b:s2+s3], $0x80, v4, vm0, $0xb8;
	[tilespmem:$0x10180] =	vst v63  }
0x117: {  	s13 =	simm.s32 $0xC980;
	v3 =	vperm.xlane v3, v2  }
0x118: {  	[tilespmem:s13], [sflag:$0x1] =	stream.indirect_vreg.gather [hbm4b:s4+s3], $0x80, v4, vm0, $0xb8;
	[tilespmem:$0x10180] =	vst v63  }
0x119: {  	s20 =	simm.s32 $0xD180;
	v3 =	vadd.s32 v1, v3  }
0x11a: {  	[tilespmem:s20], [sflag:$0x1] =	stream.indirect_vreg.gather [hbm4b:s5+s3], $0x80, v4, vm0, $0xb8;
	[tilespmem:$0x10180] =	vst v63  }
0x11b: {  	s21 =	simm.s32 $0xD980  }
0x11c: {  	[tilespmem:s21], [sflag:$0x1] =	stream.indirect_vreg.gather [hbm4b:s6+s3], $0x80, v4, vm0, $0xb8;
	[tilespmem:$0x10180] =	vst v63  }
0x11d: {  	s26 =	simm.s32 $0xE180  }
0x11e: {  	[tilespmem:s26], [sflag:$0x1] =	stream.indirect_vreg.gather [hbm4b:s2+s3], $0x80, v3, vm0, $0xb8;
	[tilespmem:$0x10180] =	vst v63  }
0x11f: {  	s25 =	simm.s32 $0xE980  }
0x120: {  	[tilespmem:s25], [sflag:$0x1] =	stream.indirect_vreg.gather [hbm4b:s4+s3], $0x80, v3, vm0, $0xb8;
	[tilespmem:$0x10180] =	vst v63  }
0x121: {  	s22 =	simm.s32 $0xF180  }
0x122: {  	[tilespmem:s22], [sflag:$0x1] =	stream.indirect_vreg.gather [hbm4b:s5+s3], $0x80, v3, vm0, $0xb8;
	[tilespmem:$0x10180] =	vst v63  }
0x123: {  	s17 =	simm.s32 $0xF980  }
0x124: {  	[tilespmem:s17], [sflag:$0x1] =	stream.indirect_vreg.gather [hbm4b:s6+s3], $0x80, v3, vm0, $0xb8;
	[tilespmem:$0x10180] =	vst v63  }
0x125: {  	_ =	swait.ge [sflag:s18], $0x10000  }
0x126: {  	[sflag:s18] =	ssyncset.done $0x0  }
0x127: {  	s17 =	rddreg [dreg:$0x6];
	[sflag:s18] =	ssyncadd.s32 $0xFFFF0000  }
0x128: {  	[hbm4b:s17+s3] =	stream.linear.scatter [tilespmem:s23], [sflag:$0x2], $0x10000, $0x38;
	[tilespmem:$0x10180] =	vst v63  }
0x129: {  	_ =	swait.ge [sflag:s8], $0x10000  }
0x12a: {  	[sflag:s8] =	ssyncset.done $0x0  }
0x12b: {  	[sflag:s8] =	ssyncadd.s32 $0xFFFF0000  }
0x12c: {  	v3 =	vld [tilespmem:$0xC0];
	_ =	sdelay $0x4  }
0x12d: {  	v56 =	vshll.u32 v3, $0x3  }
0x12e: {  	v3 =	vand.u32 $0x7, v3;
	v4 =	vand.u32 $0xFFFFFFC0, v56  }
0x12f: {  	v3 =	vor.u32 v3, v4  }
0x130: {  	v4 =	vperm.xlane v3, v0;
	_ =	sdelay $0x1  }
0x131: {  	v4 =	vadd.s32 v1, v4;
	_ =	sdelay $0x4  }
0x132: {  	[tilespmem:s23], [sflag:$0x1] =	stream.indirect_vreg.gather [hbm4b:s2+s3], $0x80, v4, vm0, $0xb8;
	[tilespmem:$0x10180] =	vst v63  }
0x133: {  	s22 =	simm.s32 $0x980;
	v3 =	vperm.xlane v3, v2  }
0x134: {  	[tilespmem:s22], [sflag:$0x1] =	stream.indirect_vreg.gather [hbm4b:s4+s3], $0x80, v4, vm0, $0xb8;
	[tilespmem:$0x10180] =	vst v63  }
0x135: {  	s25 =	simm.s32 $0x1180;
	v3 =	vadd.s32 v1, v3  }
0x136: {  	[tilespmem:s25], [sflag:$0x1] =	stream.indirect_vreg.gather [hbm4b:s5+s3], $0x80, v4, vm0, $0xb8;
	[tilespmem:$0x10180] =	vst v63  }
0x137: {  	s26 =	simm.s32 $0x1980  }
0x138: {  	[tilespmem:s26], [sflag:$0x1] =	stream.indirect_vreg.gather [hbm4b:s6+s3], $0x80, v4, vm0, $0xb8;
	[tilespmem:$0x10180] =	vst v63  }
0x139: {  	s17 =	simm.s32 $0x2180  }
0x13a: {  	[tilespmem:s17], [sflag:$0x1] =	stream.indirect_vreg.gather [hbm4b:s2+s3], $0x80, v3, vm0, $0xb8;
	[tilespmem:$0x10180] =	vst v63  }
0x13b: {  	s19 =	simm.s32 $0x2980  }
0x13c: {  	[tilespmem:s19], [sflag:$0x1] =	stream.indirect_vreg.gather [hbm4b:s4+s3], $0x80, v3, vm0, $0xb8;
	[tilespmem:$0x10180] =	vst v63  }
0x13d: {  	s25 =	simm.s32 $0x3180  }
0x13e: {  	[tilespmem:s25], [sflag:$0x1] =	stream.indirect_vreg.gather [hbm4b:s5+s3], $0x80, v3, vm0, $0xb8;
	[tilespmem:$0x10180] =	vst v63  }
0x13f: {  	s26 =	simm.s32 $0x3980  }
0x140: {  	[tilespmem:s26], [sflag:$0x1] =	stream.indirect_vreg.gather [hbm4b:s6+s3], $0x80, v3, vm0, $0xb8;
	[tilespmem:$0x10180] =	vst v63  }
0x141: {  	v3 =	vld [tilespmem:$0xD0];
	_ =	sdelay $0x4  }
0x142: {  	v57 =	vshll.u32 v3, $0x3  }
0x143: {  	v3 =	vand.u32 $0x7, v3;
	v4 =	vand.u32 $0xFFFFFFC0, v57  }
0x144: {  	v3 =	vor.u32 v3, v4  }
0x145: {  	v4 =	vperm.xlane v3, v0;
	_ =	sdelay $0x1  }
0x146: {  	v4 =	vadd.s32 v1, v4;
	_ =	sdelay $0x3  }
0x147: {  	s16 =	simm.s32 $0x4180  }
0x148: {  	[tilespmem:s16], [sflag:$0x1] =	stream.indirect_vreg.gather [hbm4b:s2+s3], $0x80, v4, vm0, $0xb8;
	[tilespmem:$0x10180] =	vst v63  }
0x149: {  	v3 =	vperm.xlane v3, v2;
	s16 =	simm.s32 $0x4980  }
0x14a: {  	[tilespmem:s16], [sflag:$0x1] =	stream.indirect_vreg.gather [hbm4b:s4+s3], $0x80, v4, vm0, $0xb8;
	[tilespmem:$0x10180] =	vst v63  }
0x14b: {  	s17 =	simm.s32 $0x5180;
	v3 =	vadd.s32 v1, v3  }
0x14c: {  	[tilespmem:s17], [sflag:$0x1] =	stream.indirect_vreg.gather [hbm4b:s5+s3], $0x80, v4, vm0, $0xb8;
	[tilespmem:$0x10180] =	vst v63  }
0x14d: {  	s29 =	simm.s32 $0x5980  }
0x14e: {  	[tilespmem:s29], [sflag:$0x1] =	stream.indirect_vreg.gather [hbm4b:s6+s3], $0x80, v4, vm0, $0xb8;
	[tilespmem:$0x10180] =	vst v63  }
0x14f: {  	s31 =	simm.s32 $0x6180  }
0x150: {  	[tilespmem:s31], [sflag:$0x1] =	stream.indirect_vreg.gather [hbm4b:s2+s3], $0x80, v3, vm0, $0xb8;
	[tilespmem:$0x10180] =	vst v63  }
0x151: {  	s30 =	simm.s32 $0x6980  }
0x152: {  	[tilespmem:s30], [sflag:$0x1] =	stream.indirect_vreg.gather [hbm4b:s4+s3], $0x80, v3, vm0, $0xb8;
	[tilespmem:$0x10180] =	vst v63  }
0x153: {  	s1 =	simm.s32 $0x7180  }
0x154: {  	[tilespmem:s1], [sflag:$0x1] =	stream.indirect_vreg.gather [hbm4b:s5+s3], $0x80, v3, vm0, $0xb8;
	[tilespmem:$0x10180] =	vst v63  }
0x155: {  	s0 =	simm.s32 $0x7980  }
0x156: {  	[tilespmem:s0], [sflag:$0x1] =	stream.indirect_vreg.gather [hbm4b:s6+s3], $0x80, v3, vm0, $0xb8;
	[tilespmem:$0x10180] =	vst v63  }
0x157: {  	v3 =	vld [tilespmem:$0xE0];
	_ =	sdelay $0x4  }
0x158: {  	v58 =	vshll.u32 v3, $0x3  }
0x159: {  	v3 =	vand.u32 $0x7, v3;
	v4 =	vand.u32 $0xFFFFFFC0, v58  }
0x15a: {  	v3 =	vor.u32 v3, v4  }
0x15b: {  	v4 =	vperm.xlane v3, v0;
	_ =	sdelay $0x1  }
0x15c: {  	v4 =	vadd.s32 v1, v4;
	_ =	sdelay $0x3  }
0x15d: {  	s14 =	simm.s32 $0x8180  }
0x15e: {  	[tilespmem:s14], [sflag:$0x1] =	stream.indirect_vreg.gather [hbm4b:s2+s3], $0x80, v4, vm0, $0xb8;
	[tilespmem:$0x10180] =	vst v63  }
0x15f: {  	s15 =	simm.s32 $0x8980;
	v3 =	vperm.xlane v3, v2  }
0x160: {  	[tilespmem:s15], [sflag:$0x1] =	stream.indirect_vreg.gather [hbm4b:s4+s3], $0x80, v4, vm0, $0xb8;
	[tilespmem:$0x10180] =	vst v63  }
0x161: {  	s9 =	simm.s32 $0x9180;
	v3 =	vadd.s32 v1, v3  }
0x162: {  	[tilespmem:s9], [sflag:$0x1] =	stream.indirect_vreg.gather [hbm4b:s5+s3], $0x80, v4, vm0, $0xb8;
	[tilespmem:$0x10180] =	vst v63  }
0x163: {  	s10 =	simm.s32 $0x9980  }
0x164: {  	[tilespmem:s10], [sflag:$0x1] =	stream.indirect_vreg.gather [hbm4b:s6+s3], $0x80, v4, vm0, $0xb8;
	[tilespmem:$0x10180] =	vst v63  }
0x165: {  	s11 =	simm.s32 $0xA180  }
0x166: {  	[tilespmem:s11], [sflag:$0x1] =	stream.indirect_vreg.gather [hbm4b:s2+s3], $0x80, v3, vm0, $0xb8;
	[tilespmem:$0x10180] =	vst v63  }
0x167: {  	s24 =	simm.s32 $0xA980  }
0x168: {  	[tilespmem:s24], [sflag:$0x1] =	stream.indirect_vreg.gather [hbm4b:s4+s3], $0x80, v3, vm0, $0xb8;
	[tilespmem:$0x10180] =	vst v63  }
0x169: {  	s19 =	simm.s32 $0xB180  }
0x16a: {  	[tilespmem:s19], [sflag:$0x1] =	stream.indirect_vreg.gather [hbm4b:s5+s3], $0x80, v3, vm0, $0xb8;
	[tilespmem:$0x10180] =	vst v63  }
0x16b: {  	s24 =	simm.s32 $0xB980  }
0x16c: {  	[tilespmem:s24], [sflag:$0x1] =	stream.indirect_vreg.gather [hbm4b:s6+s3], $0x80, v3, vm0, $0xb8;
	[tilespmem:$0x10180] =	vst v63  }
0x16d: {  	v3 =	vld [tilespmem:$0xF0];
	_ =	sdelay $0x4  }
0x16e: {  	v59 =	vshll.u32 v3, $0x3  }
0x16f: {  	v3 =	vand.u32 $0x7, v3;
	v4 =	vand.u32 $0xFFFFFFC0, v59  }
0x170: {  	v3 =	vor.u32 v3, v4  }
0x171: {  	v4 =	vperm.xlane v3, v0;
	_ =	sdelay $0x1  }
0x172: {  	v4 =	vadd.s32 v1, v4;
	_ =	sdelay $0x3  }
0x173: {  	s11 =	simm.s32 $0xC180  }
0x174: {  	[tilespmem:s11], [sflag:$0x1] =	stream.indirect_vreg.gather [hbm4b:s2+s3], $0x80, v4, vm0, $0xb8;
	[tilespmem:$0x10180] =	vst v63  }
0x175: {  	s19 =	simm.s32 $0xC980;
	v3 =	vperm.xlane v3, v2  }
0x176: {  	[tilespmem:s19], [sflag:$0x1] =	stream.indirect_vreg.gather [hbm4b:s4+s3], $0x80, v4, vm0, $0xb8;
	[tilespmem:$0x10180] =	vst v63  }
0x177: {  	s13 =	simm.s32 $0xD180;
	v3 =	vadd.s32 v1, v3  }
0x178: {  	[tilespmem:s13], [sflag:$0x1] =	stream.indirect_vreg.gather [hbm4b:s5+s3], $0x80, v4, vm0, $0xb8;
	[tilespmem:$0x10180] =	vst v63  }
0x179: {  	s20 =	simm.s32 $0xD980  }
0x17a: {  	[tilespmem:s20], [sflag:$0x1] =	stream.indirect_vreg.gather [hbm4b:s6+s3], $0x80, v4, vm0, $0xb8;
	[tilespmem:$0x10180] =	vst v63  }
0x17b: {  	s20 =	simm.s32 $0xE180  }
0x17c: {  	[tilespmem:s20], [sflag:$0x1] =	stream.indirect_vreg.gather [hbm4b:s2+s3], $0x80, v3, vm0, $0xb8;
	[tilespmem:$0x10180] =	vst v63  }
0x17d: {  	s28 =	simm.s32 $0xE980  }
0x17e: {  	[tilespmem:s28], [sflag:$0x1] =	stream.indirect_vreg.gather [hbm4b:s4+s3], $0x80, v3, vm0, $0xb8;
	[tilespmem:$0x10180] =	vst v63  }
0x17f: {  	s21 =	simm.s32 $0xF180  }
0x180: {  	[tilespmem:s21], [sflag:$0x1] =	stream.indirect_vreg.gather [hbm4b:s5+s3], $0x80, v3, vm0, $0xb8;
	[tilespmem:$0x10180] =	vst v63  }
0x181: {  	s21 =	simm.s32 $0xF980  }
0x182: {  	[tilespmem:s21], [sflag:$0x1] =	stream.indirect_vreg.gather [hbm4b:s6+s3], $0x80, v3, vm0, $0xb8;
	[tilespmem:$0x10180] =	vst v63  }
0x183: {  	_ =	swait.ge [sflag:s18], $0x10000  }
0x184: {  	[sflag:s18] =	ssyncset.done $0x0  }
0x185: {  	s28 =	rddreg [dreg:$0x7];
	[sflag:s18] =	ssyncadd.s32 $0xFFFF0000  }
0x186: {  	[hbm4b:s28+s3] =	stream.linear.scatter [tilespmem:s23], [sflag:$0x2], $0x10000, $0x38;
	[tilespmem:$0x10180] =	vst v63  }
0x187: {  	_ =	swait.ge [sflag:s8], $0x10000  }
0x188: {  	[sflag:s8] =	ssyncset.done $0x0  }
0x189: {  	[sflag:s8] =	ssyncadd.s32 $0xFFFF0000  }
0x18a: {  	v3 =	vld [tilespmem:$0x100];
	_ =	sdelay $0x4  }
0x18b: {  	v60 =	vshll.u32 v3, $0x3  }
0x18c: {  	v3 =	vand.u32 $0x7, v3;
	v4 =	vand.u32 $0xFFFFFFC0, v60  }
0x18d: {  	v3 =	vor.u32 v3, v4  }
0x18e: {  	v4 =	vperm.xlane v3, v0;
	_ =	sdelay $0x1  }
0x18f: {  	v4 =	vadd.s32 v1, v4;
	_ =	sdelay $0x4  }
0x190: {  	[tilespmem:s23], [sflag:$0x1] =	stream.indirect_vreg.gather [hbm4b:s2+s3], $0x80, v4, vm0, $0xb8;
	[tilespmem:$0x10180] =	vst v63  }
0x191: {  	s28 =	simm.s32 $0x980;
	v3 =	vperm.xlane v3, v2  }
0x192: {  	[tilespmem:s28], [sflag:$0x1] =	stream.indirect_vreg.gather [hbm4b:s4+s3], $0x80, v4, vm0, $0xb8;
	[tilespmem:$0x10180] =	vst v63  }
0x193: {  	s22 =	simm.s32 $0x1180;
	v3 =	vadd.s32 v1, v3  }
0x194: {  	[tilespmem:s22], [sflag:$0x1] =	stream.indirect_vreg.gather [hbm4b:s5+s3], $0x80, v4, vm0, $0xb8;
	[tilespmem:$0x10180] =	vst v63  }
0x195: {  	s28 =	simm.s32 $0x1980  }
0x196: {  	[tilespmem:s28], [sflag:$0x1] =	stream.indirect_vreg.gather [hbm4b:s6+s3], $0x80, v4, vm0, $0xb8;
	[tilespmem:$0x10180] =	vst v63  }
0x197: {  	s22 =	simm.s32 $0x2180  }
0x198: {  	[tilespmem:s22], [sflag:$0x1] =	stream.indirect_vreg.gather [hbm4b:s2+s3], $0x80, v3, vm0, $0xb8;
	[tilespmem:$0x10180] =	vst v63  }
0x199: {  	s28 =	simm.s32 $0x2980  }
0x19a: {  	[tilespmem:s28], [sflag:$0x1] =	stream.indirect_vreg.gather [hbm4b:s4+s3], $0x80, v3, vm0, $0xb8;
	[tilespmem:$0x10180] =	vst v63  }
0x19b: {  	s22 =	simm.s32 $0x3180  }
0x19c: {  	[tilespmem:s22], [sflag:$0x1] =	stream.indirect_vreg.gather [hbm4b:s5+s3], $0x80, v3, vm0, $0xb8;
	[tilespmem:$0x10180] =	vst v63  }
0x19d: {  	s28 =	simm.s32 $0x3980  }
0x19e: {  	[tilespmem:s28], [sflag:$0x1] =	stream.indirect_vreg.gather [hbm4b:s6+s3], $0x80, v3, vm0, $0xb8;
	[tilespmem:$0x10180] =	vst v63  }
0x19f: {  	v3 =	vld [tilespmem:$0x110];
	_ =	sdelay $0x4  }
0x1a0: {  	v61 =	vshll.u32 v3, $0x3  }
0x1a1: {  	v3 =	vand.u32 $0x7, v3;
	v4 =	vand.u32 $0xFFFFFFC0, v61  }
0x1a2: {  	v3 =	vor.u32 v3, v4  }
0x1a3: {  	v4 =	vperm.xlane v3, v0;
	_ =	sdelay $0x1  }
0x1a4: {  	v4 =	vadd.s32 v1, v4;
	_ =	sdelay $0x3  }
0x1a5: {  	s26 =	simm.s32 $0x4180  }
0x1a6: {  	[tilespmem:s26], [sflag:$0x1] =	stream.indirect_vreg.gather [hbm4b:s2+s3], $0x80, v4, vm0, $0xb8;
	[tilespmem:$0x10180] =	vst v63  }
0x1a7: {  	s22 =	simm.s32 $0x4980;
	v3 =	vperm.xlane v3, v2  }
0x1a8: {  	[tilespmem:s22], [sflag:$0x1] =	stream.indirect_vreg.gather [hbm4b:s4+s3], $0x80, v4, vm0, $0xb8;
	[tilespmem:$0x10180] =	vst v63  }
0x1a9: {  	v3 =	vadd.s32 v1, v3;
	s26 =	simm.s32 $0x5180  }
0x1aa: {  	[tilespmem:s26], [sflag:$0x1] =	stream.indirect_vreg.gather [hbm4b:s5+s3], $0x80, v4, vm0, $0xb8;
	[tilespmem:$0x10180] =	vst v63  }
0x1ab: {  	s16 =	simm.s32 $0x5980  }
0x1ac: {  	[tilespmem:s16], [sflag:$0x1] =	stream.indirect_vreg.gather [hbm4b:s6+s3], $0x80, v4, vm0, $0xb8;
	[tilespmem:$0x10180] =	vst v63  }
0x1ad: {  	s12 =	simm.s32 $0x6180  }
0x1ae: {  	[tilespmem:s12], [sflag:$0x1] =	stream.indirect_vreg.gather [hbm4b:s2+s3], $0x80, v3, vm0, $0xb8;
	[tilespmem:$0x10180] =	vst v63  }
0x1af: {  	s29 =	simm.s32 $0x6980  }
0x1b0: {  	[tilespmem:s29], [sflag:$0x1] =	stream.indirect_vreg.gather [hbm4b:s4+s3], $0x80, v3, vm0, $0xb8;
	[tilespmem:$0x10180] =	vst v63  }
0x1b1: {  	s25 =	simm.s32 $0x7180  }
0x1b2: {  	[tilespmem:s25], [sflag:$0x1] =	stream.indirect_vreg.gather [hbm4b:s5+s3], $0x80, v3, vm0, $0xb8;
	[tilespmem:$0x10180] =	vst v63  }
0x1b3: {  	s17 =	simm.s32 $0x7980  }
0x1b4: {  	[tilespmem:s17], [sflag:$0x1] =	stream.indirect_vreg.gather [hbm4b:s6+s3], $0x80, v3, vm0, $0xb8;
	[tilespmem:$0x10180] =	vst v63  }
0x1b5: {  	v3 =	vld [tilespmem:$0x120];
	_ =	sdelay $0x4  }
0x1b6: {  	v62 =	vshll.u32 v3, $0x3  }
0x1b7: {  	v3 =	vand.u32 $0x7, v3;
	v4 =	vand.u32 $0xFFFFFFC0, v62  }
0x1b8: {  	v3 =	vor.u32 v3, v4  }
0x1b9: {  	v4 =	vperm.xlane v3, v0;
	_ =	sdelay $0x1  }
0x1ba: {  	v4 =	vadd.s32 v1, v4;
	_ =	sdelay $0x3  }
0x1bb: {  	s30 =	simm.s32 $0x8180  }
0x1bc: {  	[tilespmem:s30], [sflag:$0x1] =	stream.indirect_vreg.gather [hbm4b:s2+s3], $0x80, v4, vm0, $0xb8;
	[tilespmem:$0x10180] =	vst v63  }
0x1bd: {  	s14 =	simm.s32 $0x8980;
	v3 =	vperm.xlane v3, v2  }
0x1be: {  	[tilespmem:s14], [sflag:$0x1] =	stream.indirect_vreg.gather [hbm4b:s4+s3], $0x80, v4, vm0, $0xb8;
	[tilespmem:$0x10180] =	vst v63  }
0x1bf: {  	s0 =	simm.s32 $0x9180;
	v3 =	vadd.s32 v1, v3  }
0x1c0: {  	[tilespmem:s0], [sflag:$0x1] =	stream.indirect_vreg.gather [hbm4b:s5+s3], $0x80, v4, vm0, $0xb8;
	[tilespmem:$0x10180] =	vst v63  }
0x1c1: {  	s1 =	simm.s32 $0x9980  }
0x1c2: {  	[tilespmem:s1], [sflag:$0x1] =	stream.indirect_vreg.gather [hbm4b:s6+s3], $0x80, v4, vm0, $0xb8;
	[tilespmem:$0x10180] =	vst v63  }
0x1c3: {  	s9 =	simm.s32 $0xA180  }
0x1c4: {  	[tilespmem:s9], [sflag:$0x1] =	stream.indirect_vreg.gather [hbm4b:s2+s3], $0x80, v3, vm0, $0xb8;
	[tilespmem:$0x10180] =	vst v63  }
0x1c5: {  	s15 =	simm.s32 $0xA980  }
0x1c6: {  	[tilespmem:s15], [sflag:$0x1] =	stream.indirect_vreg.gather [hbm4b:s4+s3], $0x80, v3, vm0, $0xb8;
	[tilespmem:$0x10180] =	vst v63  }
0x1c7: {  	s31 =	simm.s32 $0xB180  }
0x1c8: {  	[tilespmem:s31], [sflag:$0x1] =	stream.indirect_vreg.gather [hbm4b:s5+s3], $0x80, v3, vm0, $0xb8;
	[tilespmem:$0x10180] =	vst v63  }
0x1c9: {  	s28 =	simm.s32 $0xB980  }
0x1ca: {  	[tilespmem:s28], [sflag:$0x1] =	stream.indirect_vreg.gather [hbm4b:s6+s3], $0x80, v3, vm0, $0xb8;
	[tilespmem:$0x10180] =	vst v63  }
0x1cb: {  	v3 =	vld [tilespmem:$0x130];
	_ =	sdelay $0x4  }
0x1cc: {  	v63 =	vshll.u32 v3, $0x3  }
0x1cd: {  	v3 =	vand.u32 $0x7, v3;
	v4 =	vand.u32 $0xFFFFFFC0, v63  }
0x1ce: {  	v3 =	vor.u32 v3, v4  }
0x1cf: {  	v4 =	vperm.xlane v3, v0;
	_ =	sdelay $0x1  }
0x1d0: {  	v4 =	vadd.s32 v1, v4;
	_ =	sdelay $0x3  }
0x1d1: {  	s29 =	simm.s32 $0xC180  }
0x1d2: {  	[tilespmem:s29], [sflag:$0x1] =	stream.indirect_vreg.gather [hbm4b:s2+s3], $0x80, v4, vm0, $0xb8;
	[tilespmem:$0x10180] =	vst v63  }
0x1d3: {  	s30 =	simm.s32 $0xC980;
	v3 =	vperm.xlane v3, v2  }
0x1d4: {  	[tilespmem:s30], [sflag:$0x1] =	stream.indirect_vreg.gather [hbm4b:s4+s3], $0x80, v4, vm0, $0xb8;
	[tilespmem:$0x10180] =	vst v63  }
0x1d5: {  	s10 =	simm.s32 $0xD180;
	v3 =	vadd.s32 v1, v3  }
0x1d6: {  	[tilespmem:s10], [sflag:$0x1] =	stream.indirect_vreg.gather [hbm4b:s5+s3], $0x80, v4, vm0, $0xb8;
	[tilespmem:$0x10180] =	vst v63  }
0x1d7: {  	s11 =	simm.s32 $0xD980  }
0x1d8: {  	[tilespmem:s11], [sflag:$0x1] =	stream.indirect_vreg.gather [hbm4b:s6+s3], $0x80, v4, vm0, $0xb8;
	[tilespmem:$0x10180] =	vst v63  }
0x1d9: {  	s24 =	simm.s32 $0xE180  }
0x1da: {  	[tilespmem:s24], [sflag:$0x1] =	stream.indirect_vreg.gather [hbm4b:s2+s3], $0x80, v3, vm0, $0xb8;
	[tilespmem:$0x10180] =	vst v63  }
0x1db: {  	s20 =	simm.s32 $0xE980  }
0x1dc: {  	[tilespmem:s20], [sflag:$0x1] =	stream.indirect_vreg.gather [hbm4b:s4+s3], $0x80, v3, vm0, $0xb8;
	[tilespmem:$0x10180] =	vst v63  }
0x1dd: {  	s13 =	simm.s32 $0xF180  }
0x1de: {  	[tilespmem:s13], [sflag:$0x1] =	stream.indirect_vreg.gather [hbm4b:s5+s3], $0x80, v3, vm0, $0xb8;
	[tilespmem:$0x10180] =	vst v63  }
0x1df: {  	s21 =	simm.s32 $0xF980  }
0x1e0: {  	[tilespmem:s21], [sflag:$0x1] =	stream.indirect_vreg.gather [hbm4b:s6+s3], $0x80, v3, vm0, $0xb8;
	[tilespmem:$0x10180] =	vst v63  }
0x1e1: {  	_ =	swait.ge [sflag:s18], $0x10000  }
0x1e2: {  	p0 =	sne.s32 s7, $0x1;
	[sflag:s18] =	ssyncset.done $0x0  }
.Ltmp0:
0x1e3: {  	s31 =	rddreg [dreg:$0x8];
	[sflag:s18] =	ssyncadd.s32 $0xFFFF0000;
	(pc) =	sbr.rel @p0 .LBB2_1-.Ltmp0, $4  }
0x1e4: {  	[hbm4b:s31+s3] =	stream.linear.scatter [tilespmem:s23], [sflag:$0x2], $0x10000, $0x38;
	[tilespmem:$0x10180] =	vst v63  }
0x1e5: {  	_ =	swait.ge [sflag:s8], $0x10000  }
0x1e6: {  	[sflag:s8] =	ssyncset.done $0x0  }
0x1e7: {  	s7 =	sadd.s32 $0xFFFFFFFF, s7;
	[sflag:s8] =	ssyncadd.s32 $0xFFFF0000  }
0x1e8: {  	_ =	sfence.sel $0x180000  }
0x1e9: {  	[bflag:$0x0] =	sbarrier.arrive $0xFFFF  }
0x1ea: {  	_ =	strace $0x9000004A  }
0x1eb: {  	s0 =	stileid.u32;
	[bflag:$0x2] =	sbarrier.arrive $0xFFFF  }
0x1ec: {  	p0 =	sne.s32 s0, $0x0;
	s0 =	rddreg [dreg:$0x2]  }
0x1ed: {  	s0 =	sadd.s32 @!p0 $0x100000, s0  }
0x1ee: {  	[sflag:s0] =	ssyncadd.tile.s32 @!p0 $0x1;
	_ =	shalt  }
.Lfunc_end2:
_tile_overlayer_lowered:
.L_overlay_start_2:
0x1ef: {  	(tag) =	ssettag $0x2  }
0x1f0: {  	s0 =	rddreg [dreg:$0x0];
	s2 =	stileid.u32  }
0x1f1: {  	s1 =	rddreg [dreg:$0x1];
	p0 =	sne.s32 s2, $0x0  }
0x1f2: {  	s3 =	rddreg [dreg:$0x2];
	[bflag:$0x3] =	sbarrier.arrive $0xFFFF;
	s2 =	simm.s32 @!p0 $0x1C02  }
0x1f3: {  	[timem:s3], [sflag:s2] =	dma.local @!p0 [hbm:s0], s1  }
0x1f4: {  	s0 =	simm.s32 @!p0 $0x2  }
0x1f5: {  	_ =	swait.ge @!p0 [sflag:s0], s1  }
0x1f6: {  	s1 =	ssub.s32 @!p0 $0x0, s1;
	[sflag:s0] =	ssyncset.done @!p0 $0x0  }
0x1f7: {  	[sflag:s0] =	ssyncadd.s32 @!p0 s1  }
0x1f8: {  	[bflag:$0x3] =	sbarrier.arrive $0xFFFF  }
0x1f9: {  	_ =	shalt  }

// kernel: kernel.16.cloned.1.call-start
scs
__scs_entry_jumppad:
0x0: {  	(pc) =	sbr.rel $0x88, $3  }
0x1: {  	(tag) =	ssettag $0x0;
	lr =	simm.s32 $0x1  }
0x2: {  	[smem:$0x3F99] =	sst lr;
	_ =	strace $0xD0000000  }
0x3: {  	_ = 	snop  }
0x4: {  	_ = 	snop  }
0x5: {  	_ = 	snop  }
0x6: {  	_ = 	snop  }
0x7: {  	_ = 	snop  }
__scs_overlays_trampoline_lowered:
0x8: {  	[smem:$0x3FA8] =	sst s0  }
0x9: {  	[smem:$0x3FA9] =	sst s1  }
0xa: {  	[smem:$0x3FAA] =	sst s2  }
0xb: {  	[smem:$0x3FAB] =	sst s3  }
0xc: {  	[smem:$0x3FAC] =	sst s4  }
0xd: {  	[smem:$0x3FAD] =	sst s5  }
0xe: {  	[smem:$0x3FAE] =	sst s6  }
0xf: {  	[smem:$0x3FAF] =	sst s7  }
0x10: {  	[smem:$0x3FB0] =	sst s8  }
0x11: {  	[smem:$0x3FB1] =	sst s9;
	s0 =	simm.s32 @!p0 $0x0  }
0x12: {  	s1 =	sld [smem:$0x3F97];
	s0 =	simm.s32 @p0 $0x1  }
0x13: {  	[smem:$0x3FB2] =	sst s0;
	s0 =	simm.s32 @!p1 $0x0  }
0x14: {  	s2 =	sld [smem:$0x3F96];
	s0 =	simm.s32 @p1 $0x1  }
0x15: {  	[smem:$0x3FB3] =	sst s0;
	s0 =	simm.s32 @!p2 $0x0  }
0x16: {  	s3 =	sld [smem:$0x3FDB];
	s0 =	simm.s32 @p2 $0x1  }
0x17: {  	s4 =	simm.s32 $0x1BF5;
	[smem:$0x3FB5] =	sst s0  }
0x18: {  	s0 =	sld [smem:$0x3F98];
	_ =	swait.ge [sflag:s4], $0x0  }
0x19: {  	s7 =	sld [smem:$0x3F99]  }
0x1a: {  	s8 =	sadd.s32 $0xFFFFE003, lr  }
0x1b: {  	s9 =	sadd.s32 $0xFFFFFEF7, lr;
	s5 =	simm.s32 $0xFFFFFFFF;
	p2 =	slt.u32 s8, $0xFFFFF086  }
0x1c: {  	p1 =	slt.u32 s9, $0xF7A;
	s5 =	simm.s32 @!p2 $0x0  }
0x1d: {  	s5 =	simm.s32 @p1 $0x1;
	p0 =	seq.s32 s7, s2  }
0x1e: {  	s7 =	smul.u32 @!p0 $0xF7A, s2;
	p2 =	seq.s32 @!p0 s5, $0x0  }
0x1f: {  	s9 =	smul.u32 $0xF7A, s1;
	s8 =	simm.s32 @!p0 $0x1BF5;
	p2 =	por !p2, p0  }
0x20: {  	[sflag:s8] =	ssyncset.s32 @!p0 $0xFFFFF086;
	s6 =	sadd.s32 @!p0 s3, s7;
	s7 =	simm.s32 @!p0 $0x108  }
0x21: {  	s3 =	sadd.s32 s3, s9;
	s6 =	sadd.s32 @!p0 $0x88, s6;
	s7 =	simm.s32 @p2 $0x1082  }
0x22: {  	[simem:s7], [sflag:s8] =	dma.local @!p0 [hbm:s6], $0xF7A  }
0x23: {  	s9 =	sor.u32 $0xD0000000, s2;
	s6 =	simm.s32 $0x108;
	_ =	swait.ge @!p0 [sflag:s8], $0x0  }
0x24: {  	s3 =	sadd.s32 $0x88, s3;
	s6 =	simm.s32 @!p1 $0x1082;
	[sflag:s4] =	ssyncset.s32 $0xFFFFF086  }
0x25: {  	[simem:s6], [sflag:s4] =	dma.local [hbm:s3], $0xF7A  }
0x26: {  	[smem:$0x3F99] =	sst s1;
	(tag) =	ssettag s2;
	_ =	strace s9  }
0x27: {  	s1 =	sld [smem:$0x3FA9]  }
0x28: {  	s2 =	sld [smem:$0x3FAA]  }
0x29: {  	s4 =	sld [smem:$0x3FAC]  }
0x2a: {  	p0 =	seq.s32 s5, $0x0;
	s5 =	sld [smem:$0x3FAD]  }
0x2b: {  	s6 =	sld [smem:$0x3FAE]  }
0x2c: {  	s7 =	sld [smem:$0x3FAF]  }
0x2d: {  	s3 =	simm.s32 $0x108;
	s8 =	sld [smem:$0x3FB0]  }
0x2e: {  	s3 =	simm.s32 @!p0 $0x1082;
	s9 =	sld [smem:$0x3FB1]  }
0x2f: {  	lr =	sadd.s32 s0, s3;
	s0 =	sld [smem:$0x3FA8]  }
0x30: {  	s3 =	sld [smem:$0x3FAB]  }
0x31: {  	[smem:$0x3FB4] =	sst s10  }
0x32: {  	s10 =	sld [smem:$0x3FB2];
	_ =	sdelay $0x3  }
0x33: {  	p0 =	seq.s32 s10, $0x1;
	s10 =	sld [smem:$0x3FB4];
	_ =	sdelay $0x3  }
0x34: {  	[smem:$0x3FB4] =	sst s10  }
0x35: {  	s10 =	sld [smem:$0x3FB3];
	_ =	sdelay $0x3  }
0x36: {  	p1 =	seq.s32 s10, $0x1;
	s10 =	sld [smem:$0x3FB4];
	_ =	sdelay $0x3  }
0x37: {  	[smem:$0x3FB4] =	sst s10  }
0x38: {  	s10 =	sld [smem:$0x3FB5]  }
0x39: {  	_ = 	snop;
	(pc) =	sbr.ind lr, $3  }
0x3a: {  	_ = 	snop  }
0x3b: {  	_ = 	snop  }
0x3c: {  	p2 =	seq.s32 s10, $0x1;
	s10 =	sld [smem:$0x3FB4]  }
0x3d: {  	_ =	shalt  }
0x3e: {  	_ =	shalt  }
0x3f: {  	_ =	shalt  }
0x40: {  	_ =	shalt  }
0x41: {  	_ =	shalt  }
0x42: {  	_ =	shalt  }
0x43: {  	_ =	shalt  }
0x44: {  	_ =	shalt  }
0x45: {  	_ =	shalt  }
0x46: {  	_ =	shalt  }
0x47: {  	_ =	shalt  }
0x48: {  	_ =	shalt  }
0x49: {  	_ =	shalt  }
0x4a: {  	_ =	shalt  }
0x4b: {  	_ =	shalt  }
0x4c: {  	_ =	shalt  }
0x4d: {  	_ =	shalt  }
0x4e: {  	_ =	shalt  }
0x4f: {  	_ =	shalt  }
0x50: {  	_ =	shalt  }
0x51: {  	_ =	shalt  }
0x52: {  	_ =	shalt  }
0x53: {  	_ =	shalt  }
0x54: {  	_ =	shalt  }
0x55: {  	_ =	shalt  }
0x56: {  	_ =	shalt  }
0x57: {  	_ =	shalt  }
0x58: {  	_ =	shalt  }
0x59: {  	_ =	shalt  }
0x5a: {  	_ =	shalt  }
0x5b: {  	_ =	shalt  }
0x5c: {  	_ =	shalt  }
0x5d: {  	_ =	shalt  }
0x5e: {  	_ =	shalt  }
0x5f: {  	_ =	shalt  }
0x60: {  	_ =	shalt  }
0x61: {  	_ =	shalt  }
0x62: {  	_ =	shalt  }
0x63: {  	_ =	shalt  }
0x64: {  	_ =	shalt  }
0x65: {  	_ =	shalt  }
0x66: {  	_ =	shalt  }
0x67: {  	_ =	shalt  }
0x68: {  	_ =	shalt  }
0x69: {  	_ =	shalt  }
0x6a: {  	_ =	shalt  }
0x6b: {  	_ =	shalt  }
0x6c: {  	_ =	shalt  }
0x6d: {  	_ =	shalt  }
0x6e: {  	_ =	shalt  }
0x6f: {  	_ =	shalt  }
0x70: {  	_ =	shalt  }
0x71: {  	_ =	shalt  }
0x72: {  	_ =	shalt  }
0x73: {  	_ =	shalt  }
0x74: {  	_ =	shalt  }
0x75: {  	_ =	shalt  }
0x76: {  	_ =	shalt  }
0x77: {  	_ =	shalt  }
0x78: {  	_ =	shalt  }
0x79: {  	_ =	shalt  }
0x7a: {  	_ =	shalt  }
0x7b: {  	_ =	shalt  }
0x7c: {  	_ =	shalt  }
0x7d: {  	_ =	shalt  }
0x7e: {  	_ =	shalt  }
0x7f: {  	_ =	shalt  }
0x80: {  	_ =	shalt  }
0x81: {  	_ =	shalt  }
0x82: {  	_ =	shalt  }
0x83: {  	_ =	shalt  }
0x84: {  	_ =	shalt  }
0x85: {  	_ =	shalt  }
0x86: {  	_ =	shalt  }
0x87: {  	_ =	shalt  }
.Lfunc_end0:
.L_simem_size_0:
called_computation.2_lowered:
.L_overlay_start_0:
0x88: {  	s2 =	sld [smem:$0x3FD9]  }
0x89: {  	s3 =	sld [smem:$0x3FFE];
	_ =	sdelay $0x1  }
0x8a: {  	s1 =	srdreg.scid  }
0x8b: {  	s0 =	sand.u32 $0x1, s1  }
0x8c: {  	s17 =	sshll.u32 s0, $0xA;
	s2 =	sadd.s32 s3, s2  }
0x8d: {  	s2 =	sadd.s32 s2, s17  }
0x8e: {  	[smem:$0x3FC0] =	sst s2  }
0x8f: {  	_ = 	snop  }
0x90: {  	(tm) =	ssettm $0x1  }
0x91: {  	s18 =	sld [smem:$0x3FFB];
	_ =	sdelay $0x3  }
0x92: {  	_ =	strace s18  }
0x93: {  	s2 =	sld [smem:$0x3FFC];
	_ =	sdelay $0x3  }
0x94: {  	_ =	strace s2  }
0x95: {  	s2 =	sld [smem:$0x3FFD];
	_ =	sdelay $0x3  }
0x96: {  	_ =	strace s2  }
0x97: {  	_ =	strace $0x8FFFFFFF  }
0x98: {  	s19 =	sld [smem:$0x3FDB];
	_ =	sdelay $0x1  }
0x99: {  	s20 =	simm.s32 $_scs_section_size  }
0x9a: {  	s4 =	simm.s32 $_size__tile_overlayer_lowered;
	s5 =	simm.s32 $_tile_overlayer_lowered  }
0x9b: {  	s6 =	simm.s32 $0x1BFF;
	s21 =	sshll.u32 s5, $0x1;
	s3 =	sadd.s32 s20, s19  }
0x9c: {  	s22 =	simm.s32 $0x0;
	s4 =	sshll.u32 s4, $0x1;
	s5 =	sadd.s32 s21, s3  }
0x9d: {  	[timem:s22], [sflag:s6] =	dma.local [hbm:s5], s4  }
0x9e: {  	_ =	swait.ge [sflag:s6], s4  }
0x9f: {  	s4 =	ssub.s32 $0x0, s4;
	[sflag:s6] =	ssyncset.done $0x0  }
0xa0: {  	[sflag:s6] =	ssyncadd.s32 s4;
	_ =	sdelay $0x1  }
0xa1: {  	s23 =	simm.s32 $0x1B8B  }
0xa2: {  	_ =	swait.ge [sflag:s23], $0x1  }
0xa3: {  	[sflag:s23] =	ssyncset.done $0x0  }
0xa4: {  	[sflag:s23] =	ssyncadd.s32 $0xFFFFFFFF  }
0xa5: {  	s4 =	sld [smem:$0x0]  }
0xa6: {  	s5 =	sand.u32 $0xFFFFFFFE, s1  }
0xa7: {  	p0 =	sne.s32 s1, s5  }
0xa8: {  	s5 =	sshll.u32 @p0 s5, $0xE  }
0xa9: {  	s5 =	sadd.s32 @p0 $0x11B8D, s5;
	s6 =	sshll.u32 @p0 s4, $0x11  }
0xaa: {  	s5 =	sor.u32 @p0 s6, s5  }
0xab: {  	[sflag:s5] =	ssyncadd.remote.s32 @p0 $0x1;
	_ =	sdelay $0x1  }
0xac: {  	s5 =	simm.s32 @p0 $0x1B8D  }
0xad: {  	_ =	swait.eq @p0 [sflag:s5], $0x1  }
0xae: {  	[sflag:s5] =	ssyncadd.s32 @p0 $0xFFFFFFFF  }
0xaf: {  	s6 =	sshll.u32 @!p0 s1, $0xE  }
0xb0: {  	s6 =	sor.u32 @!p0 $0x4000, s6;
	s5 =	simm.s32 @!p0 $0x1B8D  }
0xb1: {  	s4 =	sshll.u32 @!p0 s4, $0x11;
	s6 =	sadd.s32 @!p0 $0x11B8D, s6;
	_ =	swait.eq @!p0 [sflag:s5], $0x1  }
0xb2: {  	s4 =	sor.u32 @!p0 s4, s6;
	[sflag:s5] =	ssyncadd.s32 @!p0 $0xFFFFFFFF  }
0xb3: {  	s25 =	simm.s32 $0x1B8E;
	s24 =	sld [smem:$0x3FFE];
	[sflag:s4] =	ssyncadd.remote.s32 @!p0 $0x1  }
0xb4: {  	s26 =	simm.s32 $execute0_lowered;
	[smem:$0x3FD2] =	sst s25  }
0xb5: {  	s5 =	sshll.u32 s26, $0x1;
	_ =	strace $0x8000004F;
	[dreg:$0x1] =	wrdreg $0xFFFFFFFF  }
0xb6: {  	s28 =	simm.s32 $_size_execute0_lowered;
	s3 =	sadd.s32 s3, s5;
	[dreg:$0x0] =	wrdreg $0x0  }
0xb7: {  	s5 =	sshll.u32 s28, $0x1;
	[dreg:$0x2] =	wrdreg s3  }
0xb8: {  	[dreg:$0x3] =	wrdreg s5  }
0xb9: {  	[dreg:$0x4] =	wrdreg $0xC0  }
0xba: {  	_ =	task [dreg:s22], $0x5FFFF  }
0xbb: {  	[dreg:$0x1] =	wrdreg $0xFFFFFFFF  }
0xbc: {  	[dreg:$0x0] =	wrdreg $0x60  }
0xbd: {  	[dreg:$0x2] =	wrdreg s24  }
0xbe: {  	[dreg:$0x3] =	wrdreg $0x9  }
0xbf: {  	_ =	task.clear_ibuf [dreg:s22], $0x4FFFF;
	_ =	strace $0x9000004F  }
0xc0: {  	s29 =	simm.s32 $0x9;
	_ =	strace $0x80000051  }
0xc1: {  	_ =	swait.ge [sflag:s29], $0x1  }
0xc2: {  	[sflag:s29] =	ssyncadd.s32 $0xFFFFFFFF  }
0xc3: {  	_ =	strace $0x90000051  }
0xc4: {  	_ =	sfence  }
0xc5: {  	s30 =	sld [smem:$0x0];
	_ =	sdelay $0x2  }
0xc6: {  	s31 =	sshll.u32 s1, $0xD;
	s1 =	sshrl.u32 s1, $0x2  }
0xc7: {  	s4 =	sand.u32 $0x4000, s31;
	s1 =	sadd.s32 s1, s30  }
0xc8: {  	s0 =	sor.u32 s4, s0;
	s1 =	sshll.u32 s1, $0x11  }
0xc9: {  	s0 =	sor.u32 s1, s0  }
0xca: {  	s0 =	sadd.s32 $0x8F2B, s0  }
0xcb: {  	[sflag:s0] =	ssyncadd.remote.s32 $0x1  }
0xcc: {  	_ =	sfence.sel $0xFFFF  }
0xcd: {  	[dreg:$0x0] =	wrdreg $0xFFFFFFFF;
	(pc) =	sbr.abs _section_cstart, $3  }
0xce: {  	[dreg:$0x1] =	wrdreg $0xFFFFFFFF  }
0xcf: {  	_ =	task.clear_ibuf [dreg:s22], $0x2FFFF;
	_ =	strace $0x9FFFFFFF  }
0xd0: {  	(tm) =	ssettm $0x7FFFFFFF  }
0xd1: {  	_ =	shalt  }
tec
execute0_lowered:
.L_overlay_start_1:
0x0: {  	(tag) =	ssettag $0x1  }
0x1: {  	s0 =	rddreg [dreg:$0x0];
	s1 =	srdreg.scid  }
0x2: {  	s3 =	stileid.u32;
	s2 =	simm.s32 $0x0;
	s1 =	sand.u32 $0x1, s1  }
0x3: {  	s23 =	simm.s32 $0x100;
	s3 =	sshll.u32 s3, $0x9;
	s4 =	sshll.u32 s1, $0x8  }
0x4: {  	s18 =	simm.s32 $0x1;
	[smem:$0x7FF] =	sst s2;
	s4 =	sor.u32 s4, s3  }
0x5: {  	_ =	strace $0x80000050;
	s1 =	ssub.s32 $0x2, s1;
	s5 =	sshrl.u32 s4, $0x3  }
0x6: {  	s3 =	sadd.s32 $0x141200, s0;
	s4 =	sshll.u32 s4, $0x7;
	s5 =	sadd.s32 s5, s0  }
0x7: {  	s29 =	sshrl.u32 s1, $0x1;
	s7 =	sadd.s32 s4, s0;
	s5 =	sadd.s32 $0xE00, s5  }
0x8: {  	s1 =	ssub.s32 s1, s29;
	s30 =	sadd.s32 $0x281200, s7;
	[dreg:$0x2] =	wrdreg s5  }
0x9: {  	s4 =	sadd.s32 $0x141300, s0;
	s6 =	sadd.s32 $0x283200, s7;
	[dreg:$0x3] =	wrdreg s30  }
0xa: {  	v2 =	vlaneseq.u32;
	s8 =	sadd.s32 $0x285200, s7;
	s31 =	sadd.s32 $0x287200, s7;
	[dreg:$0x4] =	wrdreg s6  }
0xb: {  	vm0 =	vmmov $0xffff;
	v1 =	vshrl.u32 v2, $0x3;
	s7 =	smax.u32 s1, $0x1;
	s5 =	sadd.s32 $0x141400, s0;
	[dreg:$0x5] =	wrdreg s8  }
0xc: {  	v0 =	vand.u32 $0x7, v2;
	v2 =	vor.u32 $0x8, v2;
	v1 =	vmul.u32 $0x8, v1;
	s6 =	sadd.s32 $0x141500, s0;
	[dreg:$0x6] =	wrdreg s31;
	s8 =	simm.s32 $0x2  }
.LBB2_1:
0xd: {  	s19 =	rddreg [dreg:$0x2]  }
0xe: {  	[tilespmem:s2], [sflag:$0x2] =	stream.linear.gather [hbm4b:s19+s2], $0x100, $0x38;
	[tilespmem:$0x10100] =	vst v63  }
0xf: {  	_ =	swait.ge [sflag:s8], $0x100  }
0x10: {  	[sflag:s8] =	ssyncset.done $0x0  }
0x11: {  	[sflag:s8] =	ssyncadd.s32 $0xFFFFFF00  }
0x12: {  	v3 =	vld [tilespmem:$0x0];
	_ =	sdelay $0x4  }
0x13: {  	v4 =	vshll.u32 v3, $0x3  }
0x14: {  	v3 =	vand.u32 $0x7, v3;
	v4 =	vand.u32 $0xFFFFFFC0, v4  }
0x15: {  	v3 =	vor.u32 v3, v4  }
0x16: {  	v4 =	vperm.xlane v3, v0;
	_ =	sdelay $0x1  }
0x17: {  	v4 =	vadd.s32 v1, v4;
	_ =	sdelay $0x4  }
0x18: {  	[tilespmem:s23], [sflag:$0x1] =	stream.indirect_vreg.gather [hbm4b:s3+s2], $0x80, v4, vm0, $0xb8;
	[tilespmem:$0x10100] =	vst v63  }
0x19: {  	s0 =	simm.s32 $0x900;
	v3 =	vperm.xlane v3, v2  }
0x1a: {  	[tilespmem:s0], [sflag:$0x1] =	stream.indirect_vreg.gather [hbm4b:s4+s2], $0x80, v4, vm0, $0xb8;
	[tilespmem:$0x10100] =	vst v63  }
0x1b: {  	s13 =	simm.s32 $0x1100;
	v3 =	vadd.s32 v1, v3  }
0x1c: {  	[tilespmem:s13], [sflag:$0x1] =	stream.indirect_vreg.gather [hbm4b:s5+s2], $0x80, v4, vm0, $0xb8;
	[tilespmem:$0x10100] =	vst v63  }
0x1d: {  	s15 =	simm.s32 $0x1900  }
0x1e: {  	[tilespmem:s15], [sflag:$0x1] =	stream.indirect_vreg.gather [hbm4b:s6+s2], $0x80, v4, vm0, $0xb8;
	[tilespmem:$0x10100] =	vst v63  }
0x1f: {  	s16 =	simm.s32 $0x2100  }
0x20: {  	[tilespmem:s16], [sflag:$0x1] =	stream.indirect_vreg.gather [hbm4b:s3+s2], $0x80, v3, vm0, $0xb8;
	[tilespmem:$0x10100] =	vst v63  }
0x21: {  	s17 =	simm.s32 $0x2900  }
0x22: {  	[tilespmem:s17], [sflag:$0x1] =	stream.indirect_vreg.gather [hbm4b:s4+s2], $0x80, v3, vm0, $0xb8;
	[tilespmem:$0x10100] =	vst v63  }
0x23: {  	s19 =	simm.s32 $0x3100  }
0x24: {  	[tilespmem:s19], [sflag:$0x1] =	stream.indirect_vreg.gather [hbm4b:s5+s2], $0x80, v3, vm0, $0xb8;
	[tilespmem:$0x10100] =	vst v63  }
0x25: {  	s20 =	simm.s32 $0x3900  }
0x26: {  	[tilespmem:s20], [sflag:$0x1] =	stream.indirect_vreg.gather [hbm4b:s6+s2], $0x80, v3, vm0, $0xb8;
	[tilespmem:$0x10100] =	vst v63  }
0x27: {  	v3 =	vld [tilespmem:$0x10];
	_ =	sdelay $0x4  }
0x28: {  	v49 =	vshll.u32 v3, $0x3  }
0x29: {  	v3 =	vand.u32 $0x7, v3;
	v4 =	vand.u32 $0xFFFFFFC0, v49  }
0x2a: {  	v3 =	vor.u32 v3, v4  }
0x2b: {  	v4 =	vperm.xlane v3, v0;
	_ =	sdelay $0x1  }
0x2c: {  	v4 =	vadd.s32 v1, v4;
	_ =	sdelay $0x3  }
0x2d: {  	s21 =	simm.s32 $0x4100  }
0x2e: {  	[tilespmem:s21], [sflag:$0x1] =	stream.indirect_vreg.gather [hbm4b:s3+s2], $0x80, v4, vm0, $0xb8;
	[tilespmem:$0x10100] =	vst v63  }
0x2f: {  	s22 =	simm.s32 $0x4900;
	v3 =	vperm.xlane v3, v2  }
0x30: {  	[tilespmem:s22], [sflag:$0x1] =	stream.indirect_vreg.gather [hbm4b:s4+s2], $0x80, v4, vm0, $0xb8;
	[tilespmem:$0x10100] =	vst v63  }
0x31: {  	s24 =	simm.s32 $0x5100;
	v3 =	vadd.s32 v1, v3  }
0x32: {  	[tilespmem:s24], [sflag:$0x1] =	stream.indirect_vreg.gather [hbm4b:s5+s2], $0x80, v4, vm0, $0xb8;
	[tilespmem:$0x10100] =	vst v63  }
0x33: {  	s25 =	simm.s32 $0x5900  }
0x34: {  	[tilespmem:s25], [sflag:$0x1] =	stream.indirect_vreg.gather [hbm4b:s6+s2], $0x80, v4, vm0, $0xb8;
	[tilespmem:$0x10100] =	vst v63  }
0x35: {  	s26 =	simm.s32 $0x6100  }
0x36: {  	[tilespmem:s26], [sflag:$0x1] =	stream.indirect_vreg.gather [hbm4b:s3+s2], $0x80, v3, vm0, $0xb8;
	[tilespmem:$0x10100] =	vst v63  }
0x37: {  	s28 =	simm.s32 $0x6900  }
0x38: {  	[tilespmem:s28], [sflag:$0x1] =	stream.indirect_vreg.gather [hbm4b:s4+s2], $0x80, v3, vm0, $0xb8;
	[tilespmem:$0x10100] =	vst v63  }
0x39: {  	s29 =	simm.s32 $0x7100  }
0x3a: {  	[tilespmem:s29], [sflag:$0x1] =	stream.indirect_vreg.gather [hbm4b:s5+s2], $0x80, v3, vm0, $0xb8;
	[tilespmem:$0x10100] =	vst v63  }
0x3b: {  	s30 =	simm.s32 $0x7900  }
0x3c: {  	[tilespmem:s30], [sflag:$0x1] =	stream.indirect_vreg.gather [hbm4b:s6+s2], $0x80, v3, vm0, $0xb8;
	[tilespmem:$0x10100] =	vst v63  }
0x3d: {  	v3 =	vld [tilespmem:$0x20];
	_ =	sdelay $0x4  }
0x3e: {  	v50 =	vshll.u32 v3, $0x3  }
0x3f: {  	v3 =	vand.u32 $0x7, v3;
	v4 =	vand.u32 $0xFFFFFFC0, v50  }
0x40: {  	v3 =	vor.u32 v3, v4  }
0x41: {  	v4 =	vperm.xlane v3, v0;
	_ =	sdelay $0x1  }
0x42: {  	v4 =	vadd.s32 v1, v4;
	_ =	sdelay $0x3  }
0x43: {  	s16 =	simm.s32 $0x8100  }
0x44: {  	[tilespmem:s16], [sflag:$0x1] =	stream.indirect_vreg.gather [hbm4b:s3+s2], $0x80, v4, vm0, $0xb8;
	[tilespmem:$0x10100] =	vst v63  }
0x45: {  	s17 =	simm.s32 $0x8900;
	v3 =	vperm.xlane v3, v2  }
0x46: {  	[tilespmem:s17], [sflag:$0x1] =	stream.indirect_vreg.gather [hbm4b:s4+s2], $0x80, v4, vm0, $0xb8;
	[tilespmem:$0x10100] =	vst v63  }
0x47: {  	s19 =	simm.s32 $0x9100;
	v3 =	vadd.s32 v1, v3  }
0x48: {  	[tilespmem:s19], [sflag:$0x1] =	stream.indirect_vreg.gather [hbm4b:s5+s2], $0x80, v4, vm0, $0xb8;
	[tilespmem:$0x10100] =	vst v63  }
0x49: {  	s20 =	simm.s32 $0x9900  }
0x4a: {  	[tilespmem:s20], [sflag:$0x1] =	stream.indirect_vreg.gather [hbm4b:s6+s2], $0x80, v4, vm0, $0xb8;
	[tilespmem:$0x10100] =	vst v63  }
0x4b: {  	s21 =	simm.s32 $0xA100  }
0x4c: {  	[tilespmem:s21], [sflag:$0x1] =	stream.indirect_vreg.gather [hbm4b:s3+s2], $0x80, v3, vm0, $0xb8;
	[tilespmem:$0x10100] =	vst v63  }
0x4d: {  	s22 =	simm.s32 $0xA900  }
0x4e: {  	[tilespmem:s22], [sflag:$0x1] =	stream.indirect_vreg.gather [hbm4b:s4+s2], $0x80, v3, vm0, $0xb8;
	[tilespmem:$0x10100] =	vst v63  }
0x4f: {  	s24 =	simm.s32 $0xB100  }
0x50: {  	[tilespmem:s24], [sflag:$0x1] =	stream.indirect_vreg.gather [hbm4b:s5+s2], $0x80, v3, vm0, $0xb8;
	[tilespmem:$0x10100] =	vst v63  }
0x51: {  	s25 =	simm.s32 $0xB900  }
0x52: {  	[tilespmem:s25], [sflag:$0x1] =	stream.indirect_vreg.gather [hbm4b:s6+s2], $0x80, v3, vm0, $0xb8;
	[tilespmem:$0x10100] =	vst v63  }
0x53: {  	v3 =	vld [tilespmem:$0x30];
	_ =	sdelay $0x4  }
0x54: {  	v51 =	vshll.u32 v3, $0x3  }
0x55: {  	v3 =	vand.u32 $0x7, v3;
	v4 =	vand.u32 $0xFFFFFFC0, v51  }
0x56: {  	v3 =	vor.u32 v3, v4  }
0x57: {  	v4 =	vperm.xlane v3, v0;
	_ =	sdelay $0x1  }
0x58: {  	v4 =	vadd.s32 v1, v4;
	_ =	sdelay $0x3  }
0x59: {  	s26 =	simm.s32 $0xC100  }
0x5a: {  	[tilespmem:s26], [sflag:$0x1] =	stream.indirect_vreg.gather [hbm4b:s3+s2], $0x80, v4, vm0, $0xb8;
	[tilespmem:$0x10100] =	vst v63  }
0x5b: {  	s29 =	simm.s32 $0xC900;
	v3 =	vperm.xlane v3, v2  }
0x5c: {  	[tilespmem:s29], [sflag:$0x1] =	stream.indirect_vreg.gather [hbm4b:s4+s2], $0x80, v4, vm0, $0xb8;
	[tilespmem:$0x10100] =	vst v63  }
0x5d: {  	s0 =	simm.s32 $0xD100;
	v3 =	vadd.s32 v1, v3  }
0x5e: {  	[tilespmem:s0], [sflag:$0x1] =	stream.indirect_vreg.gather [hbm4b:s5+s2], $0x80, v4, vm0, $0xb8;
	[tilespmem:$0x10100] =	vst v63  }
0x5f: {  	s16 =	simm.s32 $0xD900  }
0x60: {  	[tilespmem:s16], [sflag:$0x1] =	stream.indirect_vreg.gather [hbm4b:s6+s2], $0x80, v4, vm0, $0xb8;
	[tilespmem:$0x10100] =	vst v63  }
0x61: {  	s17 =	simm.s32 $0xE100  }
0x62: {  	[tilespmem:s17], [sflag:$0x1] =	stream.indirect_vreg.gather [hbm4b:s3+s2], $0x80, v3, vm0, $0xb8;
	[tilespmem:$0x10100] =	vst v63  }
0x63: {  	s24 =	simm.s32 $0xE900  }
0x64: {  	[tilespmem:s24], [sflag:$0x1] =	stream.indirect_vreg.gather [hbm4b:s4+s2], $0x80, v3, vm0, $0xb8;
	[tilespmem:$0x10100] =	vst v63  }
0x65: {  	s25 =	simm.s32 $0xF100  }
0x66: {  	[tilespmem:s25], [sflag:$0x1] =	stream.indirect_vreg.gather [hbm4b:s5+s2], $0x80, v3, vm0, $0xb8;
	[tilespmem:$0x10100] =	vst v63  }
0x67: {  	s0 =	simm.s32 $0xF900  }
0x68: {  	[tilespmem:s0], [sflag:$0x1] =	stream.indirect_vreg.gather [hbm4b:s6+s2], $0x80, v3, vm0, $0xb8;
	[tilespmem:$0x10100] =	vst v63  }
0x69: {  	_ =	swait.ge [sflag:s18], $0x10000  }
0x6a: {  	[sflag:s18] =	ssyncset.done $0x0  }
0x6b: {  	s16 =	rddreg [dreg:$0x3];
	[sflag:s18] =	ssyncadd.s32 $0xFFFF0000  }
0x6c: {  	[hbm4b:s16+s2] =	stream.linear.scatter [tilespmem:s23], [sflag:$0x2], $0x10000, $0x38;
	[tilespmem:$0x10100] =	vst v63  }
0x6d: {  	_ =	swait.ge [sflag:s8], $0x10000  }
0x6e: {  	[sflag:s8] =	ssyncset.done $0x0  }
0x6f: {  	[sflag:s8] =	ssyncadd.s32 $0xFFFF0000  }
0x70: {  	v3 =	vld [tilespmem:$0x40];
	_ =	sdelay $0x4  }
0x71: {  	v52 =	vshll.u32 v3, $0x3  }
0x72: {  	v3 =	vand.u32 $0x7, v3;
	v4 =	vand.u32 $0xFFFFFFC0, v52  }
0x73: {  	v3 =	vor.u32 v3, v4  }
0x74: {  	v4 =	vperm.xlane v3, v0;
	_ =	sdelay $0x1  }
0x75: {  	v4 =	vadd.s32 v1, v4;
	_ =	sdelay $0x4  }
0x76: {  	[tilespmem:s23], [sflag:$0x1] =	stream.indirect_vreg.gather [hbm4b:s3+s2], $0x80, v4, vm0, $0xb8;
	[tilespmem:$0x10100] =	vst v63  }
0x77: {  	s14 =	simm.s32 $0x900;
	v3 =	vperm.xlane v3, v2  }
0x78: {  	[tilespmem:s14], [sflag:$0x1] =	stream.indirect_vreg.gather [hbm4b:s4+s2], $0x80, v4, vm0, $0xb8;
	[tilespmem:$0x10100] =	vst v63  }
0x79: {  	s1 =	simm.s32 $0x1100;
	v3 =	vadd.s32 v1, v3  }
0x7a: {  	[tilespmem:s1], [sflag:$0x1] =	stream.indirect_vreg.gather [hbm4b:s5+s2], $0x80, v4, vm0, $0xb8;
	[tilespmem:$0x10100] =	vst v63  }
0x7b: {  	s9 =	simm.s32 $0x1900  }
0x7c: {  	[tilespmem:s9], [sflag:$0x1] =	stream.indirect_vreg.gather [hbm4b:s6+s2], $0x80, v4, vm0, $0xb8;
	[tilespmem:$0x10100] =	vst v63  }
0x7d: {  	s10 =	simm.s32 $0x2100  }
0x7e: {  	[tilespmem:s10], [sflag:$0x1] =	stream.indirect_vreg.gather [hbm4b:s3+s2], $0x80, v3, vm0, $0xb8;
	[tilespmem:$0x10100] =	vst v63  }
0x7f: {  	s11 =	simm.s32 $0x2900  }
0x80: {  	[tilespmem:s11], [sflag:$0x1] =	stream.indirect_vreg.gather [hbm4b:s4+s2], $0x80, v3, vm0, $0xb8;
	[tilespmem:$0x10100] =	vst v63  }
0x81: {  	s12 =	simm.s32 $0x3100  }
0x82: {  	[tilespmem:s12], [sflag:$0x1] =	stream.indirect_vreg.gather [hbm4b:s5+s2], $0x80, v3, vm0, $0xb8;
	[tilespmem:$0x10100] =	vst v63  }
0x83: {  	s15 =	simm.s32 $0x3900  }
0x84: {  	[tilespmem:s15], [sflag:$0x1] =	stream.indirect_vreg.gather [hbm4b:s6+s2], $0x80, v3, vm0, $0xb8;
	[tilespmem:$0x10100] =	vst v63  }
0x85: {  	v3 =	vld [tilespmem:$0x50];
	_ =	sdelay $0x4  }
0x86: {  	v53 =	vshll.u32 v3, $0x3  }
0x87: {  	v3 =	vand.u32 $0x7, v3;
	v4 =	vand.u32 $0xFFFFFFC0, v53  }
0x88: {  	v3 =	vor.u32 v3, v4  }
0x89: {  	v4 =	vperm.xlane v3, v0;
	_ =	sdelay $0x1  }
0x8a: {  	v4 =	vadd.s32 v1, v4;
	_ =	sdelay $0x3  }
0x8b: {  	s16 =	simm.s32 $0x4100  }
0x8c: {  	[tilespmem:s16], [sflag:$0x1] =	stream.indirect_vreg.gather [hbm4b:s3+s2], $0x80, v4, vm0, $0xb8;
	[tilespmem:$0x10100] =	vst v63  }
0x8d: {  	s31 =	simm.s32 $0x4900;
	v3 =	vperm.xlane v3, v2  }
0x8e: {  	[tilespmem:s31], [sflag:$0x1] =	stream.indirect_vreg.gather [hbm4b:s4+s2], $0x80, v4, vm0, $0xb8;
	[tilespmem:$0x10100] =	vst v63  }
0x8f: {  	s13 =	simm.s32 $0x5100;
	v3 =	vadd.s32 v1, v3  }
0x90: {  	[tilespmem:s13], [sflag:$0x1] =	stream.indirect_vreg.gather [hbm4b:s5+s2], $0x80, v4, vm0, $0xb8;
	[tilespmem:$0x10100] =	vst v63  }
0x91: {  	s31 =	simm.s32 $0x5900  }
0x92: {  	[tilespmem:s31], [sflag:$0x1] =	stream.indirect_vreg.gather [hbm4b:s6+s2], $0x80, v4, vm0, $0xb8;
	[tilespmem:$0x10100] =	vst v63  }
0x93: {  	s0 =	simm.s32 $0x6100  }
0x94: {  	[tilespmem:s0], [sflag:$0x1] =	stream.indirect_vreg.gather [hbm4b:s3+s2], $0x80, v3, vm0, $0xb8;
	[tilespmem:$0x10100] =	vst v63  }
0x95: {  	s1 =	simm.s32 $0x6900  }
0x96: {  	[tilespmem:s1], [sflag:$0x1] =	stream.indirect_vreg.gather [hbm4b:s4+s2], $0x80, v3, vm0, $0xb8;
	[tilespmem:$0x10100] =	vst v63  }
0x97: {  	s9 =	simm.s32 $0x7100  }
0x98: {  	[tilespmem:s9], [sflag:$0x1] =	stream.indirect_vreg.gather [hbm4b:s5+s2], $0x80, v3, vm0, $0xb8;
	[tilespmem:$0x10100] =	vst v63  }
0x99: {  	s13 =	simm.s32 $0x7900  }
0x9a: {  	[tilespmem:s13], [sflag:$0x1] =	stream.indirect_vreg.gather [hbm4b:s6+s2], $0x80, v3, vm0, $0xb8;
	[tilespmem:$0x10100] =	vst v63  }
0x9b: {  	v3 =	vld [tilespmem:$0x60];
	_ =	sdelay $0x4  }
0x9c: {  	v54 =	vshll.u32 v3, $0x3  }
0x9d: {  	v3 =	vand.u32 $0x7, v3;
	v4 =	vand.u32 $0xFFFFFFC0, v54  }
0x9e: {  	v3 =	vor.u32 v3, v4  }
0x9f: {  	v4 =	vperm.xlane v3, v0;
	_ =	sdelay $0x1  }
0xa0: {  	v4 =	vadd.s32 v1, v4;
	_ =	sdelay $0x3  }
0xa1: {  	s14 =	simm.s32 $0x8100  }
0xa2: {  	[tilespmem:s14], [sflag:$0x1] =	stream.indirect_vreg.gather [hbm4b:s3+s2], $0x80, v4, vm0, $0xb8;
	[tilespmem:$0x10100] =	vst v63  }
0xa3: {  	s15 =	simm.s32 $0x8900;
	v3 =	vperm.xlane v3, v2  }
0xa4: {  	[tilespmem:s15], [sflag:$0x1] =	stream.indirect_vreg.gather [hbm4b:s4+s2], $0x80, v4, vm0, $0xb8;
	[tilespmem:$0x10100] =	vst v63  }
0xa5: {  	s10 =	simm.s32 $0x9100;
	v3 =	vadd.s32 v1, v3  }
0xa6: {  	[tilespmem:s10], [sflag:$0x1] =	stream.indirect_vreg.gather [hbm4b:s5+s2], $0x80, v4, vm0, $0xb8;
	[tilespmem:$0x10100] =	vst v63  }
0xa7: {  	s11 =	simm.s32 $0x9900  }
0xa8: {  	[tilespmem:s11], [sflag:$0x1] =	stream.indirect_vreg.gather [hbm4b:s6+s2], $0x80, v4, vm0, $0xb8;
	[tilespmem:$0x10100] =	vst v63  }
0xa9: {  	s12 =	simm.s32 $0xA100  }
0xaa: {  	[tilespmem:s12], [sflag:$0x1] =	stream.indirect_vreg.gather [hbm4b:s3+s2], $0x80, v3, vm0, $0xb8;
	[tilespmem:$0x10100] =	vst v63  }
0xab: {  	s30 =	simm.s32 $0xA900  }
0xac: {  	[tilespmem:s30], [sflag:$0x1] =	stream.indirect_vreg.gather [hbm4b:s4+s2], $0x80, v3, vm0, $0xb8;
	[tilespmem:$0x10100] =	vst v63  }
0xad: {  	s28 =	simm.s32 $0xB100  }
0xae: {  	[tilespmem:s28], [sflag:$0x1] =	stream.indirect_vreg.gather [hbm4b:s5+s2], $0x80, v3, vm0, $0xb8;
	[tilespmem:$0x10100] =	vst v63  }
0xaf: {  	s20 =	simm.s32 $0xB900  }
0xb0: {  	[tilespmem:s20], [sflag:$0x1] =	stream.indirect_vreg.gather [hbm4b:s6+s2], $0x80, v3, vm0, $0xb8;
	[tilespmem:$0x10100] =	vst v63  }
0xb1: {  	v3 =	vld [tilespmem:$0x70];
	_ =	sdelay $0x4  }
0xb2: {  	v55 =	vshll.u32 v3, $0x3  }
0xb3: {  	v3 =	vand.u32 $0x7, v3;
	v4 =	vand.u32 $0xFFFFFFC0, v55  }
0xb4: {  	v3 =	vor.u32 v3, v4  }
0xb5: {  	v4 =	vperm.xlane v3, v0;
	_ =	sdelay $0x1  }
0xb6: {  	v4 =	vadd.s32 v1, v4;
	_ =	sdelay $0x3  }
0xb7: {  	s21 =	simm.s32 $0xC100  }
0xb8: {  	[tilespmem:s21], [sflag:$0x1] =	stream.indirect_vreg.gather [hbm4b:s3+s2], $0x80, v4, vm0, $0xb8;
	[tilespmem:$0x10100] =	vst v63  }
0xb9: {  	s22 =	simm.s32 $0xC900;
	v3 =	vperm.xlane v3, v2  }
0xba: {  	[tilespmem:s22], [sflag:$0x1] =	stream.indirect_vreg.gather [hbm4b:s4+s2], $0x80, v4, vm0, $0xb8;
	[tilespmem:$0x10100] =	vst v63  }
0xbb: {  	v3 =	vadd.s32 v1, v3;
	s22 =	simm.s32 $0xD100  }
0xbc: {  	[tilespmem:s22], [sflag:$0x1] =	stream.indirect_vreg.gather [hbm4b:s5+s2], $0x80, v4, vm0, $0xb8;
	[tilespmem:$0x10100] =	vst v63  }
0xbd: {  	s26 =	simm.s32 $0xD900  }
0xbe: {  	[tilespmem:s26], [sflag:$0x1] =	stream.indirect_vreg.gather [hbm4b:s6+s2], $0x80, v4, vm0, $0xb8;
	[tilespmem:$0x10100] =	vst v63  }
0xbf: {  	s29 =	simm.s32 $0xE100  }
0xc0: {  	[tilespmem:s29], [sflag:$0x1] =	stream.indirect_vreg.gather [hbm4b:s3+s2], $0x80, v3, vm0, $0xb8;
	[tilespmem:$0x10100] =	vst v63  }
0xc1: {  	s26 =	simm.s32 $0xE900  }
0xc2: {  	[tilespmem:s26], [sflag:$0x1] =	stream.indirect_vreg.gather [hbm4b:s4+s2], $0x80, v3, vm0, $0xb8;
	[tilespmem:$0x10100] =	vst v63  }
0xc3: {  	s30 =	simm.s32 $0xF100  }
0xc4: {  	[tilespmem:s30], [sflag:$0x1] =	stream.indirect_vreg.gather [hbm4b:s5+s2], $0x80, v3, vm0, $0xb8;
	[tilespmem:$0x10100] =	vst v63  }
0xc5: {  	s17 =	simm.s32 $0xF900  }
0xc6: {  	[tilespmem:s17], [sflag:$0x1] =	stream.indirect_vreg.gather [hbm4b:s6+s2], $0x80, v3, vm0, $0xb8;
	[tilespmem:$0x10100] =	vst v63  }
0xc7: {  	_ =	swait.ge [sflag:s18], $0x10000  }
0xc8: {  	[sflag:s18] =	ssyncset.done $0x0  }
0xc9: {  	s17 =	rddreg [dreg:$0x4];
	[sflag:s18] =	ssyncadd.s32 $0xFFFF0000  }
0xca: {  	[hbm4b:s17+s2] =	stream.linear.scatter [tilespmem:s23], [sflag:$0x2], $0x10000, $0x38;
	[tilespmem:$0x10100] =	vst v63  }
0xcb: {  	_ =	swait.ge [sflag:s8], $0x10000  }
0xcc: {  	[sflag:s8] =	ssyncset.done $0x0  }
0xcd: {  	[sflag:s8] =	ssyncadd.s32 $0xFFFF0000  }
0xce: {  	v3 =	vld [tilespmem:$0x80];
	_ =	sdelay $0x4  }
0xcf: {  	v56 =	vshll.u32 v3, $0x3  }
0xd0: {  	v3 =	vand.u32 $0x7, v3;
	v4 =	vand.u32 $0xFFFFFFC0, v56  }
0xd1: {  	v3 =	vor.u32 v3, v4  }
0xd2: {  	v4 =	vperm.xlane v3, v0;
	_ =	sdelay $0x1  }
0xd3: {  	v4 =	vadd.s32 v1, v4;
	_ =	sdelay $0x4  }
0xd4: {  	[tilespmem:s23], [sflag:$0x1] =	stream.indirect_vreg.gather [hbm4b:s3+s2], $0x80, v4, vm0, $0xb8;
	[tilespmem:$0x10100] =	vst v63  }
0xd5: {  	s21 =	simm.s32 $0x900;
	v3 =	vperm.xlane v3, v2  }
0xd6: {  	[tilespmem:s21], [sflag:$0x1] =	stream.indirect_vreg.gather [hbm4b:s4+s2], $0x80, v4, vm0, $0xb8;
	[tilespmem:$0x10100] =	vst v63  }
0xd7: {  	s25 =	simm.s32 $0x1100;
	v3 =	vadd.s32 v1, v3  }
0xd8: {  	[tilespmem:s25], [sflag:$0x1] =	stream.indirect_vreg.gather [hbm4b:s5+s2], $0x80, v4, vm0, $0xb8;
	[tilespmem:$0x10100] =	vst v63  }
0xd9: {  	s19 =	simm.s32 $0x1900  }
0xda: {  	[tilespmem:s19], [sflag:$0x1] =	stream.indirect_vreg.gather [hbm4b:s6+s2], $0x80, v4, vm0, $0xb8;
	[tilespmem:$0x10100] =	vst v63  }
0xdb: {  	s25 =	simm.s32 $0x2100  }
0xdc: {  	[tilespmem:s25], [sflag:$0x1] =	stream.indirect_vreg.gather [hbm4b:s3+s2], $0x80, v3, vm0, $0xb8;
	[tilespmem:$0x10100] =	vst v63  }
0xdd: {  	s19 =	simm.s32 $0x2900  }
0xde: {  	[tilespmem:s19], [sflag:$0x1] =	stream.indirect_vreg.gather [hbm4b:s4+s2], $0x80, v3, vm0, $0xb8;
	[tilespmem:$0x10100] =	vst v63  }
0xdf: {  	s25 =	simm.s32 $0x3100  }
0xe0: {  	[tilespmem:s25], [sflag:$0x1] =	stream.indirect_vreg.gather [hbm4b:s5+s2], $0x80, v3, vm0, $0xb8;
	[tilespmem:$0x10100] =	vst v63  }
0xe1: {  	s19 =	simm.s32 $0x3900  }
0xe2: {  	[tilespmem:s19], [sflag:$0x1] =	stream.indirect_vreg.gather [hbm4b:s6+s2], $0x80, v3, vm0, $0xb8;
	[tilespmem:$0x10100] =	vst v63  }
0xe3: {  	v3 =	vld [tilespmem:$0x90];
	_ =	sdelay $0x4  }
0xe4: {  	v57 =	vshll.u32 v3, $0x3  }
0xe5: {  	v3 =	vand.u32 $0x7, v3;
	v4 =	vand.u32 $0xFFFFFFC0, v57  }
0xe6: {  	v3 =	vor.u32 v3, v4  }
0xe7: {  	v4 =	vperm.xlane v3, v0;
	_ =	sdelay $0x1  }
0xe8: {  	v4 =	vadd.s32 v1, v4;
	_ =	sdelay $0x4  }
0xe9: {  	[tilespmem:s16], [sflag:$0x1] =	stream.indirect_vreg.gather [hbm4b:s3+s2], $0x80, v4, vm0, $0xb8;
	[tilespmem:$0x10100] =	vst v63  }
0xea: {  	s25 =	simm.s32 $0x4900;
	v3 =	vperm.xlane v3, v2  }
0xeb: {  	[tilespmem:s25], [sflag:$0x1] =	stream.indirect_vreg.gather [hbm4b:s4+s2], $0x80, v4, vm0, $0xb8;
	[tilespmem:$0x10100] =	vst v63  }
0xec: {  	s19 =	simm.s32 $0x5100;
	v3 =	vadd.s32 v1, v3  }
0xed: {  	[tilespmem:s19], [sflag:$0x1] =	stream.indirect_vreg.gather [hbm4b:s5+s2], $0x80, v4, vm0, $0xb8;
	[tilespmem:$0x10100] =	vst v63  }
0xee: {  	_ = 	snop  }
0xef: {  	[tilespmem:s31], [sflag:$0x1] =	stream.indirect_vreg.gather [hbm4b:s6+s2], $0x80, v4, vm0, $0xb8;
	[tilespmem:$0x10100] =	vst v63  }
0xf0: {  	_ = 	snop  }
0xf1: {  	[tilespmem:s0], [sflag:$0x1] =	stream.indirect_vreg.gather [hbm4b:s3+s2], $0x80, v3, vm0, $0xb8;
	[tilespmem:$0x10100] =	vst v63  }
0xf2: {  	_ = 	snop  }
0xf3: {  	[tilespmem:s1], [sflag:$0x1] =	stream.indirect_vreg.gather [hbm4b:s4+s2], $0x80, v3, vm0, $0xb8;
	[tilespmem:$0x10100] =	vst v63  }
0xf4: {  	_ = 	snop  }
0xf5: {  	[tilespmem:s9], [sflag:$0x1] =	stream.indirect_vreg.gather [hbm4b:s5+s2], $0x80, v3, vm0, $0xb8;
	[tilespmem:$0x10100] =	vst v63  }
0xf6: {  	_ = 	snop  }
0xf7: {  	[tilespmem:s13], [sflag:$0x1] =	stream.indirect_vreg.gather [hbm4b:s6+s2], $0x80, v3, vm0, $0xb8;
	[tilespmem:$0x10100] =	vst v63  }
0xf8: {  	v3 =	vld [tilespmem:$0xA0];
	_ =	sdelay $0x4  }
0xf9: {  	v58 =	vshll.u32 v3, $0x3  }
0xfa: {  	v3 =	vand.u32 $0x7, v3;
	v4 =	vand.u32 $0xFFFFFFC0, v58  }
0xfb: {  	v3 =	vor.u32 v3, v4  }
0xfc: {  	v4 =	vperm.xlane v3, v0;
	_ =	sdelay $0x1  }
0xfd: {  	v4 =	vadd.s32 v1, v4;
	_ =	sdelay $0x4  }
0xfe: {  	[tilespmem:s14], [sflag:$0x1] =	stream.indirect_vreg.gather [hbm4b:s3+s2], $0x80, v4, vm0, $0xb8;
	[tilespmem:$0x10100] =	vst v63  }
0xff: {  	v3 =	vperm.xlane v3, v2  }
0x100: {  	[tilespmem:s15], [sflag:$0x1] =	stream.indirect_vreg.gather [hbm4b:s4+s2], $0x80, v4, vm0, $0xb8;
	[tilespmem:$0x10100] =	vst v63  }
0x101: {  	v3 =	vadd.s32 v1, v3  }
0x102: {  	[tilespmem:s10], [sflag:$0x1] =	stream.indirect_vreg.gather [hbm4b:s5+s2], $0x80, v4, vm0, $0xb8;
	[tilespmem:$0x10100] =	vst v63  }
0x103: {  	_ = 	snop  }
0x104: {  	[tilespmem:s11], [sflag:$0x1] =	stream.indirect_vreg.gather [hbm4b:s6+s2], $0x80, v4, vm0, $0xb8;
	[tilespmem:$0x10100] =	vst v63  }
0x105: {  	_ = 	snop  }
0x106: {  	[tilespmem:s12], [sflag:$0x1] =	stream.indirect_vreg.gather [hbm4b:s3+s2], $0x80, v3, vm0, $0xb8;
	[tilespmem:$0x10100] =	vst v63  }
0x107: {  	s24 =	simm.s32 $0xA900  }
0x108: {  	[tilespmem:s24], [sflag:$0x1] =	stream.indirect_vreg.gather [hbm4b:s4+s2], $0x80, v3, vm0, $0xb8;
	[tilespmem:$0x10100] =	vst v63  }
0x109: {  	s28 =	simm.s32 $0xB100  }
0x10a: {  	[tilespmem:s28], [sflag:$0x1] =	stream.indirect_vreg.gather [hbm4b:s5+s2], $0x80, v3, vm0, $0xb8;
	[tilespmem:$0x10100] =	vst v63  }
0x10b: {  	s24 =	simm.s32 $0xB900  }
0x10c: {  	[tilespmem:s24], [sflag:$0x1] =	stream.indirect_vreg.gather [hbm4b:s6+s2], $0x80, v3, vm0, $0xb8;
	[tilespmem:$0x10100] =	vst v63  }
0x10d: {  	v3 =	vld [tilespmem:$0xB0];
	_ =	sdelay $0x4  }
0x10e: {  	v59 =	vshll.u32 v3, $0x3  }
0x10f: {  	v3 =	vand.u32 $0x7, v3;
	v4 =	vand.u32 $0xFFFFFFC0, v59  }
0x110: {  	v3 =	vor.u32 v3, v4  }
0x111: {  	v4 =	vperm.xlane v3, v0;
	_ =	sdelay $0x1  }
0x112: {  	v4 =	vadd.s32 v1, v4;
	_ =	sdelay $0x3  }
0x113: {  	s25 =	simm.s32 $0xC100  }
0x114: {  	[tilespmem:s25], [sflag:$0x1] =	stream.indirect_vreg.gather [hbm4b:s3+s2], $0x80, v4, vm0, $0xb8;
	[tilespmem:$0x10100] =	vst v63  }
0x115: {  	s28 =	simm.s32 $0xC900;
	v3 =	vperm.xlane v3, v2  }
0x116: {  	[tilespmem:s28], [sflag:$0x1] =	stream.indirect_vreg.gather [hbm4b:s4+s2], $0x80, v4, vm0, $0xb8;
	[tilespmem:$0x10100] =	vst v63  }
0x117: {  	s20 =	simm.s32 $0xD100;
	v3 =	vadd.s32 v1, v3  }
0x118: {  	[tilespmem:s20], [sflag:$0x1] =	stream.indirect_vreg.gather [hbm4b:s5+s2], $0x80, v4, vm0, $0xb8;
	[tilespmem:$0x10100] =	vst v63  }
0x119: {  	s22 =	simm.s32 $0xD900  }
0x11a: {  	[tilespmem:s22], [sflag:$0x1] =	stream.indirect_vreg.gather [hbm4b:s6+s2], $0x80, v4, vm0, $0xb8;
	[tilespmem:$0x10100] =	vst v63  }
0x11b: {  	s29 =	simm.s32 $0xE100  }
0x11c: {  	[tilespmem:s29], [sflag:$0x1] =	stream.indirect_vreg.gather [hbm4b:s3+s2], $0x80, v3, vm0, $0xb8;
	[tilespmem:$0x10100] =	vst v63  }
0x11d: {  	s26 =	simm.s32 $0xE900  }
0x11e: {  	[tilespmem:s26], [sflag:$0x1] =	stream.indirect_vreg.gather [hbm4b:s4+s2], $0x80, v3, vm0, $0xb8;
	[tilespmem:$0x10100] =	vst v63  }
0x11f: {  	s30 =	simm.s32 $0xF100  }
0x120: {  	[tilespmem:s30], [sflag:$0x1] =	stream.indirect_vreg.gather [hbm4b:s5+s2], $0x80, v3, vm0, $0xb8;
	[tilespmem:$0x10100] =	vst v63  }
0x121: {  	s29 =	simm.s32 $0xF900  }
0x122: {  	[tilespmem:s29], [sflag:$0x1] =	stream.indirect_vreg.gather [hbm4b:s6+s2], $0x80, v3, vm0, $0xb8;
	[tilespmem:$0x10100] =	vst v63  }
0x123: {  	_ =	swait.ge [sflag:s18], $0x10000  }
0x124: {  	[sflag:s18] =	ssyncset.done $0x0  }
0x125: {  	s30 =	rddreg [dreg:$0x5];
	[sflag:s18] =	ssyncadd.s32 $0xFFFF0000  }
0x126: {  	[hbm4b:s30+s2] =	stream.linear.scatter [tilespmem:s23], [sflag:$0x2], $0x10000, $0x38;
	[tilespmem:$0x10100] =	vst v63  }
0x127: {  	_ =	swait.ge [sflag:s8], $0x10000  }
0x128: {  	[sflag:s8] =	ssyncset.done $0x0  }
0x129: {  	[sflag:s8] =	ssyncadd.s32 $0xFFFF0000  }
0x12a: {  	v3 =	vld [tilespmem:$0xC0];
	_ =	sdelay $0x4  }
0x12b: {  	v60 =	vshll.u32 v3, $0x3  }
0x12c: {  	v3 =	vand.u32 $0x7, v3;
	v4 =	vand.u32 $0xFFFFFFC0, v60  }
0x12d: {  	v3 =	vor.u32 v3, v4  }
0x12e: {  	v4 =	vperm.xlane v3, v0;
	_ =	sdelay $0x1  }
0x12f: {  	v4 =	vadd.s32 v1, v4;
	_ =	sdelay $0x4  }
0x130: {  	[tilespmem:s23], [sflag:$0x1] =	stream.indirect_vreg.gather [hbm4b:s3+s2], $0x80, v4, vm0, $0xb8;
	[tilespmem:$0x10100] =	vst v63  }
0x131: {  	s29 =	simm.s32 $0x900;
	v3 =	vperm.xlane v3, v2  }
0x132: {  	[tilespmem:s29], [sflag:$0x1] =	stream.indirect_vreg.gather [hbm4b:s4+s2], $0x80, v4, vm0, $0xb8;
	[tilespmem:$0x10100] =	vst v63  }
0x133: {  	s21 =	simm.s32 $0x1100;
	v3 =	vadd.s32 v1, v3  }
0x134: {  	[tilespmem:s21], [sflag:$0x1] =	stream.indirect_vreg.gather [hbm4b:s5+s2], $0x80, v4, vm0, $0xb8;
	[tilespmem:$0x10100] =	vst v63  }
0x135: {  	s30 =	simm.s32 $0x1900  }
0x136: {  	[tilespmem:s30], [sflag:$0x1] =	stream.indirect_vreg.gather [hbm4b:s6+s2], $0x80, v4, vm0, $0xb8;
	[tilespmem:$0x10100] =	vst v63  }
0x137: {  	s21 =	simm.s32 $0x2100  }
0x138: {  	[tilespmem:s21], [sflag:$0x1] =	stream.indirect_vreg.gather [hbm4b:s3+s2], $0x80, v3, vm0, $0xb8;
	[tilespmem:$0x10100] =	vst v63  }
0x139: {  	s29 =	simm.s32 $0x2900  }
0x13a: {  	[tilespmem:s29], [sflag:$0x1] =	stream.indirect_vreg.gather [hbm4b:s4+s2], $0x80, v3, vm0, $0xb8;
	[tilespmem:$0x10100] =	vst v63  }
0x13b: {  	s30 =	simm.s32 $0x3100  }
0x13c: {  	[tilespmem:s30], [sflag:$0x1] =	stream.indirect_vreg.gather [hbm4b:s5+s2], $0x80, v3, vm0, $0xb8;
	[tilespmem:$0x10100] =	vst v63  }
0x13d: {  	s21 =	simm.s32 $0x3900  }
0x13e: {  	[tilespmem:s21], [sflag:$0x1] =	stream.indirect_vreg.gather [hbm4b:s6+s2], $0x80, v3, vm0, $0xb8;
	[tilespmem:$0x10100] =	vst v63  }
0x13f: {  	v3 =	vld [tilespmem:$0xD0];
	_ =	sdelay $0x4  }
0x140: {  	v61 =	vshll.u32 v3, $0x3  }
0x141: {  	v3 =	vand.u32 $0x7, v3;
	v4 =	vand.u32 $0xFFFFFFC0, v61  }
0x142: {  	v3 =	vor.u32 v3, v4  }
0x143: {  	v4 =	vperm.xlane v3, v0;
	_ =	sdelay $0x1  }
0x144: {  	v4 =	vadd.s32 v1, v4;
	_ =	sdelay $0x3  }
0x145: {  	s16 =	simm.s32 $0x4100  }
0x146: {  	[tilespmem:s16], [sflag:$0x1] =	stream.indirect_vreg.gather [hbm4b:s3+s2], $0x80, v4, vm0, $0xb8;
	[tilespmem:$0x10100] =	vst v63  }
0x147: {  	s29 =	simm.s32 $0x4900;
	v3 =	vperm.xlane v3, v2  }
0x148: {  	[tilespmem:s29], [sflag:$0x1] =	stream.indirect_vreg.gather [hbm4b:s4+s2], $0x80, v4, vm0, $0xb8;
	[tilespmem:$0x10100] =	vst v63  }
0x149: {  	s30 =	simm.s32 $0x5100;
	v3 =	vadd.s32 v1, v3  }
0x14a: {  	[tilespmem:s30], [sflag:$0x1] =	stream.indirect_vreg.gather [hbm4b:s5+s2], $0x80, v4, vm0, $0xb8;
	[tilespmem:$0x10100] =	vst v63  }
0x14b: {  	s17 =	simm.s32 $0x5900  }
0x14c: {  	[tilespmem:s17], [sflag:$0x1] =	stream.indirect_vreg.gather [hbm4b:s6+s2], $0x80, v4, vm0, $0xb8;
	[tilespmem:$0x10100] =	vst v63  }
0x14d: {  	s0 =	simm.s32 $0x6100  }
0x14e: {  	[tilespmem:s0], [sflag:$0x1] =	stream.indirect_vreg.gather [hbm4b:s3+s2], $0x80, v3, vm0, $0xb8;
	[tilespmem:$0x10100] =	vst v63  }
0x14f: {  	s1 =	simm.s32 $0x6900  }
0x150: {  	[tilespmem:s1], [sflag:$0x1] =	stream.indirect_vreg.gather [hbm4b:s4+s2], $0x80, v3, vm0, $0xb8;
	[tilespmem:$0x10100] =	vst v63  }
0x151: {  	s9 =	simm.s32 $0x7100  }
0x152: {  	[tilespmem:s9], [sflag:$0x1] =	stream.indirect_vreg.gather [hbm4b:s5+s2], $0x80, v3, vm0, $0xb8;
	[tilespmem:$0x10100] =	vst v63  }
0x153: {  	s13 =	simm.s32 $0x7900  }
0x154: {  	[tilespmem:s13], [sflag:$0x1] =	stream.indirect_vreg.gather [hbm4b:s6+s2], $0x80, v3, vm0, $0xb8;
	[tilespmem:$0x10100] =	vst v63  }
0x155: {  	v3 =	vld [tilespmem:$0xE0];
	_ =	sdelay $0x4  }
0x156: {  	v62 =	vshll.u32 v3, $0x3  }
0x157: {  	v3 =	vand.u32 $0x7, v3;
	v4 =	vand.u32 $0xFFFFFFC0, v62  }
0x158: {  	v3 =	vor.u32 v3, v4  }
0x159: {  	v4 =	vperm.xlane v3, v0;
	_ =	sdelay $0x1  }
0x15a: {  	v4 =	vadd.s32 v1, v4;
	_ =	sdelay $0x3  }
0x15b: {  	s14 =	simm.s32 $0x8100  }
0x15c: {  	[tilespmem:s14], [sflag:$0x1] =	stream.indirect_vreg.gather [hbm4b:s3+s2], $0x80, v4, vm0, $0xb8;
	[tilespmem:$0x10100] =	vst v63  }
0x15d: {  	s15 =	simm.s32 $0x8900;
	v3 =	vperm.xlane v3, v2  }
0x15e: {  	[tilespmem:s15], [sflag:$0x1] =	stream.indirect_vreg.gather [hbm4b:s4+s2], $0x80, v4, vm0, $0xb8;
	[tilespmem:$0x10100] =	vst v63  }
0x15f: {  	s10 =	simm.s32 $0x9100;
	v3 =	vadd.s32 v1, v3  }
0x160: {  	[tilespmem:s10], [sflag:$0x1] =	stream.indirect_vreg.gather [hbm4b:s5+s2], $0x80, v4, vm0, $0xb8;
	[tilespmem:$0x10100] =	vst v63  }
0x161: {  	s11 =	simm.s32 $0x9900  }
0x162: {  	[tilespmem:s11], [sflag:$0x1] =	stream.indirect_vreg.gather [hbm4b:s6+s2], $0x80, v4, vm0, $0xb8;
	[tilespmem:$0x10100] =	vst v63  }
0x163: {  	s12 =	simm.s32 $0xA100  }
0x164: {  	[tilespmem:s12], [sflag:$0x1] =	stream.indirect_vreg.gather [hbm4b:s3+s2], $0x80, v3, vm0, $0xb8;
	[tilespmem:$0x10100] =	vst v63  }
0x165: {  	s31 =	simm.s32 $0xA900  }
0x166: {  	[tilespmem:s31], [sflag:$0x1] =	stream.indirect_vreg.gather [hbm4b:s4+s2], $0x80, v3, vm0, $0xb8;
	[tilespmem:$0x10100] =	vst v63  }
0x167: {  	s19 =	simm.s32 $0xB100  }
0x168: {  	[tilespmem:s19], [sflag:$0x1] =	stream.indirect_vreg.gather [hbm4b:s5+s2], $0x80, v3, vm0, $0xb8;
	[tilespmem:$0x10100] =	vst v63  }
0x169: {  	s21 =	simm.s32 $0xB900  }
0x16a: {  	[tilespmem:s21], [sflag:$0x1] =	stream.indirect_vreg.gather [hbm4b:s6+s2], $0x80, v3, vm0, $0xb8;
	[tilespmem:$0x10100] =	vst v63  }
0x16b: {  	v3 =	vld [tilespmem:$0xF0];
	_ =	sdelay $0x4  }
0x16c: {  	v63 =	vshll.u32 v3, $0x3  }
0x16d: {  	v3 =	vand.u32 $0x7, v3;
	v4 =	vand.u32 $0xFFFFFFC0, v63  }
0x16e: {  	v3 =	vor.u32 v3, v4  }
0x16f: {  	v4 =	vperm.xlane v3, v0;
	_ =	sdelay $0x1  }
0x170: {  	v4 =	vadd.s32 v1, v4;
	_ =	sdelay $0x3  }
0x171: {  	s29 =	simm.s32 $0xC100  }
0x172: {  	[tilespmem:s29], [sflag:$0x1] =	stream.indirect_vreg.gather [hbm4b:s3+s2], $0x80, v4, vm0, $0xb8;
	[tilespmem:$0x10100] =	vst v63  }
0x173: {  	s30 =	simm.s32 $0xC900;
	v3 =	vperm.xlane v3, v2  }
0x174: {  	[tilespmem:s30], [sflag:$0x1] =	stream.indirect_vreg.gather [hbm4b:s4+s2], $0x80, v4, vm0, $0xb8;
	[tilespmem:$0x10100] =	vst v63  }
0x175: {  	s28 =	simm.s32 $0xD100;
	v3 =	vadd.s32 v1, v3  }
0x176: {  	[tilespmem:s28], [sflag:$0x1] =	stream.indirect_vreg.gather [hbm4b:s5+s2], $0x80, v4, vm0, $0xb8;
	[tilespmem:$0x10100] =	vst v63  }
0x177: {  	s20 =	simm.s32 $0xD900  }
0x178: {  	[tilespmem:s20], [sflag:$0x1] =	stream.indirect_vreg.gather [hbm4b:s6+s2], $0x80, v4, vm0, $0xb8;
	[tilespmem:$0x10100] =	vst v63  }
0x179: {  	s24 =	simm.s32 $0xE100  }
0x17a: {  	[tilespmem:s24], [sflag:$0x1] =	stream.indirect_vreg.gather [hbm4b:s3+s2], $0x80, v3, vm0, $0xb8;
	[tilespmem:$0x10100] =	vst v63  }
0x17b: {  	s22 =	simm.s32 $0xE900  }
0x17c: {  	[tilespmem:s22], [sflag:$0x1] =	stream.indirect_vreg.gather [hbm4b:s4+s2], $0x80, v3, vm0, $0xb8;
	[tilespmem:$0x10100] =	vst v63  }
0x17d: {  	s25 =	simm.s32 $0xF100  }
0x17e: {  	[tilespmem:s25], [sflag:$0x1] =	stream.indirect_vreg.gather [hbm4b:s5+s2], $0x80, v3, vm0, $0xb8;
	[tilespmem:$0x10100] =	vst v63  }
0x17f: {  	s26 =	simm.s32 $0xF900  }
0x180: {  	[tilespmem:s26], [sflag:$0x1] =	stream.indirect_vreg.gather [hbm4b:s6+s2], $0x80, v3, vm0, $0xb8;
	[tilespmem:$0x10100] =	vst v63  }
0x181: {  	_ =	swait.ge [sflag:s18], $0x10000  }
0x182: {  	p0 =	sne.s32 s7, $0x1;
	[sflag:s18] =	ssyncset.done $0x0  }
.Ltmp0:
0x183: {  	s31 =	rddreg [dreg:$0x6];
	[sflag:s18] =	ssyncadd.s32 $0xFFFF0000;
	(pc) =	sbr.rel @p0 .LBB2_1-.Ltmp0, $4  }
0x184: {  	[hbm4b:s31+s2] =	stream.linear.scatter [tilespmem:s23], [sflag:$0x2], $0x10000, $0x38;
	[tilespmem:$0x10100] =	vst v63  }
0x185: {  	_ =	swait.ge [sflag:s8], $0x10000  }
0x186: {  	[sflag:s8] =	ssyncset.done $0x0  }
0x187: {  	s7 =	sadd.s32 $0xFFFFFFFF, s7;
	[sflag:s8] =	ssyncadd.s32 $0xFFFF0000  }
0x188: {  	_ =	sfence.sel $0x180000  }
0x189: {  	[bflag:$0x0] =	sbarrier.arrive $0xFFFF  }
0x18a: {  	_ =	strace $0x90000050  }
0x18b: {  	s0 =	stileid.u32;
	[bflag:$0x2] =	sbarrier.arrive $0xFFFF  }
0x18c: {  	p0 =	sne.s32 s0, $0x0;
	s0 =	rddreg [dreg:$0x1]  }
0x18d: {  	s0 =	sadd.s32 @!p0 $0x100000, s0  }
0x18e: {  	[sflag:s0] =	ssyncadd.tile.s32 @!p0 $0x1;
	_ =	shalt  }
.Lfunc_end2:
_tile_overlayer_lowered:
.L_overlay_start_2:
0x18f: {  	(tag) =	ssettag $0x2  }
0x190: {  	s0 =	rddreg [dreg:$0x0];
	s2 =	stileid.u32  }
0x191: {  	s1 =	rddreg [dreg:$0x1];
	p0 =	sne.s32 s2, $0x0  }
0x192: {  	s3 =	rddreg [dreg:$0x2];
	[bflag:$0x3] =	sbarrier.arrive $0xFFFF;
	s2 =	simm.s32 @!p0 $0x1C02  }
0x193: {  	[timem:s3], [sflag:s2] =	dma.local @!p0 [hbm:s0], s1  }
0x194: {  	s0 =	simm.s32 @!p0 $0x2  }
0x195: {  	_ =	swait.ge @!p0 [sflag:s0], s1  }
0x196: {  	s1 =	ssub.s32 @!p0 $0x0, s1;
	[sflag:s0] =	ssyncset.done @!p0 $0x0  }
0x197: {  	[sflag:s0] =	ssyncadd.s32 @!p0 s1  }
0x198: {  	[bflag:$0x3] =	sbarrier.arrive $0xFFFF  }
0x199: {  	_ =	shalt  }

// kernel: kernel.19.cloned.1.call-start
scs
__scs_entry_jumppad:
0x0: {  	(pc) =	sbr.rel $0x88, $3  }
0x1: {  	(tag) =	ssettag $0x0;
	lr =	simm.s32 $0x1  }
0x2: {  	[smem:$0x3F99] =	sst lr;
	_ =	strace $0xD0000000  }
0x3: {  	_ = 	snop  }
0x4: {  	_ = 	snop  }
0x5: {  	_ = 	snop  }
0x6: {  	_ = 	snop  }
0x7: {  	_ = 	snop  }
__scs_overlays_trampoline_lowered:
0x8: {  	[smem:$0x3FA8] =	sst s0  }
0x9: {  	[smem:$0x3FA9] =	sst s1  }
0xa: {  	[smem:$0x3FAA] =	sst s2  }
0xb: {  	[smem:$0x3FAB] =	sst s3  }
0xc: {  	[smem:$0x3FAC] =	sst s4  }
0xd: {  	[smem:$0x3FAD] =	sst s5  }
0xe: {  	[smem:$0x3FAE] =	sst s6  }
0xf: {  	[smem:$0x3FAF] =	sst s7  }
0x10: {  	[smem:$0x3FB0] =	sst s8  }
0x11: {  	[smem:$0x3FB1] =	sst s9;
	s0 =	simm.s32 @!p0 $0x0  }
0x12: {  	s1 =	sld [smem:$0x3F97];
	s0 =	simm.s32 @p0 $0x1  }
0x13: {  	[smem:$0x3FB2] =	sst s0;
	s0 =	simm.s32 @!p1 $0x0  }
0x14: {  	s2 =	sld [smem:$0x3F96];
	s0 =	simm.s32 @p1 $0x1  }
0x15: {  	[smem:$0x3FB3] =	sst s0;
	s0 =	simm.s32 @!p2 $0x0  }
0x16: {  	s3 =	sld [smem:$0x3FDB];
	s0 =	simm.s32 @p2 $0x1  }
0x17: {  	s4 =	simm.s32 $0x1BF5;
	[smem:$0x3FB5] =	sst s0  }
0x18: {  	s0 =	sld [smem:$0x3F98];
	_ =	swait.ge [sflag:s4], $0x0  }
0x19: {  	s7 =	sld [smem:$0x3F99]  }
0x1a: {  	s8 =	sadd.s32 $0xFFFFE003, lr  }
0x1b: {  	s9 =	sadd.s32 $0xFFFFFEF7, lr;
	s5 =	simm.s32 $0xFFFFFFFF;
	p2 =	slt.u32 s8, $0xFFFFF086  }
0x1c: {  	p1 =	slt.u32 s9, $0xF7A;
	s5 =	simm.s32 @!p2 $0x0  }
0x1d: {  	s5 =	simm.s32 @p1 $0x1;
	p0 =	seq.s32 s7, s2  }
0x1e: {  	s7 =	smul.u32 @!p0 $0xF7A, s2;
	p2 =	seq.s32 @!p0 s5, $0x0  }
0x1f: {  	s9 =	smul.u32 $0xF7A, s1;
	s8 =	simm.s32 @!p0 $0x1BF5;
	p2 =	por !p2, p0  }
0x20: {  	[sflag:s8] =	ssyncset.s32 @!p0 $0xFFFFF086;
	s6 =	sadd.s32 @!p0 s3, s7;
	s7 =	simm.s32 @!p0 $0x108  }
0x21: {  	s3 =	sadd.s32 s3, s9;
	s6 =	sadd.s32 @!p0 $0x88, s6;
	s7 =	simm.s32 @p2 $0x1082  }
0x22: {  	[simem:s7], [sflag:s8] =	dma.local @!p0 [hbm:s6], $0xF7A  }
0x23: {  	s9 =	sor.u32 $0xD0000000, s2;
	s6 =	simm.s32 $0x108;
	_ =	swait.ge @!p0 [sflag:s8], $0x0  }
0x24: {  	s3 =	sadd.s32 $0x88, s3;
	s6 =	simm.s32 @!p1 $0x1082;
	[sflag:s4] =	ssyncset.s32 $0xFFFFF086  }
0x25: {  	[simem:s6], [sflag:s4] =	dma.local [hbm:s3], $0xF7A  }
0x26: {  	[smem:$0x3F99] =	sst s1;
	(tag) =	ssettag s2;
	_ =	strace s9  }
0x27: {  	s1 =	sld [smem:$0x3FA9]  }
0x28: {  	s2 =	sld [smem:$0x3FAA]  }
0x29: {  	s4 =	sld [smem:$0x3FAC]  }
0x2a: {  	p0 =	seq.s32 s5, $0x0;
	s5 =	sld [smem:$0x3FAD]  }
0x2b: {  	s6 =	sld [smem:$0x3FAE]  }
0x2c: {  	s7 =	sld [smem:$0x3FAF]  }
0x2d: {  	s3 =	simm.s32 $0x108;
	s8 =	sld [smem:$0x3FB0]  }
0x2e: {  	s3 =	simm.s32 @!p0 $0x1082;
	s9 =	sld [smem:$0x3FB1]  }
0x2f: {  	lr =	sadd.s32 s0, s3;
	s0 =	sld [smem:$0x3FA8]  }
0x30: {  	s3 =	sld [smem:$0x3FAB]  }
0x31: {  	[smem:$0x3FB4] =	sst s10  }
0x32: {  	s10 =	sld [smem:$0x3FB2];
	_ =	sdelay $0x3  }
0x33: {  	p0 =	seq.s32 s10, $0x1;
	s10 =	sld [smem:$0x3FB4];
	_ =	sdelay $0x3  }
0x34: {  	[smem:$0x3FB4] =	sst s10  }
0x35: {  	s10 =	sld [smem:$0x3FB3];
	_ =	sdelay $0x3  }
0x36: {  	p1 =	seq.s32 s10, $0x1;
	s10 =	sld [smem:$0x3FB4];
	_ =	sdelay $0x3  }
0x37: {  	[smem:$0x3FB4] =	sst s10  }
0x38: {  	s10 =	sld [smem:$0x3FB5]  }
0x39: {  	_ = 	snop;
	(pc) =	sbr.ind lr, $3  }
0x3a: {  	_ = 	snop  }
0x3b: {  	_ = 	snop  }
0x3c: {  	p2 =	seq.s32 s10, $0x1;
	s10 =	sld [smem:$0x3FB4]  }
0x3d: {  	_ =	shalt  }
0x3e: {  	_ =	shalt  }
0x3f: {  	_ =	shalt  }
0x40: {  	_ =	shalt  }
0x41: {  	_ =	shalt  }
0x42: {  	_ =	shalt  }
0x43: {  	_ =	shalt  }
0x44: {  	_ =	shalt  }
0x45: {  	_ =	shalt  }
0x46: {  	_ =	shalt  }
0x47: {  	_ =	shalt  }
0x48: {  	_ =	shalt  }
0x49: {  	_ =	shalt  }
0x4a: {  	_ =	shalt  }
0x4b: {  	_ =	shalt  }
0x4c: {  	_ =	shalt  }
0x4d: {  	_ =	shalt  }
0x4e: {  	_ =	shalt  }
0x4f: {  	_ =	shalt  }
0x50: {  	_ =	shalt  }
0x51: {  	_ =	shalt  }
0x52: {  	_ =	shalt  }
0x53: {  	_ =	shalt  }
0x54: {  	_ =	shalt  }
0x55: {  	_ =	shalt  }
0x56: {  	_ =	shalt  }
0x57: {  	_ =	shalt  }
0x58: {  	_ =	shalt  }
0x59: {  	_ =	shalt  }
0x5a: {  	_ =	shalt  }
0x5b: {  	_ =	shalt  }
0x5c: {  	_ =	shalt  }
0x5d: {  	_ =	shalt  }
0x5e: {  	_ =	shalt  }
0x5f: {  	_ =	shalt  }
0x60: {  	_ =	shalt  }
0x61: {  	_ =	shalt  }
0x62: {  	_ =	shalt  }
0x63: {  	_ =	shalt  }
0x64: {  	_ =	shalt  }
0x65: {  	_ =	shalt  }
0x66: {  	_ =	shalt  }
0x67: {  	_ =	shalt  }
0x68: {  	_ =	shalt  }
0x69: {  	_ =	shalt  }
0x6a: {  	_ =	shalt  }
0x6b: {  	_ =	shalt  }
0x6c: {  	_ =	shalt  }
0x6d: {  	_ =	shalt  }
0x6e: {  	_ =	shalt  }
0x6f: {  	_ =	shalt  }
0x70: {  	_ =	shalt  }
0x71: {  	_ =	shalt  }
0x72: {  	_ =	shalt  }
0x73: {  	_ =	shalt  }
0x74: {  	_ =	shalt  }
0x75: {  	_ =	shalt  }
0x76: {  	_ =	shalt  }
0x77: {  	_ =	shalt  }
0x78: {  	_ =	shalt  }
0x79: {  	_ =	shalt  }
0x7a: {  	_ =	shalt  }
0x7b: {  	_ =	shalt  }
0x7c: {  	_ =	shalt  }
0x7d: {  	_ =	shalt  }
0x7e: {  	_ =	shalt  }
0x7f: {  	_ =	shalt  }
0x80: {  	_ =	shalt  }
0x81: {  	_ =	shalt  }
0x82: {  	_ =	shalt  }
0x83: {  	_ =	shalt  }
0x84: {  	_ =	shalt  }
0x85: {  	_ =	shalt  }
0x86: {  	_ =	shalt  }
0x87: {  	_ =	shalt  }
.Lfunc_end0:
.L_simem_size_0:
called_computation.3_lowered:
.L_overlay_start_0:
0x88: {  	s2 =	sld [smem:$0x3FD9]  }
0x89: {  	s3 =	sld [smem:$0x3FFE];
	_ =	sdelay $0x1  }
0x8a: {  	s1 =	srdreg.scid  }
0x8b: {  	s0 =	sand.u32 $0x1, s1  }
0x8c: {  	s16 =	sshll.u32 s0, $0xA;
	s2 =	sadd.s32 s3, s2  }
0x8d: {  	s2 =	sadd.s32 s2, s16  }
0x8e: {  	[smem:$0x3FC0] =	sst s2  }
0x8f: {  	_ = 	snop  }
0x90: {  	(tm) =	ssettm $0x1  }
0x91: {  	s17 =	sld [smem:$0x3FFB];
	_ =	sdelay $0x3  }
0x92: {  	_ =	strace s17  }
0x93: {  	s2 =	sld [smem:$0x3FFC];
	_ =	sdelay $0x3  }
0x94: {  	_ =	strace s2  }
0x95: {  	s2 =	sld [smem:$0x3FFD];
	_ =	sdelay $0x3  }
0x96: {  	_ =	strace s2  }
0x97: {  	_ =	strace $0x8FFFFFFF  }
0x98: {  	s18 =	sld [smem:$0x3FDB];
	_ =	sdelay $0x1  }
0x99: {  	s19 =	simm.s32 $_scs_section_size  }
0x9a: {  	s4 =	simm.s32 $_size__tile_overlayer_lowered;
	s5 =	simm.s32 $_tile_overlayer_lowered  }
0x9b: {  	s22 =	simm.s32 $0x1BFF;
	s21 =	sshll.u32 s5, $0x1;
	s2 =	sadd.s32 s19, s18  }
0x9c: {  	s6 =	simm.s32 $0x0;
	s20 =	sshll.u32 s4, $0x1;
	s4 =	sadd.s32 s21, s2  }
0x9d: {  	[timem:s6], [sflag:s22] =	dma.local [hbm:s4], s20  }
0x9e: {  	_ =	swait.ge [sflag:s22], s20  }
0x9f: {  	s3 =	ssub.s32 $0x0, s20;
	[sflag:s22] =	ssyncset.done $0x0  }
0xa0: {  	[sflag:s22] =	ssyncadd.s32 s3;
	_ =	sdelay $0x1  }
0xa1: {  	s23 =	simm.s32 $0x1B8B  }
0xa2: {  	_ =	swait.ge [sflag:s23], $0x1  }
0xa3: {  	[sflag:s23] =	ssyncset.done $0x0  }
0xa4: {  	s25 =	simm.s32 $0x1B8E;
	s24 =	sld [smem:$0x3FFE];
	[sflag:s23] =	ssyncadd.s32 $0xFFFFFFFF  }
0xa5: {  	s26 =	simm.s32 $execute0_lowered;
	[smem:$0x3FD2] =	sst s25  }
0xa6: {  	s4 =	sshll.u32 s26, $0x1;
	_ =	strace $0x8000004C;
	[dreg:$0x1] =	wrdreg $0xFFFFFFFF  }
0xa7: {  	s28 =	simm.s32 $_size_execute0_lowered;
	s2 =	sadd.s32 s2, s4;
	[dreg:$0x0] =	wrdreg $0x0  }
0xa8: {  	s4 =	sshll.u32 s28, $0x1;
	[dreg:$0x2] =	wrdreg s2  }
0xa9: {  	[dreg:$0x3] =	wrdreg s4  }
0xaa: {  	[dreg:$0x4] =	wrdreg $0xC0  }
0xab: {  	_ =	task [dreg:s6], $0x5FFFF  }
0xac: {  	[dreg:$0x1] =	wrdreg $0xFFFFFFFF  }
0xad: {  	[dreg:$0x0] =	wrdreg $0x60  }
0xae: {  	[dreg:$0x2] =	wrdreg s24  }
0xaf: {  	[dreg:$0x3] =	wrdreg $0xA  }
0xb0: {  	_ =	task.clear_ibuf [dreg:s6], $0x4FFFF;
	_ =	strace $0x9000004C  }
0xb1: {  	s29 =	simm.s32 $0xA;
	_ =	strace $0x8000004E  }
0xb2: {  	_ =	swait.ge [sflag:s29], $0x1  }
0xb3: {  	[sflag:s29] =	ssyncadd.s32 $0xFFFFFFFF  }
0xb4: {  	_ =	strace $0x9000004E  }
0xb5: {  	_ =	sfence  }
0xb6: {  	s30 =	sld [smem:$0x0];
	_ =	sdelay $0x2  }
0xb7: {  	s31 =	sshll.u32 s1, $0xD;
	s1 =	sshrl.u32 s1, $0x2  }
0xb8: {  	s3 =	sand.u32 $0x4000, s31;
	s1 =	sadd.s32 s1, s30  }
0xb9: {  	s0 =	sor.u32 s3, s0;
	s1 =	sshll.u32 s1, $0x11  }
0xba: {  	s0 =	sor.u32 s1, s0  }
0xbb: {  	s0 =	sadd.s32 $0x8F2B, s0  }
0xbc: {  	[sflag:s0] =	ssyncadd.remote.s32 $0x1  }
0xbd: {  	_ =	sfence.sel $0xFFFF  }
0xbe: {  	[dreg:$0x0] =	wrdreg $0xFFFFFFFF;
	(pc) =	sbr.abs _section_cstart, $3  }
0xbf: {  	[dreg:$0x1] =	wrdreg $0xFFFFFFFF  }
0xc0: {  	_ =	task.clear_ibuf [dreg:s6], $0x2FFFF;
	_ =	strace $0x9FFFFFFF  }
0xc1: {  	(tm) =	ssettm $0x7FFFFFFF  }
tec
execute0_lowered:
.L_overlay_start_1:
0x0: {  	(tag) =	ssettag $0x1  }
0x1: {  	s0 =	rddreg [dreg:$0x0];
	s1 =	srdreg.scid  }
0x2: {  	s3 =	stileid.u32;
	s2 =	simm.s32 $0x0;
	s1 =	sand.u32 $0x1, s1  }
0x3: {  	s23 =	simm.s32 $0x100;
	s3 =	sshll.u32 s3, $0x9;
	s4 =	sshll.u32 s1, $0x8  }
0x4: {  	s18 =	simm.s32 $0x1;
	[smem:$0x7FF] =	sst s2;
	s4 =	sor.u32 s4, s3  }
0x5: {  	_ =	strace $0x8000004D;
	s1 =	ssub.s32 $0x2, s1;
	s5 =	sshrl.u32 s4, $0x3  }
0x6: {  	s3 =	sadd.s32 $0x141200, s0;
	s4 =	sshll.u32 s4, $0x7;
	s5 =	sadd.s32 s5, s0  }
0x7: {  	s29 =	sshrl.u32 s1, $0x1;
	s7 =	sadd.s32 s4, s0;
	s5 =	sadd.s32 $0xA00, s5  }
0x8: {  	s1 =	ssub.s32 s1, s29;
	s30 =	sadd.s32 $0x1200, s7;
	[dreg:$0x2] =	wrdreg s5  }
0x9: {  	s4 =	sadd.s32 $0x141300, s0;
	s6 =	sadd.s32 $0x3200, s7;
	[dreg:$0x3] =	wrdreg s30  }
0xa: {  	v2 =	vlaneseq.u32;
	s8 =	sadd.s32 $0x5200, s7;
	s31 =	sadd.s32 $0x7200, s7;
	[dreg:$0x4] =	wrdreg s6  }
0xb: {  	vm0 =	vmmov $0xffff;
	v1 =	vshrl.u32 v2, $0x3;
	s7 =	smax.u32 s1, $0x1;
	s5 =	sadd.s32 $0x141400, s0;
	[dreg:$0x5] =	wrdreg s8  }
0xc: {  	v0 =	vand.u32 $0x7, v2;
	v2 =	vor.u32 $0x8, v2;
	v1 =	vmul.u32 $0x8, v1;
	s6 =	sadd.s32 $0x141500, s0;
	[dreg:$0x6] =	wrdreg s31;
	s8 =	simm.s32 $0x2  }
.LBB2_1:
0xd: {  	s19 =	rddreg [dreg:$0x2]  }
0xe: {  	[tilespmem:s2], [sflag:$0x2] =	stream.linear.gather [hbm4b:s19+s2], $0x100, $0x38;
	[tilespmem:$0x10100] =	vst v63  }
0xf: {  	_ =	swait.ge [sflag:s8], $0x100  }
0x10: {  	[sflag:s8] =	ssyncset.done $0x0  }
0x11: {  	[sflag:s8] =	ssyncadd.s32 $0xFFFFFF00  }
0x12: {  	v3 =	vld [tilespmem:$0x0];
	_ =	sdelay $0x4  }
0x13: {  	v4 =	vshll.u32 v3, $0x3  }
0x14: {  	v3 =	vand.u32 $0x7, v3;
	v4 =	vand.u32 $0xFFFFFFC0, v4  }
0x15: {  	v3 =	vor.u32 v3, v4  }
0x16: {  	v4 =	vperm.xlane v3, v0;
	_ =	sdelay $0x1  }
0x17: {  	v4 =	vadd.s32 v1, v4;
	_ =	sdelay $0x4  }
0x18: {  	[tilespmem:s23], [sflag:$0x1] =	stream.indirect_vreg.gather [hbm4b:s3+s2], $0x80, v4, vm0, $0xb8;
	[tilespmem:$0x10100] =	vst v63  }
0x19: {  	s0 =	simm.s32 $0x900;
	v3 =	vperm.xlane v3, v2  }
0x1a: {  	[tilespmem:s0], [sflag:$0x1] =	stream.indirect_vreg.gather [hbm4b:s4+s2], $0x80, v4, vm0, $0xb8;
	[tilespmem:$0x10100] =	vst v63  }
0x1b: {  	s13 =	simm.s32 $0x1100;
	v3 =	vadd.s32 v1, v3  }
0x1c: {  	[tilespmem:s13], [sflag:$0x1] =	stream.indirect_vreg.gather [hbm4b:s5+s2], $0x80, v4, vm0, $0xb8;
	[tilespmem:$0x10100] =	vst v63  }
0x1d: {  	s15 =	simm.s32 $0x1900  }
0x1e: {  	[tilespmem:s15], [sflag:$0x1] =	stream.indirect_vreg.gather [hbm4b:s6+s2], $0x80, v4, vm0, $0xb8;
	[tilespmem:$0x10100] =	vst v63  }
0x1f: {  	s16 =	simm.s32 $0x2100  }
0x20: {  	[tilespmem:s16], [sflag:$0x1] =	stream.indirect_vreg.gather [hbm4b:s3+s2], $0x80, v3, vm0, $0xb8;
	[tilespmem:$0x10100] =	vst v63  }
0x21: {  	s17 =	simm.s32 $0x2900  }
0x22: {  	[tilespmem:s17], [sflag:$0x1] =	stream.indirect_vreg.gather [hbm4b:s4+s2], $0x80, v3, vm0, $0xb8;
	[tilespmem:$0x10100] =	vst v63  }
0x23: {  	s19 =	simm.s32 $0x3100  }
0x24: {  	[tilespmem:s19], [sflag:$0x1] =	stream.indirect_vreg.gather [hbm4b:s5+s2], $0x80, v3, vm0, $0xb8;
	[tilespmem:$0x10100] =	vst v63  }
0x25: {  	s20 =	simm.s32 $0x3900  }
0x26: {  	[tilespmem:s20], [sflag:$0x1] =	stream.indirect_vreg.gather [hbm4b:s6+s2], $0x80, v3, vm0, $0xb8;
	[tilespmem:$0x10100] =	vst v63  }
0x27: {  	v3 =	vld [tilespmem:$0x10];
	_ =	sdelay $0x4  }
0x28: {  	v49 =	vshll.u32 v3, $0x3  }
0x29: {  	v3 =	vand.u32 $0x7, v3;
	v4 =	vand.u32 $0xFFFFFFC0, v49  }
0x2a: {  	v3 =	vor.u32 v3, v4  }
0x2b: {  	v4 =	vperm.xlane v3, v0;
	_ =	sdelay $0x1  }
0x2c: {  	v4 =	vadd.s32 v1, v4;
	_ =	sdelay $0x3  }
0x2d: {  	s21 =	simm.s32 $0x4100  }
0x2e: {  	[tilespmem:s21], [sflag:$0x1] =	stream.indirect_vreg.gather [hbm4b:s3+s2], $0x80, v4, vm0, $0xb8;
	[tilespmem:$0x10100] =	vst v63  }
0x2f: {  	s22 =	simm.s32 $0x4900;
	v3 =	vperm.xlane v3, v2  }
0x30: {  	[tilespmem:s22], [sflag:$0x1] =	stream.indirect_vreg.gather [hbm4b:s4+s2], $0x80, v4, vm0, $0xb8;
	[tilespmem:$0x10100] =	vst v63  }
0x31: {  	s24 =	simm.s32 $0x5100;
	v3 =	vadd.s32 v1, v3  }
0x32: {  	[tilespmem:s24], [sflag:$0x1] =	stream.indirect_vreg.gather [hbm4b:s5+s2], $0x80, v4, vm0, $0xb8;
	[tilespmem:$0x10100] =	vst v63  }
0x33: {  	s25 =	simm.s32 $0x5900  }
0x34: {  	[tilespmem:s25], [sflag:$0x1] =	stream.indirect_vreg.gather [hbm4b:s6+s2], $0x80, v4, vm0, $0xb8;
	[tilespmem:$0x10100] =	vst v63  }
0x35: {  	s26 =	simm.s32 $0x6100  }
0x36: {  	[tilespmem:s26], [sflag:$0x1] =	stream.indirect_vreg.gather [hbm4b:s3+s2], $0x80, v3, vm0, $0xb8;
	[tilespmem:$0x10100] =	vst v63  }
0x37: {  	s28 =	simm.s32 $0x6900  }
0x38: {  	[tilespmem:s28], [sflag:$0x1] =	stream.indirect_vreg.gather [hbm4b:s4+s2], $0x80, v3, vm0, $0xb8;
	[tilespmem:$0x10100] =	vst v63  }
0x39: {  	s29 =	simm.s32 $0x7100  }
0x3a: {  	[tilespmem:s29], [sflag:$0x1] =	stream.indirect_vreg.gather [hbm4b:s5+s2], $0x80, v3, vm0, $0xb8;
	[tilespmem:$0x10100] =	vst v63  }
0x3b: {  	s30 =	simm.s32 $0x7900  }
0x3c: {  	[tilespmem:s30], [sflag:$0x1] =	stream.indirect_vreg.gather [hbm4b:s6+s2], $0x80, v3, vm0, $0xb8;
	[tilespmem:$0x10100] =	vst v63  }
0x3d: {  	v3 =	vld [tilespmem:$0x20];
	_ =	sdelay $0x4  }
0x3e: {  	v50 =	vshll.u32 v3, $0x3  }
0x3f: {  	v3 =	vand.u32 $0x7, v3;
	v4 =	vand.u32 $0xFFFFFFC0, v50  }
0x40: {  	v3 =	vor.u32 v3, v4  }
0x41: {  	v4 =	vperm.xlane v3, v0;
	_ =	sdelay $0x1  }
0x42: {  	v4 =	vadd.s32 v1, v4;
	_ =	sdelay $0x3  }
0x43: {  	s16 =	simm.s32 $0x8100  }
0x44: {  	[tilespmem:s16], [sflag:$0x1] =	stream.indirect_vreg.gather [hbm4b:s3+s2], $0x80, v4, vm0, $0xb8;
	[tilespmem:$0x10100] =	vst v63  }
0x45: {  	s17 =	simm.s32 $0x8900;
	v3 =	vperm.xlane v3, v2  }
0x46: {  	[tilespmem:s17], [sflag:$0x1] =	stream.indirect_vreg.gather [hbm4b:s4+s2], $0x80, v4, vm0, $0xb8;
	[tilespmem:$0x10100] =	vst v63  }
0x47: {  	s19 =	simm.s32 $0x9100;
	v3 =	vadd.s32 v1, v3  }
0x48: {  	[tilespmem:s19], [sflag:$0x1] =	stream.indirect_vreg.gather [hbm4b:s5+s2], $0x80, v4, vm0, $0xb8;
	[tilespmem:$0x10100] =	vst v63  }
0x49: {  	s20 =	simm.s32 $0x9900  }
0x4a: {  	[tilespmem:s20], [sflag:$0x1] =	stream.indirect_vreg.gather [hbm4b:s6+s2], $0x80, v4, vm0, $0xb8;
	[tilespmem:$0x10100] =	vst v63  }
0x4b: {  	s21 =	simm.s32 $0xA100  }
0x4c: {  	[tilespmem:s21], [sflag:$0x1] =	stream.indirect_vreg.gather [hbm4b:s3+s2], $0x80, v3, vm0, $0xb8;
	[tilespmem:$0x10100] =	vst v63  }
0x4d: {  	s22 =	simm.s32 $0xA900  }
0x4e: {  	[tilespmem:s22], [sflag:$0x1] =	stream.indirect_vreg.gather [hbm4b:s4+s2], $0x80, v3, vm0, $0xb8;
	[tilespmem:$0x10100] =	vst v63  }
0x4f: {  	s24 =	simm.s32 $0xB100  }
0x50: {  	[tilespmem:s24], [sflag:$0x1] =	stream.indirect_vreg.gather [hbm4b:s5+s2], $0x80, v3, vm0, $0xb8;
	[tilespmem:$0x10100] =	vst v63  }
0x51: {  	s25 =	simm.s32 $0xB900  }
0x52: {  	[tilespmem:s25], [sflag:$0x1] =	stream.indirect_vreg.gather [hbm4b:s6+s2], $0x80, v3, vm0, $0xb8;
	[tilespmem:$0x10100] =	vst v63  }
0x53: {  	v3 =	vld [tilespmem:$0x30];
	_ =	sdelay $0x4  }
0x54: {  	v51 =	vshll.u32 v3, $0x3  }
0x55: {  	v3 =	vand.u32 $0x7, v3;
	v4 =	vand.u32 $0xFFFFFFC0, v51  }
0x56: {  	v3 =	vor.u32 v3, v4  }
0x57: {  	v4 =	vperm.xlane v3, v0;
	_ =	sdelay $0x1  }
0x58: {  	v4 =	vadd.s32 v1, v4;
	_ =	sdelay $0x3  }
0x59: {  	s26 =	simm.s32 $0xC100  }
0x5a: {  	[tilespmem:s26], [sflag:$0x1] =	stream.indirect_vreg.gather [hbm4b:s3+s2], $0x80, v4, vm0, $0xb8;
	[tilespmem:$0x10100] =	vst v63  }
0x5b: {  	s29 =	simm.s32 $0xC900;
	v3 =	vperm.xlane v3, v2  }
0x5c: {  	[tilespmem:s29], [sflag:$0x1] =	stream.indirect_vreg.gather [hbm4b:s4+s2], $0x80, v4, vm0, $0xb8;
	[tilespmem:$0x10100] =	vst v63  }
0x5d: {  	s0 =	simm.s32 $0xD100;
	v3 =	vadd.s32 v1, v3  }
0x5e: {  	[tilespmem:s0], [sflag:$0x1] =	stream.indirect_vreg.gather [hbm4b:s5+s2], $0x80, v4, vm0, $0xb8;
	[tilespmem:$0x10100] =	vst v63  }
0x5f: {  	s16 =	simm.s32 $0xD900  }
0x60: {  	[tilespmem:s16], [sflag:$0x1] =	stream.indirect_vreg.gather [hbm4b:s6+s2], $0x80, v4, vm0, $0xb8;
	[tilespmem:$0x10100] =	vst v63  }
0x61: {  	s17 =	simm.s32 $0xE100  }
0x62: {  	[tilespmem:s17], [sflag:$0x1] =	stream.indirect_vreg.gather [hbm4b:s3+s2], $0x80, v3, vm0, $0xb8;
	[tilespmem:$0x10100] =	vst v63  }
0x63: {  	s24 =	simm.s32 $0xE900  }
0x64: {  	[tilespmem:s24], [sflag:$0x1] =	stream.indirect_vreg.gather [hbm4b:s4+s2], $0x80, v3, vm0, $0xb8;
	[tilespmem:$0x10100] =	vst v63  }
0x65: {  	s25 =	simm.s32 $0xF100  }
0x66: {  	[tilespmem:s25], [sflag:$0x1] =	stream.indirect_vreg.gather [hbm4b:s5+s2], $0x80, v3, vm0, $0xb8;
	[tilespmem:$0x10100] =	vst v63  }
0x67: {  	s0 =	simm.s32 $0xF900  }
0x68: {  	[tilespmem:s0], [sflag:$0x1] =	stream.indirect_vreg.gather [hbm4b:s6+s2], $0x80, v3, vm0, $0xb8;
	[tilespmem:$0x10100] =	vst v63  }
0x69: {  	_ =	swait.ge [sflag:s18], $0x10000  }
0x6a: {  	[sflag:s18] =	ssyncset.done $0x0  }
0x6b: {  	s16 =	rddreg [dreg:$0x3];
	[sflag:s18] =	ssyncadd.s32 $0xFFFF0000  }
0x6c: {  	[hbm4b:s16+s2] =	stream.linear.scatter [tilespmem:s23], [sflag:$0x2], $0x10000, $0x38;
	[tilespmem:$0x10100] =	vst v63  }
0x6d: {  	_ =	swait.ge [sflag:s8], $0x10000  }
0x6e: {  	[sflag:s8] =	ssyncset.done $0x0  }
0x6f: {  	[sflag:s8] =	ssyncadd.s32 $0xFFFF0000  }
0x70: {  	v3 =	vld [tilespmem:$0x40];
	_ =	sdelay $0x4  }
0x71: {  	v52 =	vshll.u32 v3, $0x3  }
0x72: {  	v3 =	vand.u32 $0x7, v3;
	v4 =	vand.u32 $0xFFFFFFC0, v52  }
0x73: {  	v3 =	vor.u32 v3, v4  }
0x74: {  	v4 =	vperm.xlane v3, v0;
	_ =	sdelay $0x1  }
0x75: {  	v4 =	vadd.s32 v1, v4;
	_ =	sdelay $0x4  }
0x76: {  	[tilespmem:s23], [sflag:$0x1] =	stream.indirect_vreg.gather [hbm4b:s3+s2], $0x80, v4, vm0, $0xb8;
	[tilespmem:$0x10100] =	vst v63  }
0x77: {  	s14 =	simm.s32 $0x900;
	v3 =	vperm.xlane v3, v2  }
0x78: {  	[tilespmem:s14], [sflag:$0x1] =	stream.indirect_vreg.gather [hbm4b:s4+s2], $0x80, v4, vm0, $0xb8;
	[tilespmem:$0x10100] =	vst v63  }
0x79: {  	s1 =	simm.s32 $0x1100;
	v3 =	vadd.s32 v1, v3  }
0x7a: {  	[tilespmem:s1], [sflag:$0x1] =	stream.indirect_vreg.gather [hbm4b:s5+s2], $0x80, v4, vm0, $0xb8;
	[tilespmem:$0x10100] =	vst v63  }
0x7b: {  	s9 =	simm.s32 $0x1900  }
0x7c: {  	[tilespmem:s9], [sflag:$0x1] =	stream.indirect_vreg.gather [hbm4b:s6+s2], $0x80, v4, vm0, $0xb8;
	[tilespmem:$0x10100] =	vst v63  }
0x7d: {  	s10 =	simm.s32 $0x2100  }
0x7e: {  	[tilespmem:s10], [sflag:$0x1] =	stream.indirect_vreg.gather [hbm4b:s3+s2], $0x80, v3, vm0, $0xb8;
	[tilespmem:$0x10100] =	vst v63  }
0x7f: {  	s11 =	simm.s32 $0x2900  }
0x80: {  	[tilespmem:s11], [sflag:$0x1] =	stream.indirect_vreg.gather [hbm4b:s4+s2], $0x80, v3, vm0, $0xb8;
	[tilespmem:$0x10100] =	vst v63  }
0x81: {  	s12 =	simm.s32 $0x3100  }
0x82: {  	[tilespmem:s12], [sflag:$0x1] =	stream.indirect_vreg.gather [hbm4b:s5+s2], $0x80, v3, vm0, $0xb8;
	[tilespmem:$0x10100] =	vst v63  }
0x83: {  	s15 =	simm.s32 $0x3900  }
0x84: {  	[tilespmem:s15], [sflag:$0x1] =	stream.indirect_vreg.gather [hbm4b:s6+s2], $0x80, v3, vm0, $0xb8;
	[tilespmem:$0x10100] =	vst v63  }
0x85: {  	v3 =	vld [tilespmem:$0x50];
	_ =	sdelay $0x4  }
0x86: {  	v53 =	vshll.u32 v3, $0x3  }
0x87: {  	v3 =	vand.u32 $0x7, v3;
	v4 =	vand.u32 $0xFFFFFFC0, v53  }
0x88: {  	v3 =	vor.u32 v3, v4  }
0x89: {  	v4 =	vperm.xlane v3, v0;
	_ =	sdelay $0x1  }
0x8a: {  	v4 =	vadd.s32 v1, v4;
	_ =	sdelay $0x3  }
0x8b: {  	s16 =	simm.s32 $0x4100  }
0x8c: {  	[tilespmem:s16], [sflag:$0x1] =	stream.indirect_vreg.gather [hbm4b:s3+s2], $0x80, v4, vm0, $0xb8;
	[tilespmem:$0x10100] =	vst v63  }
0x8d: {  	s31 =	simm.s32 $0x4900;
	v3 =	vperm.xlane v3, v2  }
0x8e: {  	[tilespmem:s31], [sflag:$0x1] =	stream.indirect_vreg.gather [hbm4b:s4+s2], $0x80, v4, vm0, $0xb8;
	[tilespmem:$0x10100] =	vst v63  }
0x8f: {  	s13 =	simm.s32 $0x5100;
	v3 =	vadd.s32 v1, v3  }
0x90: {  	[tilespmem:s13], [sflag:$0x1] =	stream.indirect_vreg.gather [hbm4b:s5+s2], $0x80, v4, vm0, $0xb8;
	[tilespmem:$0x10100] =	vst v63  }
0x91: {  	s31 =	simm.s32 $0x5900  }
0x92: {  	[tilespmem:s31], [sflag:$0x1] =	stream.indirect_vreg.gather [hbm4b:s6+s2], $0x80, v4, vm0, $0xb8;
	[tilespmem:$0x10100] =	vst v63  }
0x93: {  	s0 =	simm.s32 $0x6100  }
0x94: {  	[tilespmem:s0], [sflag:$0x1] =	stream.indirect_vreg.gather [hbm4b:s3+s2], $0x80, v3, vm0, $0xb8;
	[tilespmem:$0x10100] =	vst v63  }
0x95: {  	s1 =	simm.s32 $0x6900  }
0x96: {  	[tilespmem:s1], [sflag:$0x1] =	stream.indirect_vreg.gather [hbm4b:s4+s2], $0x80, v3, vm0, $0xb8;
	[tilespmem:$0x10100] =	vst v63  }
0x97: {  	s9 =	simm.s32 $0x7100  }
0x98: {  	[tilespmem:s9], [sflag:$0x1] =	stream.indirect_vreg.gather [hbm4b:s5+s2], $0x80, v3, vm0, $0xb8;
	[tilespmem:$0x10100] =	vst v63  }
0x99: {  	s13 =	simm.s32 $0x7900  }
0x9a: {  	[tilespmem:s13], [sflag:$0x1] =	stream.indirect_vreg.gather [hbm4b:s6+s2], $0x80, v3, vm0, $0xb8;
	[tilespmem:$0x10100] =	vst v63  }
0x9b: {  	v3 =	vld [tilespmem:$0x60];
	_ =	sdelay $0x4  }
0x9c: {  	v54 =	vshll.u32 v3, $0x3  }
0x9d: {  	v3 =	vand.u32 $0x7, v3;
	v4 =	vand.u32 $0xFFFFFFC0, v54  }
0x9e: {  	v3 =	vor.u32 v3, v4  }
0x9f: {  	v4 =	vperm.xlane v3, v0;
	_ =	sdelay $0x1  }
0xa0: {  	v4 =	vadd.s32 v1, v4;
	_ =	sdelay $0x3  }
0xa1: {  	s14 =	simm.s32 $0x8100  }
0xa2: {  	[tilespmem:s14], [sflag:$0x1] =	stream.indirect_vreg.gather [hbm4b:s3+s2], $0x80, v4, vm0, $0xb8;
	[tilespmem:$0x10100] =	vst v63  }
0xa3: {  	s15 =	simm.s32 $0x8900;
	v3 =	vperm.xlane v3, v2  }
0xa4: {  	[tilespmem:s15], [sflag:$0x1] =	stream.indirect_vreg.gather [hbm4b:s4+s2], $0x80, v4, vm0, $0xb8;
	[tilespmem:$0x10100] =	vst v63  }
0xa5: {  	s10 =	simm.s32 $0x9100;
	v3 =	vadd.s32 v1, v3  }
0xa6: {  	[tilespmem:s10], [sflag:$0x1] =	stream.indirect_vreg.gather [hbm4b:s5+s2], $0x80, v4, vm0, $0xb8;
	[tilespmem:$0x10100] =	vst v63  }
0xa7: {  	s11 =	simm.s32 $0x9900  }
0xa8: {  	[tilespmem:s11], [sflag:$0x1] =	stream.indirect_vreg.gather [hbm4b:s6+s2], $0x80, v4, vm0, $0xb8;
	[tilespmem:$0x10100] =	vst v63  }
0xa9: {  	s12 =	simm.s32 $0xA100  }
0xaa: {  	[tilespmem:s12], [sflag:$0x1] =	stream.indirect_vreg.gather [hbm4b:s3+s2], $0x80, v3, vm0, $0xb8;
	[tilespmem:$0x10100] =	vst v63  }
0xab: {  	s30 =	simm.s32 $0xA900  }
0xac: {  	[tilespmem:s30], [sflag:$0x1] =	stream.indirect_vreg.gather [hbm4b:s4+s2], $0x80, v3, vm0, $0xb8;
	[tilespmem:$0x10100] =	vst v63  }
0xad: {  	s28 =	simm.s32 $0xB100  }
0xae: {  	[tilespmem:s28], [sflag:$0x1] =	stream.indirect_vreg.gather [hbm4b:s5+s2], $0x80, v3, vm0, $0xb8;
	[tilespmem:$0x10100] =	vst v63  }
0xaf: {  	s20 =	simm.s32 $0xB900  }
0xb0: {  	[tilespmem:s20], [sflag:$0x1] =	stream.indirect_vreg.gather [hbm4b:s6+s2], $0x80, v3, vm0, $0xb8;
	[tilespmem:$0x10100] =	vst v63  }
0xb1: {  	v3 =	vld [tilespmem:$0x70];
	_ =	sdelay $0x4  }
0xb2: {  	v55 =	vshll.u32 v3, $0x3  }
0xb3: {  	v3 =	vand.u32 $0x7, v3;
	v4 =	vand.u32 $0xFFFFFFC0, v55  }
0xb4: {  	v3 =	vor.u32 v3, v4  }
0xb5: {  	v4 =	vperm.xlane v3, v0;
	_ =	sdelay $0x1  }
0xb6: {  	v4 =	vadd.s32 v1, v4;
	_ =	sdelay $0x3  }
0xb7: {  	s21 =	simm.s32 $0xC100  }
0xb8: {  	[tilespmem:s21], [sflag:$0x1] =	stream.indirect_vreg.gather [hbm4b:s3+s2], $0x80, v4, vm0, $0xb8;
	[tilespmem:$0x10100] =	vst v63  }
0xb9: {  	s22 =	simm.s32 $0xC900;
	v3 =	vperm.xlane v3, v2  }
0xba: {  	[tilespmem:s22], [sflag:$0x1] =	stream.indirect_vreg.gather [hbm4b:s4+s2], $0x80, v4, vm0, $0xb8;
	[tilespmem:$0x10100] =	vst v63  }
0xbb: {  	v3 =	vadd.s32 v1, v3;
	s22 =	simm.s32 $0xD100  }
0xbc: {  	[tilespmem:s22], [sflag:$0x1] =	stream.indirect_vreg.gather [hbm4b:s5+s2], $0x80, v4, vm0, $0xb8;
	[tilespmem:$0x10100] =	vst v63  }
0xbd: {  	s26 =	simm.s32 $0xD900  }
0xbe: {  	[tilespmem:s26], [sflag:$0x1] =	stream.indirect_vreg.gather [hbm4b:s6+s2], $0x80, v4, vm0, $0xb8;
	[tilespmem:$0x10100] =	vst v63  }
0xbf: {  	s29 =	simm.s32 $0xE100  }
0xc0: {  	[tilespmem:s29], [sflag:$0x1] =	stream.indirect_vreg.gather [hbm4b:s3+s2], $0x80, v3, vm0, $0xb8;
	[tilespmem:$0x10100] =	vst v63  }
0xc1: {  	s26 =	simm.s32 $0xE900  }
0xc2: {  	[tilespmem:s26], [sflag:$0x1] =	stream.indirect_vreg.gather [hbm4b:s4+s2], $0x80, v3, vm0, $0xb8;
	[tilespmem:$0x10100] =	vst v63  }
0xc3: {  	s30 =	simm.s32 $0xF100  }
0xc4: {  	[tilespmem:s30], [sflag:$0x1] =	stream.indirect_vreg.gather [hbm4b:s5+s2], $0x80, v3, vm0, $0xb8;
	[tilespmem:$0x10100] =	vst v63  }
0xc5: {  	s17 =	simm.s32 $0xF900  }
0xc6: {  	[tilespmem:s17], [sflag:$0x1] =	stream.indirect_vreg.gather [hbm4b:s6+s2], $0x80, v3, vm0, $0xb8;
	[tilespmem:$0x10100] =	vst v63  }
0xc7: {  	_ =	swait.ge [sflag:s18], $0x10000  }
0xc8: {  	[sflag:s18] =	ssyncset.done $0x0  }
0xc9: {  	s17 =	rddreg [dreg:$0x4];
	[sflag:s18] =	ssyncadd.s32 $0xFFFF0000  }
0xca: {  	[hbm4b:s17+s2] =	stream.linear.scatter [tilespmem:s23], [sflag:$0x2], $0x10000, $0x38;
	[tilespmem:$0x10100] =	vst v63  }
0xcb: {  	_ =	swait.ge [sflag:s8], $0x10000  }
0xcc: {  	[sflag:s8] =	ssyncset.done $0x0  }
0xcd: {  	[sflag:s8] =	ssyncadd.s32 $0xFFFF0000  }
0xce: {  	v3 =	vld [tilespmem:$0x80];
	_ =	sdelay $0x4  }
0xcf: {  	v56 =	vshll.u32 v3, $0x3  }
0xd0: {  	v3 =	vand.u32 $0x7, v3;
	v4 =	vand.u32 $0xFFFFFFC0, v56  }
0xd1: {  	v3 =	vor.u32 v3, v4  }
0xd2: {  	v4 =	vperm.xlane v3, v0;
	_ =	sdelay $0x1  }
0xd3: {  	v4 =	vadd.s32 v1, v4;
	_ =	sdelay $0x4  }
0xd4: {  	[tilespmem:s23], [sflag:$0x1] =	stream.indirect_vreg.gather [hbm4b:s3+s2], $0x80, v4, vm0, $0xb8;
	[tilespmem:$0x10100] =	vst v63  }
0xd5: {  	s21 =	simm.s32 $0x900;
	v3 =	vperm.xlane v3, v2  }
0xd6: {  	[tilespmem:s21], [sflag:$0x1] =	stream.indirect_vreg.gather [hbm4b:s4+s2], $0x80, v4, vm0, $0xb8;
	[tilespmem:$0x10100] =	vst v63  }
0xd7: {  	s25 =	simm.s32 $0x1100;
	v3 =	vadd.s32 v1, v3  }
0xd8: {  	[tilespmem:s25], [sflag:$0x1] =	stream.indirect_vreg.gather [hbm4b:s5+s2], $0x80, v4, vm0, $0xb8;
	[tilespmem:$0x10100] =	vst v63  }
0xd9: {  	s19 =	simm.s32 $0x1900  }
0xda: {  	[tilespmem:s19], [sflag:$0x1] =	stream.indirect_vreg.gather [hbm4b:s6+s2], $0x80, v4, vm0, $0xb8;
	[tilespmem:$0x10100] =	vst v63  }
0xdb: {  	s25 =	simm.s32 $0x2100  }
0xdc: {  	[tilespmem:s25], [sflag:$0x1] =	stream.indirect_vreg.gather [hbm4b:s3+s2], $0x80, v3, vm0, $0xb8;
	[tilespmem:$0x10100] =	vst v63  }
0xdd: {  	s19 =	simm.s32 $0x2900  }
0xde: {  	[tilespmem:s19], [sflag:$0x1] =	stream.indirect_vreg.gather [hbm4b:s4+s2], $0x80, v3, vm0, $0xb8;
	[tilespmem:$0x10100] =	vst v63  }
0xdf: {  	s25 =	simm.s32 $0x3100  }
0xe0: {  	[tilespmem:s25], [sflag:$0x1] =	stream.indirect_vreg.gather [hbm4b:s5+s2], $0x80, v3, vm0, $0xb8;
	[tilespmem:$0x10100] =	vst v63  }
0xe1: {  	s19 =	simm.s32 $0x3900  }
0xe2: {  	[tilespmem:s19], [sflag:$0x1] =	stream.indirect_vreg.gather [hbm4b:s6+s2], $0x80, v3, vm0, $0xb8;
	[tilespmem:$0x10100] =	vst v63  }
0xe3: {  	v3 =	vld [tilespmem:$0x90];
	_ =	sdelay $0x4  }
0xe4: {  	v57 =	vshll.u32 v3, $0x3  }
0xe5: {  	v3 =	vand.u32 $0x7, v3;
	v4 =	vand.u32 $0xFFFFFFC0, v57  }
0xe6: {  	v3 =	vor.u32 v3, v4  }
0xe7: {  	v4 =	vperm.xlane v3, v0;
	_ =	sdelay $0x1  }
0xe8: {  	v4 =	vadd.s32 v1, v4;
	_ =	sdelay $0x4  }
0xe9: {  	[tilespmem:s16], [sflag:$0x1] =	stream.indirect_vreg.gather [hbm4b:s3+s2], $0x80, v4, vm0, $0xb8;
	[tilespmem:$0x10100] =	vst v63  }
0xea: {  	s25 =	simm.s32 $0x4900;
	v3 =	vperm.xlane v3, v2  }
0xeb: {  	[tilespmem:s25], [sflag:$0x1] =	stream.indirect_vreg.gather [hbm4b:s4+s2], $0x80, v4, vm0, $0xb8;
	[tilespmem:$0x10100] =	vst v63  }
0xec: {  	s19 =	simm.s32 $0x5100;
	v3 =	vadd.s32 v1, v3  }
0xed: {  	[tilespmem:s19], [sflag:$0x1] =	stream.indirect_vreg.gather [hbm4b:s5+s2], $0x80, v4, vm0, $0xb8;
	[tilespmem:$0x10100] =	vst v63  }
0xee: {  	_ = 	snop  }
0xef: {  	[tilespmem:s31], [sflag:$0x1] =	stream.indirect_vreg.gather [hbm4b:s6+s2], $0x80, v4, vm0, $0xb8;
	[tilespmem:$0x10100] =	vst v63  }
0xf0: {  	_ = 	snop  }
0xf1: {  	[tilespmem:s0], [sflag:$0x1] =	stream.indirect_vreg.gather [hbm4b:s3+s2], $0x80, v3, vm0, $0xb8;
	[tilespmem:$0x10100] =	vst v63  }
0xf2: {  	_ = 	snop  }
0xf3: {  	[tilespmem:s1], [sflag:$0x1] =	stream.indirect_vreg.gather [hbm4b:s4+s2], $0x80, v3, vm0, $0xb8;
	[tilespmem:$0x10100] =	vst v63  }
0xf4: {  	_ = 	snop  }
0xf5: {  	[tilespmem:s9], [sflag:$0x1] =	stream.indirect_vreg.gather [hbm4b:s5+s2], $0x80, v3, vm0, $0xb8;
	[tilespmem:$0x10100] =	vst v63  }
0xf6: {  	_ = 	snop  }
0xf7: {  	[tilespmem:s13], [sflag:$0x1] =	stream.indirect_vreg.gather [hbm4b:s6+s2], $0x80, v3, vm0, $0xb8;
	[tilespmem:$0x10100] =	vst v63  }
0xf8: {  	v3 =	vld [tilespmem:$0xA0];
	_ =	sdelay $0x4  }
0xf9: {  	v58 =	vshll.u32 v3, $0x3  }
0xfa: {  	v3 =	vand.u32 $0x7, v3;
	v4 =	vand.u32 $0xFFFFFFC0, v58  }
0xfb: {  	v3 =	vor.u32 v3, v4  }
0xfc: {  	v4 =	vperm.xlane v3, v0;
	_ =	sdelay $0x1  }
0xfd: {  	v4 =	vadd.s32 v1, v4;
	_ =	sdelay $0x4  }
0xfe: {  	[tilespmem:s14], [sflag:$0x1] =	stream.indirect_vreg.gather [hbm4b:s3+s2], $0x80, v4, vm0, $0xb8;
	[tilespmem:$0x10100] =	vst v63  }
0xff: {  	v3 =	vperm.xlane v3, v2  }
0x100: {  	[tilespmem:s15], [sflag:$0x1] =	stream.indirect_vreg.gather [hbm4b:s4+s2], $0x80, v4, vm0, $0xb8;
	[tilespmem:$0x10100] =	vst v63  }
0x101: {  	v3 =	vadd.s32 v1, v3  }
0x102: {  	[tilespmem:s10], [sflag:$0x1] =	stream.indirect_vreg.gather [hbm4b:s5+s2], $0x80, v4, vm0, $0xb8;
	[tilespmem:$0x10100] =	vst v63  }
0x103: {  	_ = 	snop  }
0x104: {  	[tilespmem:s11], [sflag:$0x1] =	stream.indirect_vreg.gather [hbm4b:s6+s2], $0x80, v4, vm0, $0xb8;
	[tilespmem:$0x10100] =	vst v63  }
0x105: {  	_ = 	snop  }
0x106: {  	[tilespmem:s12], [sflag:$0x1] =	stream.indirect_vreg.gather [hbm4b:s3+s2], $0x80, v3, vm0, $0xb8;
	[tilespmem:$0x10100] =	vst v63  }
0x107: {  	s24 =	simm.s32 $0xA900  }
0x108: {  	[tilespmem:s24], [sflag:$0x1] =	stream.indirect_vreg.gather [hbm4b:s4+s2], $0x80, v3, vm0, $0xb8;
	[tilespmem:$0x10100] =	vst v63  }
0x109: {  	s28 =	simm.s32 $0xB100  }
0x10a: {  	[tilespmem:s28], [sflag:$0x1] =	stream.indirect_vreg.gather [hbm4b:s5+s2], $0x80, v3, vm0, $0xb8;
	[tilespmem:$0x10100] =	vst v63  }
0x10b: {  	s24 =	simm.s32 $0xB900  }
0x10c: {  	[tilespmem:s24], [sflag:$0x1] =	stream.indirect_vreg.gather [hbm4b:s6+s2], $0x80, v3, vm0, $0xb8;
	[tilespmem:$0x10100] =	vst v63  }
0x10d: {  	v3 =	vld [tilespmem:$0xB0];
	_ =	sdelay $0x4  }
0x10e: {  	v59 =	vshll.u32 v3, $0x3  }
0x10f: {  	v3 =	vand.u32 $0x7, v3;
	v4 =	vand.u32 $0xFFFFFFC0, v59  }
0x110: {  	v3 =	vor.u32 v3, v4  }
0x111: {  	v4 =	vperm.xlane v3, v0;
	_ =	sdelay $0x1  }
0x112: {  	v4 =	vadd.s32 v1, v4;
	_ =	sdelay $0x3  }
0x113: {  	s25 =	simm.s32 $0xC100  }
0x114: {  	[tilespmem:s25], [sflag:$0x1] =	stream.indirect_vreg.gather [hbm4b:s3+s2], $0x80, v4, vm0, $0xb8;
	[tilespmem:$0x10100] =	vst v63  }
0x115: {  	s28 =	simm.s32 $0xC900;
	v3 =	vperm.xlane v3, v2  }
0x116: {  	[tilespmem:s28], [sflag:$0x1] =	stream.indirect_vreg.gather [hbm4b:s4+s2], $0x80, v4, vm0, $0xb8;
	[tilespmem:$0x10100] =	vst v63  }
0x117: {  	s20 =	simm.s32 $0xD100;
	v3 =	vadd.s32 v1, v3  }
0x118: {  	[tilespmem:s20], [sflag:$0x1] =	stream.indirect_vreg.gather [hbm4b:s5+s2], $0x80, v4, vm0, $0xb8;
	[tilespmem:$0x10100] =	vst v63  }
0x119: {  	s22 =	simm.s32 $0xD900  }
0x11a: {  	[tilespmem:s22], [sflag:$0x1] =	stream.indirect_vreg.gather [hbm4b:s6+s2], $0x80, v4, vm0, $0xb8;
	[tilespmem:$0x10100] =	vst v63  }
0x11b: {  	s29 =	simm.s32 $0xE100  }
0x11c: {  	[tilespmem:s29], [sflag:$0x1] =	stream.indirect_vreg.gather [hbm4b:s3+s2], $0x80, v3, vm0, $0xb8;
	[tilespmem:$0x10100] =	vst v63  }
0x11d: {  	s26 =	simm.s32 $0xE900  }
0x11e: {  	[tilespmem:s26], [sflag:$0x1] =	stream.indirect_vreg.gather [hbm4b:s4+s2], $0x80, v3, vm0, $0xb8;
	[tilespmem:$0x10100] =	vst v63  }
0x11f: {  	s30 =	simm.s32 $0xF100  }
0x120: {  	[tilespmem:s30], [sflag:$0x1] =	stream.indirect_vreg.gather [hbm4b:s5+s2], $0x80, v3, vm0, $0xb8;
	[tilespmem:$0x10100] =	vst v63  }
0x121: {  	s29 =	simm.s32 $0xF900  }
0x122: {  	[tilespmem:s29], [sflag:$0x1] =	stream.indirect_vreg.gather [hbm4b:s6+s2], $0x80, v3, vm0, $0xb8;
	[tilespmem:$0x10100] =	vst v63  }
0x123: {  	_ =	swait.ge [sflag:s18], $0x10000  }
0x124: {  	[sflag:s18] =	ssyncset.done $0x0  }
0x125: {  	s30 =	rddreg [dreg:$0x5];
	[sflag:s18] =	ssyncadd.s32 $0xFFFF0000  }
0x126: {  	[hbm4b:s30+s2] =	stream.linear.scatter [tilespmem:s23], [sflag:$0x2], $0x10000, $0x38;
	[tilespmem:$0x10100] =	vst v63  }
0x127: {  	_ =	swait.ge [sflag:s8], $0x10000  }
0x128: {  	[sflag:s8] =	ssyncset.done $0x0  }
0x129: {  	[sflag:s8] =	ssyncadd.s32 $0xFFFF0000  }
0x12a: {  	v3 =	vld [tilespmem:$0xC0];
	_ =	sdelay $0x4  }
0x12b: {  	v60 =	vshll.u32 v3, $0x3  }
0x12c: {  	v3 =	vand.u32 $0x7, v3;
	v4 =	vand.u32 $0xFFFFFFC0, v60  }
0x12d: {  	v3 =	vor.u32 v3, v4  }
0x12e: {  	v4 =	vperm.xlane v3, v0;
	_ =	sdelay $0x1  }
0x12f: {  	v4 =	vadd.s32 v1, v4;
	_ =	sdelay $0x4  }
0x130: {  	[tilespmem:s23], [sflag:$0x1] =	stream.indirect_vreg.gather [hbm4b:s3+s2], $0x80, v4, vm0, $0xb8;
	[tilespmem:$0x10100] =	vst v63  }
0x131: {  	s29 =	simm.s32 $0x900;
	v3 =	vperm.xlane v3, v2  }
0x132: {  	[tilespmem:s29], [sflag:$0x1] =	stream.indirect_vreg.gather [hbm4b:s4+s2], $0x80, v4, vm0, $0xb8;
	[tilespmem:$0x10100] =	vst v63  }
0x133: {  	s21 =	simm.s32 $0x1100;
	v3 =	vadd.s32 v1, v3  }
0x134: {  	[tilespmem:s21], [sflag:$0x1] =	stream.indirect_vreg.gather [hbm4b:s5+s2], $0x80, v4, vm0, $0xb8;
	[tilespmem:$0x10100] =	vst v63  }
0x135: {  	s30 =	simm.s32 $0x1900  }
0x136: {  	[tilespmem:s30], [sflag:$0x1] =	stream.indirect_vreg.gather [hbm4b:s6+s2], $0x80, v4, vm0, $0xb8;
	[tilespmem:$0x10100] =	vst v63  }
0x137: {  	s21 =	simm.s32 $0x2100  }
0x138: {  	[tilespmem:s21], [sflag:$0x1] =	stream.indirect_vreg.gather [hbm4b:s3+s2], $0x80, v3, vm0, $0xb8;
	[tilespmem:$0x10100] =	vst v63  }
0x139: {  	s29 =	simm.s32 $0x2900  }
0x13a: {  	[tilespmem:s29], [sflag:$0x1] =	stream.indirect_vreg.gather [hbm4b:s4+s2], $0x80, v3, vm0, $0xb8;
	[tilespmem:$0x10100] =	vst v63  }
0x13b: {  	s30 =	simm.s32 $0x3100  }
0x13c: {  	[tilespmem:s30], [sflag:$0x1] =	stream.indirect_vreg.gather [hbm4b:s5+s2], $0x80, v3, vm0, $0xb8;
	[tilespmem:$0x10100] =	vst v63  }
0x13d: {  	s21 =	simm.s32 $0x3900  }
0x13e: {  	[tilespmem:s21], [sflag:$0x1] =	stream.indirect_vreg.gather [hbm4b:s6+s2], $0x80, v3, vm0, $0xb8;
	[tilespmem:$0x10100] =	vst v63  }
0x13f: {  	v3 =	vld [tilespmem:$0xD0];
	_ =	sdelay $0x4  }
0x140: {  	v61 =	vshll.u32 v3, $0x3  }
0x141: {  	v3 =	vand.u32 $0x7, v3;
	v4 =	vand.u32 $0xFFFFFFC0, v61  }
0x142: {  	v3 =	vor.u32 v3, v4  }
0x143: {  	v4 =	vperm.xlane v3, v0;
	_ =	sdelay $0x1  }
0x144: {  	v4 =	vadd.s32 v1, v4;
	_ =	sdelay $0x3  }
0x145: {  	s16 =	simm.s32 $0x4100  }
0x146: {  	[tilespmem:s16], [sflag:$0x1] =	stream.indirect_vreg.gather [hbm4b:s3+s2], $0x80, v4, vm0, $0xb8;
	[tilespmem:$0x10100] =	vst v63  }
0x147: {  	s29 =	simm.s32 $0x4900;
	v3 =	vperm.xlane v3, v2  }
0x148: {  	[tilespmem:s29], [sflag:$0x1] =	stream.indirect_vreg.gather [hbm4b:s4+s2], $0x80, v4, vm0, $0xb8;
	[tilespmem:$0x10100] =	vst v63  }
0x149: {  	s30 =	simm.s32 $0x5100;
	v3 =	vadd.s32 v1, v3  }
0x14a: {  	[tilespmem:s30], [sflag:$0x1] =	stream.indirect_vreg.gather [hbm4b:s5+s2], $0x80, v4, vm0, $0xb8;
	[tilespmem:$0x10100] =	vst v63  }
0x14b: {  	s17 =	simm.s32 $0x5900  }
0x14c: {  	[tilespmem:s17], [sflag:$0x1] =	stream.indirect_vreg.gather [hbm4b:s6+s2], $0x80, v4, vm0, $0xb8;
	[tilespmem:$0x10100] =	vst v63  }
0x14d: {  	s0 =	simm.s32 $0x6100  }
0x14e: {  	[tilespmem:s0], [sflag:$0x1] =	stream.indirect_vreg.gather [hbm4b:s3+s2], $0x80, v3, vm0, $0xb8;
	[tilespmem:$0x10100] =	vst v63  }
0x14f: {  	s1 =	simm.s32 $0x6900  }
0x150: {  	[tilespmem:s1], [sflag:$0x1] =	stream.indirect_vreg.gather [hbm4b:s4+s2], $0x80, v3, vm0, $0xb8;
	[tilespmem:$0x10100] =	vst v63  }
0x151: {  	s9 =	simm.s32 $0x7100  }
0x152: {  	[tilespmem:s9], [sflag:$0x1] =	stream.indirect_vreg.gather [hbm4b:s5+s2], $0x80, v3, vm0, $0xb8;
	[tilespmem:$0x10100] =	vst v63  }
0x153: {  	s13 =	simm.s32 $0x7900  }
0x154: {  	[tilespmem:s13], [sflag:$0x1] =	stream.indirect_vreg.gather [hbm4b:s6+s2], $0x80, v3, vm0, $0xb8;
	[tilespmem:$0x10100] =	vst v63  }
0x155: {  	v3 =	vld [tilespmem:$0xE0];
	_ =	sdelay $0x4  }
0x156: {  	v62 =	vshll.u32 v3, $0x3  }
0x157: {  	v3 =	vand.u32 $0x7, v3;
	v4 =	vand.u32 $0xFFFFFFC0, v62  }
0x158: {  	v3 =	vor.u32 v3, v4  }
0x159: {  	v4 =	vperm.xlane v3, v0;
	_ =	sdelay $0x1  }
0x15a: {  	v4 =	vadd.s32 v1, v4;
	_ =	sdelay $0x3  }
0x15b: {  	s14 =	simm.s32 $0x8100  }
0x15c: {  	[tilespmem:s14], [sflag:$0x1] =	stream.indirect_vreg.gather [hbm4b:s3+s2], $0x80, v4, vm0, $0xb8;
	[tilespmem:$0x10100] =	vst v63  }
0x15d: {  	s15 =	simm.s32 $0x8900;
	v3 =	vperm.xlane v3, v2  }
0x15e: {  	[tilespmem:s15], [sflag:$0x1] =	stream.indirect_vreg.gather [hbm4b:s4+s2], $0x80, v4, vm0, $0xb8;
	[tilespmem:$0x10100] =	vst v63  }
0x15f: {  	s10 =	simm.s32 $0x9100;
	v3 =	vadd.s32 v1, v3  }
0x160: {  	[tilespmem:s10], [sflag:$0x1] =	stream.indirect_vreg.gather [hbm4b:s5+s2], $0x80, v4, vm0, $0xb8;
	[tilespmem:$0x10100] =	vst v63  }
0x161: {  	s11 =	simm.s32 $0x9900  }
0x162: {  	[tilespmem:s11], [sflag:$0x1] =	stream.indirect_vreg.gather [hbm4b:s6+s2], $0x80, v4, vm0, $0xb8;
	[tilespmem:$0x10100] =	vst v63  }
0x163: {  	s12 =	simm.s32 $0xA100  }
0x164: {  	[tilespmem:s12], [sflag:$0x1] =	stream.indirect_vreg.gather [hbm4b:s3+s2], $0x80, v3, vm0, $0xb8;
	[tilespmem:$0x10100] =	vst v63  }
0x165: {  	s31 =	simm.s32 $0xA900  }
0x166: {  	[tilespmem:s31], [sflag:$0x1] =	stream.indirect_vreg.gather [hbm4b:s4+s2], $0x80, v3, vm0, $0xb8;
	[tilespmem:$0x10100] =	vst v63  }
0x167: {  	s19 =	simm.s32 $0xB100  }
0x168: {  	[tilespmem:s19], [sflag:$0x1] =	stream.indirect_vreg.gather [hbm4b:s5+s2], $0x80, v3, vm0, $0xb8;
	[tilespmem:$0x10100] =	vst v63  }
0x169: {  	s21 =	simm.s32 $0xB900  }
0x16a: {  	[tilespmem:s21], [sflag:$0x1] =	stream.indirect_vreg.gather [hbm4b:s6+s2], $0x80, v3, vm0, $0xb8;
	[tilespmem:$0x10100] =	vst v63  }
0x16b: {  	v3 =	vld [tilespmem:$0xF0];
	_ =	sdelay $0x4  }
0x16c: {  	v63 =	vshll.u32 v3, $0x3  }
0x16d: {  	v3 =	vand.u32 $0x7, v3;
	v4 =	vand.u32 $0xFFFFFFC0, v63  }
0x16e: {  	v3 =	vor.u32 v3, v4  }
0x16f: {  	v4 =	vperm.xlane v3, v0;
	_ =	sdelay $0x1  }
0x170: {  	v4 =	vadd.s32 v1, v4;
	_ =	sdelay $0x3  }
0x171: {  	s29 =	simm.s32 $0xC100  }
0x172: {  	[tilespmem:s29], [sflag:$0x1] =	stream.indirect_vreg.gather [hbm4b:s3+s2], $0x80, v4, vm0, $0xb8;
	[tilespmem:$0x10100] =	vst v63  }
0x173: {  	s30 =	simm.s32 $0xC900;
	v3 =	vperm.xlane v3, v2  }
0x174: {  	[tilespmem:s30], [sflag:$0x1] =	stream.indirect_vreg.gather [hbm4b:s4+s2], $0x80, v4, vm0, $0xb8;
	[tilespmem:$0x10100] =	vst v63  }
0x175: {  	s28 =	simm.s32 $0xD100;
	v3 =	vadd.s32 v1, v3  }
0x176: {  	[tilespmem:s28], [sflag:$0x1] =	stream.indirect_vreg.gather [hbm4b:s5+s2], $0x80, v4, vm0, $0xb8;
	[tilespmem:$0x10100] =	vst v63  }
0x177: {  	s20 =	simm.s32 $0xD900  }
0x178: {  	[tilespmem:s20], [sflag:$0x1] =	stream.indirect_vreg.gather [hbm4b:s6+s2], $0x80, v4, vm0, $0xb8;
	[tilespmem:$0x10100] =	vst v63  }
0x179: {  	s24 =	simm.s32 $0xE100  }
0x17a: {  	[tilespmem:s24], [sflag:$0x1] =	stream.indirect_vreg.gather [hbm4b:s3+s2], $0x80, v3, vm0, $0xb8;
	[tilespmem:$0x10100] =	vst v63  }
0x17b: {  	s22 =	simm.s32 $0xE900  }
0x17c: {  	[tilespmem:s22], [sflag:$0x1] =	stream.indirect_vreg.gather [hbm4b:s4+s2], $0x80, v3, vm0, $0xb8;
	[tilespmem:$0x10100] =	vst v63  }
0x17d: {  	s25 =	simm.s32 $0xF100  }
0x17e: {  	[tilespmem:s25], [sflag:$0x1] =	stream.indirect_vreg.gather [hbm4b:s5+s2], $0x80, v3, vm0, $0xb8;
	[tilespmem:$0x10100] =	vst v63  }
0x17f: {  	s26 =	simm.s32 $0xF900  }
0x180: {  	[tilespmem:s26], [sflag:$0x1] =	stream.indirect_vreg.gather [hbm4b:s6+s2], $0x80, v3, vm0, $0xb8;
	[tilespmem:$0x10100] =	vst v63  }
0x181: {  	_ =	swait.ge [sflag:s18], $0x10000  }
0x182: {  	p0 =	sne.s32 s7, $0x1;
	[sflag:s18] =	ssyncset.done $0x0  }
.Ltmp0:
0x183: {  	s31 =	rddreg [dreg:$0x6];
	[sflag:s18] =	ssyncadd.s32 $0xFFFF0000;
	(pc) =	sbr.rel @p0 .LBB2_1-.Ltmp0, $4  }
0x184: {  	[hbm4b:s31+s2] =	stream.linear.scatter [tilespmem:s23], [sflag:$0x2], $0x10000, $0x38;
	[tilespmem:$0x10100] =	vst v63  }
0x185: {  	_ =	swait.ge [sflag:s8], $0x10000  }
0x186: {  	[sflag:s8] =	ssyncset.done $0x0  }
0x187: {  	s7 =	sadd.s32 $0xFFFFFFFF, s7;
	[sflag:s8] =	ssyncadd.s32 $0xFFFF0000  }
0x188: {  	_ =	sfence.sel $0x180000  }
0x189: {  	[bflag:$0x0] =	sbarrier.arrive $0xFFFF  }
0x18a: {  	_ =	strace $0x9000004D  }
0x18b: {  	s0 =	stileid.u32;
	[bflag:$0x2] =	sbarrier.arrive $0xFFFF  }
0x18c: {  	p0 =	sne.s32 s0, $0x0;
	s0 =	rddreg [dreg:$0x1]  }
0x18d: {  	s0 =	sadd.s32 @!p0 $0x100000, s0  }
0x18e: {  	[sflag:s0] =	ssyncadd.tile.s32 @!p0 $0x1;
	_ =	shalt  }
.Lfunc_end2:
_tile_overlayer_lowered:
.L_overlay_start_2:
0x18f: {  	(tag) =	ssettag $0x2  }
0x190: {  	s0 =	rddreg [dreg:$0x0];
	s2 =	stileid.u32  }
0x191: {  	s1 =	rddreg [dreg:$0x1];
	p0 =	sne.s32 s2, $0x0  }
0x192: {  	s3 =	rddreg [dreg:$0x2];
	[bflag:$0x3] =	sbarrier.arrive $0xFFFF;
	s2 =	simm.s32 @!p0 $0x1C02  }
0x193: {  	[timem:s3], [sflag:s2] =	dma.local @!p0 [hbm:s0], s1  }
0x194: {  	s0 =	simm.s32 @!p0 $0x2  }
0x195: {  	_ =	swait.ge @!p0 [sflag:s0], s1  }
0x196: {  	s1 =	ssub.s32 @!p0 $0x0, s1;
	[sflag:s0] =	ssyncset.done @!p0 $0x0  }
0x197: {  	[sflag:s0] =	ssyncadd.s32 @!p0 s1  }
0x198: {  	[bflag:$0x3] =	sbarrier.arrive $0xFFFF  }
0x199: {  	_ =	shalt  }

</sc_bundles>
